<compile_context>
chip_gen: v7x
topology: tpu7x:2x2x1
jax: 0.10.2.dev20260603
libtpu: 0.0.44.dev20260713+nightly
codegen_flags: <defaults>
</compile_context>

<pallas_src>
import functools

import jax
import jax.numpy as jnp
from jax import lax
from jax.experimental import pallas as pl
from jax.experimental.pallas import tpu as pltpu
from jax.experimental.pallas import tpu_sc as plsc


def _prep_body(idx_ref, src_ref, rowT_ref, srcT_ref):
    rowT_ref[...] = idx_ref[...].T
    srcT_ref[...] = src_ref[...].T


_GROUPS = 16
_GCOLS = 8
_CHUNK = 8192


def _make_sc_scatter(m, d, b, nw):
    mesh = plsc.VectorSubcoreMesh(core_axis_name="c", subcore_axis_name="s")
    bands = 10
    rows_band = m // bands
    n_tiles = _GROUPS * bands
    tiles_per_w = n_tiles // nw
    chunks_per_col = b // _CHUNK
    n_chunks = _GCOLS * chunks_per_col
    nv = _CHUNK // 16

    @functools.partial(
        pl.kernel,
        mesh=mesh,
        out_type=jax.ShapeDtypeStruct((m, d), jnp.float32),
        compiler_params=pltpu.CompilerParams(
            needs_layout_passes=False, use_tc_tiling_on_sc=False,
            disable_bounds_checks=True),
        scratch_types=[
            pltpu.VMEM((rows_band, _GCOLS), jnp.float32),
            pltpu.VMEM((_CHUNK,), jnp.int32),
            pltpu.VMEM((_CHUNK,), jnp.int32),
            pltpu.VMEM((_CHUNK,), jnp.float32),
            pltpu.VMEM((_CHUNK,), jnp.float32),
            pltpu.SemaphoreType.DMA,
            pltpu.SemaphoreType.DMA,
            pltpu.SemaphoreType.DMA,
            pltpu.SemaphoreType.DMA,
        ],
    )
    def _sc(x_ref, rowT_ref, srcT_ref, out_ref,
            tile_v, rb0, rb1, vb0, vb1, sr0, sr1, sv0, sv1):
        c = lax.axis_index("c")
        s = lax.axis_index("s")
        w = s * 2 + c

        def chunk_off(g, q):
            col = q // chunks_per_col
            hc = lax.rem(q, chunks_per_col)
            return (g * _GCOLS + col) * b + hc * _CHUNK

        def prime(g):
            pltpu.async_copy(rowT_ref.at[pl.ds(chunk_off(g, 0), _CHUNK)],
                             rb0, sr0)
            pltpu.async_copy(srcT_ref.at[pl.ds(chunk_off(g, 0), _CHUNK)],
                             vb0, sv0)
            pltpu.async_copy(rowT_ref.at[pl.ds(chunk_off(g, 1), _CHUNK)],
                             rb1, sr1)
            pltpu.async_copy(srcT_ref.at[pl.ds(chunk_off(g, 1), _CHUNK)],
                             vb1, sv1)

        def tgeom(i):
            tid = w + nw * i
            g = lax.rem(tid, _GROUPS)
            band = tid // _GROUPS
            return g, band * rows_band, g * _GCOLS

        prime(tgeom(0)[0])
        for i in range(tiles_per_w):
            g, b0, c0 = tgeom(i)

            pltpu.sync_copy(
                x_ref.at[pl.ds(b0, rows_band), pl.ds(c0, _GCOLS)], tile_v)

            @pl.loop(0, n_chunks // 2)
            def _pair(p):
                for ph, (rb, vb, sr, sv) in enumerate(
                        ((rb0, vb0, sr0, sv0), (rb1, vb1, sr1, sv1))):
                    q = 2 * p + ph
                    col = q // chunks_per_col
                    pltpu.make_async_copy(
                        rowT_ref.at[pl.ds(0, _CHUNK)], rb, sr).wait()
                    pltpu.make_async_copy(
                        srcT_ref.at[pl.ds(0, _CHUNK)], vb, sv).wait()

                    @pl.loop(0, nv // 8)
                    def _vec(tt):
                        rs, vs = [], []
                        for j in range(8):
                            sl = pl.ds((tt * 8 + j) * 16, 16)
                            rs.append(rb[sl])
                            vs.append(vb[sl])
                        c16 = jnp.full((16,), col, jnp.int32)
                        for j in range(8):
                            r16 = rs[j]
                            rr = r16 - b0
                            inb = rr.astype(jnp.uint32) < jnp.uint32(
                                rows_band)
                            plsc.store_scatter(
                                tile_v, [rr, c16], vs[j], mask=inb)

                    nq = q + 2

                    @pl.when(nq < n_chunks)
                    def _():
                        off = chunk_off(g, nq)
                        pltpu.async_copy(
                            rowT_ref.at[pl.ds(off, _CHUNK)], rb, sr)
                        pltpu.async_copy(
                            srcT_ref.at[pl.ds(off, _CHUNK)], vb, sv)

            if i + 1 < tiles_per_w:
                prime(tgeom(i + 1)[0])
            pltpu.sync_copy(
                tile_v, out_ref.at[pl.ds(b0, rows_band), pl.ds(c0, _GCOLS)])

    return _sc


def kernel(x, index, src):
    m, d = x.shape
    b = index.shape[0]
    assert d == 128 and b % 128 == 0

    idx32 = index.astype(jnp.int32)

    bt = 2048
    prep = pl.pallas_call(
        _prep_body,
        grid=(b // bt,),
        in_specs=[
            pl.BlockSpec((bt, d), lambda i: (i, 0)),
            pl.BlockSpec((bt, d), lambda i: (i, 0)),
        ],
        out_specs=[
            pl.BlockSpec((d, bt), lambda i: (0, i)),
            pl.BlockSpec((d, bt), lambda i: (0, i)),
        ],
        out_shape=[
            jax.ShapeDtypeStruct((d, b), jnp.int32),
            jax.ShapeDtypeStruct((d, b), jnp.float32),
        ],
    )
    row_t, src_t = prep(idx32, src)

    total = d * b
    sc_scatter = _make_sc_scatter(m, d, b, 32)
    return sc_scatter(x, row_t.reshape(total), src_t.reshape(total))

# --- scband reference (transcript-rebuilt; emitter-appended) ---
"""Pipeline reference for scband-scatter-elements-1288490189240 (READ-ONLY COPY).

The authoritative reference and input builder live on the scoring server;
editing this copy changes nothing except your own understanding.
"""

import jax, jax.numpy as jnp
import numpy as np

M, B, D = 100000, 16384, 128

def setup_inputs(seed: int = 0) -> dict:
    key = jax.random.key(seed)
    k1, k2, k3 = jax.random.split(key, 3)
    x = jax.random.normal(k1, (M, D), dtype=jnp.float32)
    index = jax.random.randint(k2, (B, D), 0, M, dtype=jnp.int64)
    src = jax.random.normal(k3, (B, D), dtype=jnp.float32)
    return {"x": x, "index": index, "src": src}

def reference(x, index, src):
    # torch scatter_ with dim=0 (no reduce): out[index[i,j], j] = src[i,j]
    cols = jnp.broadcast_to(jnp.arange(x.shape[1])[None, :], index.shape)
    out = x.at[index, cols].set(src)
    return out

if __name__ == "__main__":
    import jax
    _d = setup_inputs()
    print(jax.jit(kernel)(*tuple(_d.values())))

</pallas_src>

<mosaic_0001>
#map = affine_map<(d0, d1) -> (0, 0)>
#map1 = affine_map<(d0, d1) -> (0)>
module attributes {stable_mosaic.version = 14 : i64} {
  func.func @_sc(%arg0: i32, %arg1: i32, %arg2: memref<100000x128xf32, #tpu.memory_space<hbm>>, %arg3: memref<2097152xi32, #tpu.memory_space<hbm>>, %arg4: memref<2097152xf32, #tpu.memory_space<hbm>>, %arg5: memref<100000x128xf32, #tpu.memory_space<hbm>>, %arg6: memref<10000x8xf32, #tpu.memory_space<vmem>>, %arg7: memref<8192xi32, #tpu.memory_space<vmem>>, %arg8: memref<8192xi32, #tpu.memory_space<vmem>>, %arg9: memref<8192xf32, #tpu.memory_space<vmem>>, %arg10: memref<8192xf32, #tpu.memory_space<vmem>>, %arg11: memref<!tpu.dma_semaphore, #tpu.memory_space<semaphore_mem>>, %arg12: memref<!tpu.dma_semaphore, #tpu.memory_space<semaphore_mem>>, %arg13: memref<!tpu.dma_semaphore, #tpu.memory_space<semaphore_mem>>, %arg14: memref<!tpu.dma_semaphore, #tpu.memory_space<semaphore_mem>>) attributes {dimension_semantics = [#tpu.dimension_semantics<core_parallel>, #tpu.dimension_semantics<subcore_parallel>], iteration_bounds = array<i64: 2, 16>, scalar_prefetch = 0 : i64, scratch_operands = 9 : i64, tpu.core_type = #tpu.core_type<sc_vector_subcore>, window_params = [{transform_indices = #map}, {transform_indices = #map1}, {transform_indices = #map1}, {transform_indices = #map}]} {
    %mul3A = arith.constant 2 : i32
    %mul3A_0 = arith.muli %arg1, %mul3A : i32
    %add3A = arith.addi %mul3A_0, %arg0 : i32
    %add3A_1 = arith.constant 0 : i32
    %add3A_2 = arith.addi %add3A, %add3A_1 : i32
    %rem3A = arith.constant 16 : i32
    %rem3A_3 = arith.remsi %add3A_2, %rem3A : i32
    %jit3A = arith.constant 16 : i32
    %div3A = arith.divsi %add3A_2, %jit3A : i32
    %sign3A = arith.constant 0 : i32
    %sign3A_4 = arith.cmpi sgt, %add3A_2, %sign3A : i32
    %sign3A_5 = arith.extui %sign3A_4 : i1 to i32
    %sign3A_6 = arith.constant 0 : i32
    %sign3A_7 = arith.cmpi slt, %add3A_2, %sign3A_6 : i32
    %sign3A_8 = arith.extui %sign3A_7 : i1 to i32
    %sign3A_9 = arith.subi %sign3A_5, %sign3A_8 : i32
    %sign3A_10 = arith.constant 0 : i32
    %sign3A_11 = arith.cmpi sgt, %jit3A, %sign3A_10 : i32
    %sign3A_12 = arith.extui %sign3A_11 : i1 to i32
    %sign3A_13 = arith.constant 0 : i32
    %sign3A_14 = arith.cmpi slt, %jit3A, %sign3A_13 : i32
    %sign3A_15 = arith.extui %sign3A_14 : i1 to i32
    %sign3A_16 = arith.subi %sign3A_12, %sign3A_15 : i32
    %ne3A = arith.cmpi ne, %sign3A_9, %sign3A_16 : i32
    %rem3A_17 = arith.remsi %add3A_2, %jit3A : i32
    %ne3A_18 = arith.constant 0 : i32
    %ne3A_19 = arith.cmpi ne, %rem3A_17, %ne3A_18 : i32
    %and3A = arith.andi %ne3A, %ne3A_19 : i1
    %sub3A = arith.constant 1 : i32
    %sub3A_20 = arith.subi %div3A, %sub3A : i32
    %select_n3A = arith.select %and3A, %sub3A_20, %div3A : i32
    %mul3A_21 = arith.constant 10000 : i32
    %mul3A_22 = arith.muli %select_n3A, %mul3A_21 : i32
    %mul3A_23 = arith.constant 8 : i32
    %mul3A_24 = arith.muli %rem3A_3, %mul3A_23 : i32
    %rem3A_25 = arith.constant 0 : i32
    %rem3A_26 = arith.constant 2 : i32
    %rem3A_27 = arith.remsi %rem3A_25, %rem3A_26 : i32
    %mul3A_28 = arith.constant 8 : i32
    %mul3A_29 = arith.muli %rem3A_3, %mul3A_28 : i32
    %add3A_30 = arith.constant 0 : i32
    %add3A_31 = arith.addi %mul3A_29, %add3A_30 : i32
    %mul3A_32 = arith.constant 16384 : i32
    %mul3A_33 = arith.muli %add3A_31, %mul3A_32 : i32
    %mul3A_34 = arith.constant 8192 : i32
    %mul3A_35 = arith.muli %rem3A_27, %mul3A_34 : i32
    %add3A_36 = arith.addi %mul3A_33, %mul3A_35 : i32
    %dma_start3A = tpu.memref_slice %arg3[%add3A_36] : memref<2097152xi32, #tpu.memory_space<hbm>> -> memref<8192xi32, #tpu.memory_space<hbm>>
    %dma_start3A_37 = tpu.memref_slice %arg3[%add3A_36] : memref<2097152xi32, #tpu.memory_space<hbm>> -> memref<8192xi32, #tpu.memory_space<hbm>>
    tpu.enqueue_dma source(%dma_start3A_37 : memref<8192xi32, #tpu.memory_space<hbm>>) target(%arg7 : memref<8192xi32, #tpu.memory_space<vmem>>) target_semaphore(%arg11 : memref<!tpu.dma_semaphore, #tpu.memory_space<semaphore_mem>>)
    %rem3A_38 = arith.constant 0 : i32
    %rem3A_39 = arith.constant 2 : i32
    %rem3A_40 = arith.remsi %rem3A_38, %rem3A_39 : i32
    %mul3A_41 = arith.constant 8 : i32
    %mul3A_42 = arith.muli %rem3A_3, %mul3A_41 : i32
    %add3A_43 = arith.constant 0 : i32
    %add3A_44 = arith.addi %mul3A_42, %add3A_43 : i32
    %mul3A_45 = arith.constant 16384 : i32
    %mul3A_46 = arith.muli %add3A_44, %mul3A_45 : i32
    %mul3A_47 = arith.constant 8192 : i32
    %mul3A_48 = arith.muli %rem3A_40, %mul3A_47 : i32
    %add3A_49 = arith.addi %mul3A_46, %mul3A_48 : i32
    %dma_start3A_50 = tpu.memref_slice %arg4[%add3A_49] : memref<2097152xf32, #tpu.memory_space<hbm>> -> memref<8192xf32, #tpu.memory_space<hbm>>
    %dma_start3A_51 = tpu.memref_slice %arg4[%add3A_49] : memref<2097152xf32, #tpu.memory_space<hbm>> -> memref<8192xf32, #tpu.memory_space<hbm>>
    tpu.enqueue_dma source(%dma_start3A_51 : memref<8192xf32, #tpu.memory_space<hbm>>) target(%arg9 : memref<8192xf32, #tpu.memory_space<vmem>>) target_semaphore(%arg13 : memref<!tpu.dma_semaphore, #tpu.memory_space<semaphore_mem>>)
    %rem3A_52 = arith.constant 1 : i32
    %rem3A_53 = arith.constant 2 : i32
    %rem3A_54 = arith.remsi %rem3A_52, %rem3A_53 : i32
    %mul3A_55 = arith.constant 8 : i32
    %mul3A_56 = arith.muli %rem3A_3, %mul3A_55 : i32
    %add3A_57 = arith.constant 0 : i32
    %add3A_58 = arith.addi %mul3A_56, %add3A_57 : i32
    %mul3A_59 = arith.constant 16384 : i32
    %mul3A_60 = arith.muli %add3A_58, %mul3A_59 : i32
    %mul3A_61 = arith.constant 8192 : i32
    %mul3A_62 = arith.muli %rem3A_54, %mul3A_61 : i32
    %add3A_63 = arith.addi %mul3A_60, %mul3A_62 : i32
    %dma_start3A_64 = tpu.memref_slice %arg3[%add3A_63] : memref<2097152xi32, #tpu.memory_space<hbm>> -> memref<8192xi32, #tpu.memory_space<hbm>>
    %dma_start3A_65 = tpu.memref_slice %arg3[%add3A_63] : memref<2097152xi32, #tpu.memory_space<hbm>> -> memref<8192xi32, #tpu.memory_space<hbm>>
    tpu.enqueue_dma source(%dma_start3A_65 : memref<8192xi32, #tpu.memory_space<hbm>>) target(%arg8 : memref<8192xi32, #tpu.memory_space<vmem>>) target_semaphore(%arg12 : memref<!tpu.dma_semaphore, #tpu.memory_space<semaphore_mem>>)
    %rem3A_66 = arith.constant 1 : i32
    %rem3A_67 = arith.constant 2 : i32
    %rem3A_68 = arith.remsi %rem3A_66, %rem3A_67 : i32
    %mul3A_69 = arith.constant 8 : i32
    %mul3A_70 = arith.muli %rem3A_3, %mul3A_69 : i32
    %add3A_71 = arith.constant 0 : i32
    %add3A_72 = arith.addi %mul3A_70, %add3A_71 : i32
    %mul3A_73 = arith.constant 16384 : i32
    %mul3A_74 = arith.muli %add3A_72, %mul3A_73 : i32
    %mul3A_75 = arith.constant 8192 : i32
    %mul3A_76 = arith.muli %rem3A_68, %mul3A_75 : i32
    %add3A_77 = arith.addi %mul3A_74, %mul3A_76 : i32
    %dma_start3A_78 = tpu.memref_slice %arg4[%add3A_77] : memref<2097152xf32, #tpu.memory_space<hbm>> -> memref<8192xf32, #tpu.memory_space<hbm>>
    %dma_start3A_79 = tpu.memref_slice %arg4[%add3A_77] : memref<2097152xf32, #tpu.memory_space<hbm>> -> memref<8192xf32, #tpu.memory_space<hbm>>
    tpu.enqueue_dma source(%dma_start3A_79 : memref<8192xf32, #tpu.memory_space<hbm>>) target(%arg10 : memref<8192xf32, #tpu.memory_space<vmem>>) target_semaphore(%arg14 : memref<!tpu.dma_semaphore, #tpu.memory_space<semaphore_mem>>)
    %add3A_80 = arith.constant 0 : i32
    %add3A_81 = arith.addi %add3A, %add3A_80 : i32
    %rem3A_82 = arith.constant 16 : i32
    %rem3A_83 = arith.remsi %add3A_81, %rem3A_82 : i32
    %jit3A_84 = arith.constant 16 : i32
    %div3A_85 = arith.divsi %add3A_81, %jit3A_84 : i32
    %sign3A_86 = arith.constant 0 : i32
    %sign3A_87 = arith.cmpi sgt, %add3A_81, %sign3A_86 : i32
    %sign3A_88 = arith.extui %sign3A_87 : i1 to i32
    %sign3A_89 = arith.constant 0 : i32
    %sign3A_90 = arith.cmpi slt, %add3A_81, %sign3A_89 : i32
    %sign3A_91 = arith.extui %sign3A_90 : i1 to i32
    %sign3A_92 = arith.subi %sign3A_88, %sign3A_91 : i32
    %sign3A_93 = arith.constant 0 : i32
    %sign3A_94 = arith.cmpi sgt, %jit3A_84, %sign3A_93 : i32
    %sign3A_95 = arith.extui %sign3A_94 : i1 to i32
    %sign3A_96 = arith.constant 0 : i32
    %sign3A_97 = arith.cmpi slt, %jit3A_84, %sign3A_96 : i32
    %sign3A_98 = arith.extui %sign3A_97 : i1 to i32
    %sign3A_99 = arith.subi %sign3A_95, %sign3A_98 : i32
    %ne3A_100 = arith.cmpi ne, %sign3A_92, %sign3A_99 : i32
    %rem3A_101 = arith.remsi %add3A_81, %jit3A_84 : i32
    %ne3A_102 = arith.constant 0 : i32
    %ne3A_103 = arith.cmpi ne, %rem3A_101, %ne3A_102 : i32
    %and3A_104 = arith.andi %ne3A_100, %ne3A_103 : i1
    %sub3A_105 = arith.constant 1 : i32
    %sub3A_106 = arith.subi %div3A_85, %sub3A_105 : i32
    %select_n3A_107 = arith.select %and3A_104, %sub3A_106, %div3A_85 : i32
    %mul3A_108 = arith.constant 10000 : i32
    %mul3A_109 = arith.muli %select_n3A_107, %mul3A_108 : i32
    %mul3A_110 = arith.constant 8 : i32
    %mul3A_111 = arith.muli %rem3A_83, %mul3A_110 : i32
    "tpu.region"() ({
      %run_scoped3A = tpu.sem_alloc : memref<!tpu.dma_semaphore, #tpu.memory_space<semaphore_mem>>
      %dma_start3A_616 = tpu.memref_slice %arg2[%mul3A_109, %mul3A_111] : memref<100000x128xf32, #tpu.memory_space<hbm>> -> memref<10000x8xf32, #tpu.memory_space<hbm>>
      %dma_start3A_617 = tpu.memref_slice %arg2[%mul3A_109, %mul3A_111] : memref<100000x128xf32, #tpu.memory_space<hbm>> -> memref<10000x8xf32, #tpu.memory_space<hbm>>
      tpu.enqueue_dma source(%dma_start3A_617 : memref<10000x8xf32, #tpu.memory_space<hbm>>) target(%arg6 : memref<10000x8xf32, #tpu.memory_space<vmem>>) target_semaphore(%run_scoped3A : memref<!tpu.dma_semaphore, #tpu.memory_space<semaphore_mem>>)
      %dma_wait3A = tpu.memref_slice %arg2[%mul3A_109, %mul3A_111] : memref<100000x128xf32, #tpu.memory_space<hbm>> -> memref<10000x8xf32, #tpu.memory_space<hbm>>
      %dma_wait3A_618 = tpu.memref_slice %arg2[%mul3A_109, %mul3A_111] : memref<100000x128xf32, #tpu.memory_space<hbm>> -> memref<10000x8xf32, #tpu.memory_space<hbm>>
      tpu.wait_dma2 semaphore(%run_scoped3A : memref<!tpu.dma_semaphore, #tpu.memory_space<semaphore_mem>>) src(%dma_wait3A_618 : memref<10000x8xf32, #tpu.memory_space<hbm>>) dst(%arg6 : memref<10000x8xf32, #tpu.memory_space<vmem>>)
      tpu.yield
    }) : () -> ()
    %scan3A = arith.constant 0 : i32
    %scan3A_112 = arith.constant 8 : i32
    %scan3A_113 = arith.addi %scan3A, %scan3A_112 : i32
    %scan3A_114 = arith.constant 1 : i32
    scf.for %scan3A_616 = %scan3A to %scan3A_113 step %scan3A_114  : i32 {
      %mul3A_617 = arith.constant 1 : i32
      %mul3A_618 = arith.muli %scan3A_616, %mul3A_617 : i32
      %add3A_619 = arith.constant 0 : i32
      %add3A_620 = arith.addi %add3A_619, %mul3A_618 : i32
      %mul3A_621 = arith.constant 2 : i32
      %mul3A_622 = arith.muli %mul3A_621, %add3A_620 : i32
      %add3A_623 = arith.constant 0 : i32
      %add3A_624 = arith.addi %mul3A_622, %add3A_623 : i32
      %jit3A_625 = arith.constant 2 : i32
      %div3A_626 = arith.divsi %add3A_624, %jit3A_625 : i32
      %sign3A_627 = arith.constant 0 : i32
      %sign3A_628 = arith.cmpi sgt, %add3A_624, %sign3A_627 : i32
      %sign3A_629 = arith.extui %sign3A_628 : i1 to i32
      %sign3A_630 = arith.constant 0 : i32
      %sign3A_631 = arith.cmpi slt, %add3A_624, %sign3A_630 : i32
      %sign3A_632 = arith.extui %sign3A_631 : i1 to i32
      %sign3A_633 = arith.subi %sign3A_629, %sign3A_632 : i32
      %sign3A_634 = arith.constant 0 : i32
      %sign3A_635 = arith.cmpi sgt, %jit3A_625, %sign3A_634 : i32
      %sign3A_636 = arith.extui %sign3A_635 : i1 to i32
      %sign3A_637 = arith.constant 0 : i32
      %sign3A_638 = arith.cmpi slt, %jit3A_625, %sign3A_637 : i32
      %sign3A_639 = arith.extui %sign3A_638 : i1 to i32
      %sign3A_640 = arith.subi %sign3A_636, %sign3A_639 : i32
      %ne3A_641 = arith.cmpi ne, %sign3A_633, %sign3A_640 : i32
      %rem3A_642 = arith.remsi %add3A_624, %jit3A_625 : i32
      %ne3A_643 = arith.constant 0 : i32
      %ne3A_644 = arith.cmpi ne, %rem3A_642, %ne3A_643 : i32
      %and3A_645 = arith.andi %ne3A_641, %ne3A_644 : i1
      %sub3A_646 = arith.constant 1 : i32
      %sub3A_647 = arith.subi %div3A_626, %sub3A_646 : i32
      %select_n3A_648 = arith.select %and3A_645, %sub3A_647, %div3A_626 : i32
      %dma_wait3A = arith.constant 0 : i32
      %dma_wait3A_649 = tpu.memref_slice %arg3[%dma_wait3A] : memref<2097152xi32, #tpu.memory_space<hbm>> -> memref<8192xi32, #tpu.memory_space<hbm>>
      %dma_wait3A_650 = arith.constant 0 : i32
      %dma_wait3A_651 = tpu.memref_slice %arg3[%dma_wait3A_650] : memref<2097152xi32, #tpu.memory_space<hbm>> -> memref<8192xi32, #tpu.memory_space<hbm>>
      tpu.wait_dma2 semaphore(%arg11 : memref<!tpu.dma_semaphore, #tpu.memory_space<semaphore_mem>>) src(%dma_wait3A_651 : memref<8192xi32, #tpu.memory_space<hbm>>) dst(%arg7 : memref<8192xi32, #tpu.memory_space<vmem>>)
      %dma_wait3A_652 = arith.constant 0 : i32
      %dma_wait3A_653 = tpu.memref_slice %arg4[%dma_wait3A_652] : memref<2097152xf32, #tpu.memory_space<hbm>> -> memref<8192xf32, #tpu.memory_space<hbm>>
      %dma_wait3A_654 = arith.constant 0 : i32
      %dma_wait3A_655 = tpu.memref_slice %arg4[%dma_wait3A_654] : memref<2097152xf32, #tpu.memory_space<hbm>> -> memref<8192xf32, #tpu.memory_space<hbm>>
      tpu.wait_dma2 semaphore(%arg13 : memref<!tpu.dma_semaphore, #tpu.memory_space<semaphore_mem>>) src(%dma_wait3A_655 : memref<8192xf32, #tpu.memory_space<hbm>>) dst(%arg9 : memref<8192xf32, #tpu.memory_space<vmem>>)
      %scan3A_656 = arith.constant 0 : i32
      %scan3A_657 = arith.constant 64 : i32
      %scan3A_658 = arith.addi %scan3A_656, %scan3A_657 : i32
      %scan3A_659 = arith.constant 1 : i32
      scf.for %scan3A_713 = %scan3A_656 to %scan3A_658 step %scan3A_659  : i32 {
        %mul3A_714 = arith.constant 1 : i32
        %mul3A_715 = arith.muli %scan3A_713, %mul3A_714 : i32
        %add3A_716 = arith.constant 0 : i32
        %add3A_717 = arith.addi %add3A_716, %mul3A_715 : i32
        %mul3A_718 = arith.constant 8 : i32
        %mul3A_719 = arith.muli %add3A_717, %mul3A_718 : i32
        %add3A_720 = arith.constant 0 : i32
        %add3A_721 = arith.addi %mul3A_719, %add3A_720 : i32
        %mul3A_722 = arith.constant 16 : i32
        %mul3A_723 = arith.muli %add3A_721, %mul3A_722 : i32
        %get3A = arith.index_cast %mul3A_723 : i32 to index
        %get3A_724 = tpu.vector_load %arg7[%get3A] {strides = array<i32>} : memref<8192xi32, #tpu.memory_space<vmem>>, vector<16xi32>,
        %get3A_725 = arith.index_cast %mul3A_723 : i32 to index
        %get3A_726 = tpu.vector_load %arg9[%get3A_725] {strides = array<i32>} : memref<8192xf32, #tpu.memory_space<vmem>>, vector<16xf32>,
        %mul3A_727 = arith.constant 8 : i32
        %mul3A_728 = arith.muli %add3A_717, %mul3A_727 : i32
        %add3A_729 = arith.constant 1 : i32
        %add3A_730 = arith.addi %mul3A_728, %add3A_729 : i32
        %mul3A_731 = arith.constant 16 : i32
        %mul3A_732 = arith.muli %add3A_730, %mul3A_731 : i32
        %get3A_733 = arith.index_cast %mul3A_732 : i32 to index
        %get3A_734 = tpu.vector_load %arg7[%get3A_733] {strides = array<i32>} : memref<8192xi32, #tpu.memory_space<vmem>>, vector<16xi32>,
        %get3A_735 = arith.index_cast %mul3A_732 : i32 to index
        %get3A_736 = tpu.vector_load %arg9[%get3A_735] {strides = array<i32>} : memref<8192xf32, #tpu.memory_space<vmem>>, vector<16xf32>,
        %mul3A_737 = arith.constant 8 : i32
        %mul3A_738 = arith.muli %add3A_717, %mul3A_737 : i32
        %add3A_739 = arith.constant 2 : i32
        %add3A_740 = arith.addi %mul3A_738, %add3A_739 : i32
        %mul3A_741 = arith.constant 16 : i32
        %mul3A_742 = arith.muli %add3A_740, %mul3A_741 : i32
        %get3A_743 = arith.index_cast %mul3A_742 : i32 to index
        %get3A_744 = tpu.vector_load %arg7[%get3A_743] {strides = array<i32>} : memref<8192xi32, #tpu.memory_space<vmem>>, vector<16xi32>,
        %get3A_745 = arith.index_cast %mul3A_742 : i32 to index
        %get3A_746 = tpu.vector_load %arg9[%get3A_745] {strides = array<i32>} : memref<8192xf32, #tpu.memory_space<vmem>>, vector<16xf32>,
        %mul3A_747 = arith.constant 8 : i32
        %mul3A_748 = arith.muli %add3A_717, %mul3A_747 : i32
        %add3A_749 = arith.constant 3 : i32
        %add3A_750 = arith.addi %mul3A_748, %add3A_749 : i32
        %mul3A_751 = arith.constant 16 : i32
        %mul3A_752 = arith.muli %add3A_750, %mul3A_751 : i32
        %get3A_753 = arith.index_cast %mul3A_752 : i32 to index
        %get3A_754 = tpu.vector_load %arg7[%get3A_753] {strides = array<i32>} : memref<8192xi32, #tpu.memory_space<vmem>>, vector<16xi32>,
        %get3A_755 = arith.index_cast %mul3A_752 : i32 to index
        %get3A_756 = tpu.vector_load %arg9[%get3A_755] {strides = array<i32>} : memref<8192xf32, #tpu.memory_space<vmem>>, vector<16xf32>,
        %mul3A_757 = arith.constant 8 : i32
        %mul3A_758 = arith.muli %add3A_717, %mul3A_757 : i32
        %add3A_759 = arith.constant 4 : i32
        %add3A_760 = arith.addi %mul3A_758, %add3A_759 : i32
        %mul3A_761 = arith.constant 16 : i32
        %mul3A_762 = arith.muli %add3A_760, %mul3A_761 : i32
        %get3A_763 = arith.index_cast %mul3A_762 : i32 to index
        %get3A_764 = tpu.vector_load %arg7[%get3A_763] {strides = array<i32>} : memref<8192xi32, #tpu.memory_space<vmem>>, vector<16xi32>,
        %get3A_765 = arith.index_cast %mul3A_762 : i32 to index
        %get3A_766 = tpu.vector_load %arg9[%get3A_765] {strides = array<i32>} : memref<8192xf32, #tpu.memory_space<vmem>>, vector<16xf32>,
        %mul3A_767 = arith.constant 8 : i32
        %mul3A_768 = arith.muli %add3A_717, %mul3A_767 : i32
        %add3A_769 = arith.constant 5 : i32
        %add3A_770 = arith.addi %mul3A_768, %add3A_769 : i32
        %mul3A_771 = arith.constant 16 : i32
        %mul3A_772 = arith.muli %add3A_770, %mul3A_771 : i32
        %get3A_773 = arith.index_cast %mul3A_772 : i32 to index
        %get3A_774 = tpu.vector_load %arg7[%get3A_773] {strides = array<i32>} : memref<8192xi32, #tpu.memory_space<vmem>>, vector<16xi32>,
        %get3A_775 = arith.index_cast %mul3A_772 : i32 to index
        %get3A_776 = tpu.vector_load %arg9[%get3A_775] {strides = array<i32>} : memref<8192xf32, #tpu.memory_space<vmem>>, vector<16xf32>,
        %mul3A_777 = arith.constant 8 : i32
        %mul3A_778 = arith.muli %add3A_717, %mul3A_777 : i32
        %add3A_779 = arith.constant 6 : i32
        %add3A_780 = arith.addi %mul3A_778, %add3A_779 : i32
        %mul3A_781 = arith.constant 16 : i32
        %mul3A_782 = arith.muli %add3A_780, %mul3A_781 : i32
        %get3A_783 = arith.index_cast %mul3A_782 : i32 to index
        %get3A_784 = tpu.vector_load %arg7[%get3A_783] {strides = array<i32>} : memref<8192xi32, #tpu.memory_space<vmem>>, vector<16xi32>,
        %get3A_785 = arith.index_cast %mul3A_782 : i32 to index
        %get3A_786 = tpu.vector_load %arg9[%get3A_785] {strides = array<i32>} : memref<8192xf32, #tpu.memory_space<vmem>>, vector<16xf32>,
        %mul3A_787 = arith.constant 8 : i32
        %mul3A_788 = arith.muli %add3A_717, %mul3A_787 : i32
        %add3A_789 = arith.constant 7 : i32
        %add3A_790 = arith.addi %mul3A_788, %add3A_789 : i32
        %mul3A_791 = arith.constant 16 : i32
        %mul3A_792 = arith.muli %add3A_790, %mul3A_791 : i32
        %get3A_793 = arith.index_cast %mul3A_792 : i32 to index
        %get3A_794 = tpu.vector_load %arg7[%get3A_793] {strides = array<i32>} : memref<8192xi32, #tpu.memory_space<vmem>>, vector<16xi32>,
        %get3A_795 = arith.index_cast %mul3A_792 : i32 to index
        %get3A_796 = tpu.vector_load %arg9[%get3A_795] {strides = array<i32>} : memref<8192xf32, #tpu.memory_space<vmem>>, vector<16xf32>,
        %broadcast_in_dim3A = vector.broadcast %select_n3A_648 : i32 to vector<16xi32>
        %sub3A_797 = vector.broadcast %mul3A_109 : i32 to vector<16xi32>
        %sub3A_798 = arith.subi %get3A_724, %sub3A_797 : vector<16xi32>
        %lt3A_799 = arith.constant 10000 : i32
        %lt3A_800 = vector.broadcast %lt3A_799 : i32 to vector<16xi32>
        %lt3A_801 = arith.cmpi ult, %sub3A_798, %lt3A_800 : vector<16xi32>
        tpu.vector_store_idx %arg6[%sub3A_798, %broadcast_in_dim3A], %get3A_726 masked %lt3A_801 : memref<10000x8xf32, #tpu.memory_space<vmem>>[vector<16xi32>, vector<16xi32>], vector<16xf32>, vector<16xi1>
        %sub3A_802 = vector.broadcast %mul3A_109 : i32 to vector<16xi32>
        %sub3A_803 = arith.subi %get3A_734, %sub3A_802 : vector<16xi32>
        %lt3A_804 = arith.constant 10000 : i32
        %lt3A_805 = vector.broadcast %lt3A_804 : i32 to vector<16xi32>
        %lt3A_806 = arith.cmpi ult, %sub3A_803, %lt3A_805 : vector<16xi32>
        tpu.vector_store_idx %arg6[%sub3A_803, %broadcast_in_dim3A], %get3A_736 masked %lt3A_806 : memref<10000x8xf32, #tpu.memory_space<vmem>>[vector<16xi32>, vector<16xi32>], vector<16xf32>, vector<16xi1>
        %sub3A_807 = vector.broadcast %mul3A_109 : i32 to vector<16xi32>
        %sub3A_808 = arith.subi %get3A_744, %sub3A_807 : vector<16xi32>
        %lt3A_809 = arith.constant 10000 : i32
        %lt3A_810 = vector.broadcast %lt3A_809 : i32 to vector<16xi32>
        %lt3A_811 = arith.cmpi ult, %sub3A_808, %lt3A_810 : vector<16xi32>
        tpu.vector_store_idx %arg6[%sub3A_808, %broadcast_in_dim3A], %get3A_746 masked %lt3A_811 : memref<10000x8xf32, #tpu.memory_space<vmem>>[vector<16xi32>, vector<16xi32>], vector<16xf32>, vector<16xi1>
        %sub3A_812 = vector.broadcast %mul3A_109 : i32 to vector<16xi32>
        %sub3A_813 = arith.subi %get3A_754, %sub3A_812 : vector<16xi32>
        %lt3A_814 = arith.constant 10000 : i32
        %lt3A_815 = vector.broadcast %lt3A_814 : i32 to vector<16xi32>
        %lt3A_816 = arith.cmpi ult, %sub3A_813, %lt3A_815 : vector<16xi32>
        tpu.vector_store_idx %arg6[%sub3A_813, %broadcast_in_dim3A], %get3A_756 masked %lt3A_816 : memref<10000x8xf32, #tpu.memory_space<vmem>>[vector<16xi32>, vector<16xi32>], vector<16xf32>, vector<16xi1>
        %sub3A_817 = vector.broadcast %mul3A_109 : i32 to vector<16xi32>
        %sub3A_818 = arith.subi %get3A_764, %sub3A_817 : vector<16xi32>
        %lt3A_819 = arith.constant 10000 : i32
        %lt3A_820 = vector.broadcast %lt3A_819 : i32 to vector<16xi32>
        %lt3A_821 = arith.cmpi ult, %sub3A_818, %lt3A_820 : vector<16xi32>
        tpu.vector_store_idx %arg6[%sub3A_818, %broadcast_in_dim3A], %get3A_766 masked %lt3A_821 : memref<10000x8xf32, #tpu.memory_space<vmem>>[vector<16xi32>, vector<16xi32>], vector<16xf32>, vector<16xi1>
        %sub3A_822 = vector.broadcast %mul3A_109 : i32 to vector<16xi32>
        %sub3A_823 = arith.subi %get3A_774, %sub3A_822 : vector<16xi32>
        %lt3A_824 = arith.constant 10000 : i32
        %lt3A_825 = vector.broadcast %lt3A_824 : i32 to vector<16xi32>
        %lt3A_826 = arith.cmpi ult, %sub3A_823, %lt3A_825 : vector<16xi32>
        tpu.vector_store_idx %arg6[%sub3A_823, %broadcast_in_dim3A], %get3A_776 masked %lt3A_826 : memref<10000x8xf32, #tpu.memory_space<vmem>>[vector<16xi32>, vector<16xi32>], vector<16xf32>, vector<16xi1>
        %sub3A_827 = vector.broadcast %mul3A_109 : i32 to vector<16xi32>
        %sub3A_828 = arith.subi %get3A_784, %sub3A_827 : vector<16xi32>
        %lt3A_829 = arith.constant 10000 : i32
        %lt3A_830 = vector.broadcast %lt3A_829 : i32 to vector<16xi32>
        %lt3A_831 = arith.cmpi ult, %sub3A_828, %lt3A_830 : vector<16xi32>
        tpu.vector_store_idx %arg6[%sub3A_828, %broadcast_in_dim3A], %get3A_786 masked %lt3A_831 : memref<10000x8xf32, #tpu.memory_space<vmem>>[vector<16xi32>, vector<16xi32>], vector<16xf32>, vector<16xi1>
        %sub3A_832 = vector.broadcast %mul3A_109 : i32 to vector<16xi32>
        %sub3A_833 = arith.subi %get3A_794, %sub3A_832 : vector<16xi32>
        %lt3A_834 = arith.constant 10000 : i32
        %lt3A_835 = vector.broadcast %lt3A_834 : i32 to vector<16xi32>
        %lt3A_836 = arith.cmpi ult, %sub3A_833, %lt3A_835 : vector<16xi32>
        tpu.vector_store_idx %arg6[%sub3A_833, %broadcast_in_dim3A], %get3A_796 masked %lt3A_836 : memref<10000x8xf32, #tpu.memory_space<vmem>>[vector<16xi32>, vector<16xi32>], vector<16xf32>, vector<16xi1>
      }
      %scan3A_660 = arith.constant 64 : i32
      %add3A_661 = arith.constant 2 : i32
      %add3A_662 = arith.addi %add3A_624, %add3A_661 : i32
      %lt3A = arith.constant 16 : i32
      %lt3A_663 = arith.cmpi slt, %add3A_662, %lt3A : i32
      %convert_element_type3A = arith.extui %lt3A_663 : i1 to i32
      %cond3A = arith.constant 0 : i32
      %cond3A_664 = arith.cmpi ne, %convert_element_type3A, %cond3A : i32
      scf.if %cond3A_664 {
        %jit3A_713 = arith.constant 2 : i32
        %div3A_714 = arith.divsi %add3A_662, %jit3A_713 : i32
        %sign3A_715 = arith.constant 0 : i32
        %sign3A_716 = arith.cmpi sgt, %add3A_662, %sign3A_715 : i32
        %sign3A_717 = arith.extui %sign3A_716 : i1 to i32
        %sign3A_718 = arith.constant 0 : i32
        %sign3A_719 = arith.cmpi slt, %add3A_662, %sign3A_718 : i32
        %sign3A_720 = arith.extui %sign3A_719 : i1 to i32
        %sign3A_721 = arith.subi %sign3A_717, %sign3A_720 : i32
        %sign3A_722 = arith.constant 0 : i32
        %sign3A_723 = arith.cmpi sgt, %jit3A_713, %sign3A_722 : i32
        %sign3A_724 = arith.extui %sign3A_723 : i1 to i32
        %sign3A_725 = arith.constant 0 : i32
        %sign3A_726 = arith.cmpi slt, %jit3A_713, %sign3A_725 : i32
        %sign3A_727 = arith.extui %sign3A_726 : i1 to i32
        %sign3A_728 = arith.subi %sign3A_724, %sign3A_727 : i32
        %ne3A_729 = arith.cmpi ne, %sign3A_721, %sign3A_728 : i32
        %rem3A_730 = arith.remsi %add3A_662, %jit3A_713 : i32
        %ne3A_731 = arith.constant 0 : i32
        %ne3A_732 = arith.cmpi ne, %rem3A_730, %ne3A_731 : i32
        %and3A_733 = arith.andi %ne3A_729, %ne3A_732 : i1
        %sub3A_734 = arith.constant 1 : i32
        %sub3A_735 = arith.subi %div3A_714, %sub3A_734 : i32
        %select_n3A_736 = arith.select %and3A_733, %sub3A_735, %div3A_714 : i32
        %rem3A_737 = arith.constant 2 : i32
        %rem3A_738 = arith.remsi %add3A_662, %rem3A_737 : i32
        %mul3A_739 = arith.constant 8 : i32
        %mul3A_740 = arith.muli %rem3A_83, %mul3A_739 : i32
        %add3A_741 = arith.addi %mul3A_740, %select_n3A_736 : i32
        %mul3A_742 = arith.constant 16384 : i32
        %mul3A_743 = arith.muli %add3A_741, %mul3A_742 : i32
        %mul3A_744 = arith.constant 8192 : i32
        %mul3A_745 = arith.muli %rem3A_738, %mul3A_744 : i32
        %add3A_746 = arith.addi %mul3A_743, %mul3A_745 : i32
        %dma_start3A_747 = tpu.memref_slice %arg3[%add3A_746] : memref<2097152xi32, #tpu.memory_space<hbm>> -> memref<8192xi32, #tpu.memory_space<hbm>>
        %dma_start3A_748 = tpu.memref_slice %arg3[%add3A_746] : memref<2097152xi32, #tpu.memory_space<hbm>> -> memref<8192xi32, #tpu.memory_space<hbm>>
        tpu.enqueue_dma source(%dma_start3A_748 : memref<8192xi32, #tpu.memory_space<hbm>>) target(%arg7 : memref<8192xi32, #tpu.memory_space<vmem>>) target_semaphore(%arg11 : memref<!tpu.dma_semaphore, #tpu.memory_space<semaphore_mem>>)
        %dma_start3A_749 = tpu.memref_slice %arg4[%add3A_746] : memref<2097152xf32, #tpu.memory_space<hbm>> -> memref<8192xf32, #tpu.memory_space<hbm>>
        %dma_start3A_750 = tpu.memref_slice %arg4[%add3A_746] : memref<2097152xf32, #tpu.memory_space<hbm>> -> memref<8192xf32, #tpu.memory_space<hbm>>
        tpu.enqueue_dma source(%dma_start3A_750 : memref<8192xf32, #tpu.memory_space<hbm>>) target(%arg9 : memref<8192xf32, #tpu.memory_space<vmem>>) target_semaphore(%arg13 : memref<!tpu.dma_semaphore, #tpu.memory_space<semaphore_mem>>)
      } else {
      }
      %mul3A_665 = arith.constant 2 : i32
      %mul3A_666 = arith.muli %mul3A_665, %add3A_620 : i32
      %add3A_667 = arith.constant 1 : i32
      %add3A_668 = arith.addi %mul3A_666, %add3A_667 : i32
      %jit3A_669 = arith.constant 2 : i32
      %div3A_670 = arith.divsi %add3A_668, %jit3A_669 : i32
      %sign3A_671 = arith.constant 0 : i32
      %sign3A_672 = arith.cmpi sgt, %add3A_668, %sign3A_671 : i32
      %sign3A_673 = arith.extui %sign3A_672 : i1 to i32
      %sign3A_674 = arith.constant 0 : i32
      %sign3A_675 = arith.cmpi slt, %add3A_668, %sign3A_674 : i32
      %sign3A_676 = arith.extui %sign3A_675 : i1 to i32
      %sign3A_677 = arith.subi %sign3A_673, %sign3A_676 : i32
      %sign3A_678 = arith.constant 0 : i32
      %sign3A_679 = arith.cmpi sgt, %jit3A_669, %sign3A_678 : i32
      %sign3A_680 = arith.extui %sign3A_679 : i1 to i32
      %sign3A_681 = arith.constant 0 : i32
      %sign3A_682 = arith.cmpi slt, %jit3A_669, %sign3A_681 : i32
      %sign3A_683 = arith.extui %sign3A_682 : i1 to i32
      %sign3A_684 = arith.subi %sign3A_680, %sign3A_683 : i32
      %ne3A_685 = arith.cmpi ne, %sign3A_677, %sign3A_684 : i32
      %rem3A_686 = arith.remsi %add3A_668, %jit3A_669 : i32
      %ne3A_687 = arith.constant 0 : i32
      %ne3A_688 = arith.cmpi ne, %rem3A_686, %ne3A_687 : i32
      %and3A_689 = arith.andi %ne3A_685, %ne3A_688 : i1
      %sub3A_690 = arith.constant 1 : i32
      %sub3A_691 = arith.subi %div3A_670, %sub3A_690 : i32
      %select_n3A_692 = arith.select %and3A_689, %sub3A_691, %div3A_670 : i32
      %dma_wait3A_693 = arith.constant 0 : i32
      %dma_wait3A_694 = tpu.memref_slice %arg3[%dma_wait3A_693] : memref<2097152xi32, #tpu.memory_space<hbm>> -> memref<8192xi32, #tpu.memory_space<hbm>>
      %dma_wait3A_695 = arith.constant 0 : i32
      %dma_wait3A_696 = tpu.memref_slice %arg3[%dma_wait3A_695] : memref<2097152xi32, #tpu.memory_space<hbm>> -> memref<8192xi32, #tpu.memory_space<hbm>>
      tpu.wait_dma2 semaphore(%arg12 : memref<!tpu.dma_semaphore, #tpu.memory_space<semaphore_mem>>) src(%dma_wait3A_696 : memref<8192xi32, #tpu.memory_space<hbm>>) dst(%arg8 : memref<8192xi32, #tpu.memory_space<vmem>>)
      %dma_wait3A_697 = arith.constant 0 : i32
      %dma_wait3A_698 = tpu.memref_slice %arg4[%dma_wait3A_697] : memref<2097152xf32, #tpu.memory_space<hbm>> -> memref<8192xf32, #tpu.memory_space<hbm>>
      %dma_wait3A_699 = arith.constant 0 : i32
      %dma_wait3A_700 = tpu.memref_slice %arg4[%dma_wait3A_699] : memref<2097152xf32, #tpu.memory_space<hbm>> -> memref<8192xf32, #tpu.memory_space<hbm>>
      tpu.wait_dma2 semaphore(%arg14 : memref<!tpu.dma_semaphore, #tpu.memory_space<semaphore_mem>>) src(%dma_wait3A_700 : memref<8192xf32, #tpu.memory_space<hbm>>) dst(%arg10 : memref<8192xf32, #tpu.memory_space<vmem>>)
      %scan3A_701 = arith.constant 0 : i32
      %scan3A_702 = arith.constant 64 : i32
      %scan3A_703 = arith.addi %scan3A_701, %scan3A_702 : i32
      %scan3A_704 = arith.constant 1 : i32
      scf.for %scan3A_713 = %scan3A_701 to %scan3A_703 step %scan3A_704  : i32 {
        %mul3A_714 = arith.constant 1 : i32
        %mul3A_715 = arith.muli %scan3A_713, %mul3A_714 : i32
        %add3A_716 = arith.constant 0 : i32
        %add3A_717 = arith.addi %add3A_716, %mul3A_715 : i32
        %mul3A_718 = arith.constant 8 : i32
        %mul3A_719 = arith.muli %add3A_717, %mul3A_718 : i32
        %add3A_720 = arith.constant 0 : i32
        %add3A_721 = arith.addi %mul3A_719, %add3A_720 : i32
        %mul3A_722 = arith.constant 16 : i32
        %mul3A_723 = arith.muli %add3A_721, %mul3A_722 : i32
        %get3A = arith.index_cast %mul3A_723 : i32 to index
        %get3A_724 = tpu.vector_load %arg8[%get3A] {strides = array<i32>} : memref<8192xi32, #tpu.memory_space<vmem>>, vector<16xi32>,
        %get3A_725 = arith.index_cast %mul3A_723 : i32 to index
        %get3A_726 = tpu.vector_load %arg10[%get3A_725] {strides = array<i32>} : memref<8192xf32, #tpu.memory_space<vmem>>, vector<16xf32>,
        %mul3A_727 = arith.constant 8 : i32
        %mul3A_728 = arith.muli %add3A_717, %mul3A_727 : i32
        %add3A_729 = arith.constant 1 : i32
        %add3A_730 = arith.addi %mul3A_728, %add3A_729 : i32
        %mul3A_731 = arith.constant 16 : i32
        %mul3A_732 = arith.muli %add3A_730, %mul3A_731 : i32
        %get3A_733 = arith.index_cast %mul3A_732 : i32 to index
        %get3A_734 = tpu.vector_load %arg8[%get3A_733] {strides = array<i32>} : memref<8192xi32, #tpu.memory_space<vmem>>, vector<16xi32>,
        %get3A_735 = arith.index_cast %mul3A_732 : i32 to index
        %get3A_736 = tpu.vector_load %arg10[%get3A_735] {strides = array<i32>} : memref<8192xf32, #tpu.memory_space<vmem>>, vector<16xf32>,
        %mul3A_737 = arith.constant 8 : i32
        %mul3A_738 = arith.muli %add3A_717, %mul3A_737 : i32
        %add3A_739 = arith.constant 2 : i32
        %add3A_740 = arith.addi %mul3A_738, %add3A_739 : i32
        %mul3A_741 = arith.constant 16 : i32
        %mul3A_742 = arith.muli %add3A_740, %mul3A_741 : i32
        %get3A_743 = arith.index_cast %mul3A_742 : i32 to index
        %get3A_744 = tpu.vector_load %arg8[%get3A_743] {strides = array<i32>} : memref<8192xi32, #tpu.memory_space<vmem>>, vector<16xi32>,
        %get3A_745 = arith.index_cast %mul3A_742 : i32 to index
        %get3A_746 = tpu.vector_load %arg10[%get3A_745] {strides = array<i32>} : memref<8192xf32, #tpu.memory_space<vmem>>, vector<16xf32>,
        %mul3A_747 = arith.constant 8 : i32
        %mul3A_748 = arith.muli %add3A_717, %mul3A_747 : i32
        %add3A_749 = arith.constant 3 : i32
        %add3A_750 = arith.addi %mul3A_748, %add3A_749 : i32
        %mul3A_751 = arith.constant 16 : i32
        %mul3A_752 = arith.muli %add3A_750, %mul3A_751 : i32
        %get3A_753 = arith.index_cast %mul3A_752 : i32 to index
        %get3A_754 = tpu.vector_load %arg8[%get3A_753] {strides = array<i32>} : memref<8192xi32, #tpu.memory_space<vmem>>, vector<16xi32>,
        %get3A_755 = arith.index_cast %mul3A_752 : i32 to index
        %get3A_756 = tpu.vector_load %arg10[%get3A_755] {strides = array<i32>} : memref<8192xf32, #tpu.memory_space<vmem>>, vector<16xf32>,
        %mul3A_757 = arith.constant 8 : i32
        %mul3A_758 = arith.muli %add3A_717, %mul3A_757 : i32
        %add3A_759 = arith.constant 4 : i32
        %add3A_760 = arith.addi %mul3A_758, %add3A_759 : i32
        %mul3A_761 = arith.constant 16 : i32
        %mul3A_762 = arith.muli %add3A_760, %mul3A_761 : i32
        %get3A_763 = arith.index_cast %mul3A_762 : i32 to index
        %get3A_764 = tpu.vector_load %arg8[%get3A_763] {strides = array<i32>} : memref<8192xi32, #tpu.memory_space<vmem>>, vector<16xi32>,
        %get3A_765 = arith.index_cast %mul3A_762 : i32 to index
        %get3A_766 = tpu.vector_load %arg10[%get3A_765] {strides = array<i32>} : memref<8192xf32, #tpu.memory_space<vmem>>, vector<16xf32>,
        %mul3A_767 = arith.constant 8 : i32
        %mul3A_768 = arith.muli %add3A_717, %mul3A_767 : i32
        %add3A_769 = arith.constant 5 : i32
        %add3A_770 = arith.addi %mul3A_768, %add3A_769 : i32
        %mul3A_771 = arith.constant 16 : i32
        %mul3A_772 = arith.muli %add3A_770, %mul3A_771 : i32
        %get3A_773 = arith.index_cast %mul3A_772 : i32 to index
        %get3A_774 = tpu.vector_load %arg8[%get3A_773] {strides = array<i32>} : memref<8192xi32, #tpu.memory_space<vmem>>, vector<16xi32>,
        %get3A_775 = arith.index_cast %mul3A_772 : i32 to index
        %get3A_776 = tpu.vector_load %arg10[%get3A_775] {strides = array<i32>} : memref<8192xf32, #tpu.memory_space<vmem>>, vector<16xf32>,
        %mul3A_777 = arith.constant 8 : i32
        %mul3A_778 = arith.muli %add3A_717, %mul3A_777 : i32
        %add3A_779 = arith.constant 6 : i32
        %add3A_780 = arith.addi %mul3A_778, %add3A_779 : i32
        %mul3A_781 = arith.constant 16 : i32
        %mul3A_782 = arith.muli %add3A_780, %mul3A_781 : i32
        %get3A_783 = arith.index_cast %mul3A_782 : i32 to index
        %get3A_784 = tpu.vector_load %arg8[%get3A_783] {strides = array<i32>} : memref<8192xi32, #tpu.memory_space<vmem>>, vector<16xi32>,
        %get3A_785 = arith.index_cast %mul3A_782 : i32 to index
        %get3A_786 = tpu.vector_load %arg10[%get3A_785] {strides = array<i32>} : memref<8192xf32, #tpu.memory_space<vmem>>, vector<16xf32>,
        %mul3A_787 = arith.constant 8 : i32
        %mul3A_788 = arith.muli %add3A_717, %mul3A_787 : i32
        %add3A_789 = arith.constant 7 : i32
        %add3A_790 = arith.addi %mul3A_788, %add3A_789 : i32
        %mul3A_791 = arith.constant 16 : i32
        %mul3A_792 = arith.muli %add3A_790, %mul3A_791 : i32
        %get3A_793 = arith.index_cast %mul3A_792 : i32 to index
        %get3A_794 = tpu.vector_load %arg8[%get3A_793] {strides = array<i32>} : memref<8192xi32, #tpu.memory_space<vmem>>, vector<16xi32>,
        %get3A_795 = arith.index_cast %mul3A_792 : i32 to index
        %get3A_796 = tpu.vector_load %arg10[%get3A_795] {strides = array<i32>} : memref<8192xf32, #tpu.memory_space<vmem>>, vector<16xf32>,
        %broadcast_in_dim3A = vector.broadcast %select_n3A_692 : i32 to vector<16xi32>
        %sub3A_797 = vector.broadcast %mul3A_109 : i32 to vector<16xi32>
        %sub3A_798 = arith.subi %get3A_724, %sub3A_797 : vector<16xi32>
        %lt3A_799 = arith.constant 10000 : i32
        %lt3A_800 = vector.broadcast %lt3A_799 : i32 to vector<16xi32>
        %lt3A_801 = arith.cmpi ult, %sub3A_798, %lt3A_800 : vector<16xi32>
        tpu.vector_store_idx %arg6[%sub3A_798, %broadcast_in_dim3A], %get3A_726 masked %lt3A_801 : memref<10000x8xf32, #tpu.memory_space<vmem>>[vector<16xi32>, vector<16xi32>], vector<16xf32>, vector<16xi1>
        %sub3A_802 = vector.broadcast %mul3A_109 : i32 to vector<16xi32>
        %sub3A_803 = arith.subi %get3A_734, %sub3A_802 : vector<16xi32>
        %lt3A_804 = arith.constant 10000 : i32
        %lt3A_805 = vector.broadcast %lt3A_804 : i32 to vector<16xi32>
        %lt3A_806 = arith.cmpi ult, %sub3A_803, %lt3A_805 : vector<16xi32>
        tpu.vector_store_idx %arg6[%sub3A_803, %broadcast_in_dim3A], %get3A_736 masked %lt3A_806 : memref<10000x8xf32, #tpu.memory_space<vmem>>[vector<16xi32>, vector<16xi32>], vector<16xf32>, vector<16xi1>
        %sub3A_807 = vector.broadcast %mul3A_109 : i32 to vector<16xi32>
        %sub3A_808 = arith.subi %get3A_744, %sub3A_807 : vector<16xi32>
        %lt3A_809 = arith.constant 10000 : i32
        %lt3A_810 = vector.broadcast %lt3A_809 : i32 to vector<16xi32>
        %lt3A_811 = arith.cmpi ult, %sub3A_808, %lt3A_810 : vector<16xi32>
        tpu.vector_store_idx %arg6[%sub3A_808, %broadcast_in_dim3A], %get3A_746 masked %lt3A_811 : memref<10000x8xf32, #tpu.memory_space<vmem>>[vector<16xi32>, vector<16xi32>], vector<16xf32>, vector<16xi1>
        %sub3A_812 = vector.broadcast %mul3A_109 : i32 to vector<16xi32>
        %sub3A_813 = arith.subi %get3A_754, %sub3A_812 : vector<16xi32>
        %lt3A_814 = arith.constant 10000 : i32
        %lt3A_815 = vector.broadcast %lt3A_814 : i32 to vector<16xi32>
        %lt3A_816 = arith.cmpi ult, %sub3A_813, %lt3A_815 : vector<16xi32>
        tpu.vector_store_idx %arg6[%sub3A_813, %broadcast_in_dim3A], %get3A_756 masked %lt3A_816 : memref<10000x8xf32, #tpu.memory_space<vmem>>[vector<16xi32>, vector<16xi32>], vector<16xf32>, vector<16xi1>
        %sub3A_817 = vector.broadcast %mul3A_109 : i32 to vector<16xi32>
        %sub3A_818 = arith.subi %get3A_764, %sub3A_817 : vector<16xi32>
        %lt3A_819 = arith.constant 10000 : i32
        %lt3A_820 = vector.broadcast %lt3A_819 : i32 to vector<16xi32>
        %lt3A_821 = arith.cmpi ult, %sub3A_818, %lt3A_820 : vector<16xi32>
        tpu.vector_store_idx %arg6[%sub3A_818, %broadcast_in_dim3A], %get3A_766 masked %lt3A_821 : memref<10000x8xf32, #tpu.memory_space<vmem>>[vector<16xi32>, vector<16xi32>], vector<16xf32>, vector<16xi1>
        %sub3A_822 = vector.broadcast %mul3A_109 : i32 to vector<16xi32>
        %sub3A_823 = arith.subi %get3A_774, %sub3A_822 : vector<16xi32>
        %lt3A_824 = arith.constant 10000 : i32
        %lt3A_825 = vector.broadcast %lt3A_824 : i32 to vector<16xi32>
        %lt3A_826 = arith.cmpi ult, %sub3A_823, %lt3A_825 : vector<16xi32>
        tpu.vector_store_idx %arg6[%sub3A_823, %broadcast_in_dim3A], %get3A_776 masked %lt3A_826 : memref<10000x8xf32, #tpu.memory_space<vmem>>[vector<16xi32>, vector<16xi32>], vector<16xf32>, vector<16xi1>
        %sub3A_827 = vector.broadcast %mul3A_109 : i32 to vector<16xi32>
        %sub3A_828 = arith.subi %get3A_784, %sub3A_827 : vector<16xi32>
        %lt3A_829 = arith.constant 10000 : i32
        %lt3A_830 = vector.broadcast %lt3A_829 : i32 to vector<16xi32>
        %lt3A_831 = arith.cmpi ult, %sub3A_828, %lt3A_830 : vector<16xi32>
        tpu.vector_store_idx %arg6[%sub3A_828, %broadcast_in_dim3A], %get3A_786 masked %lt3A_831 : memref<10000x8xf32, #tpu.memory_space<vmem>>[vector<16xi32>, vector<16xi32>], vector<16xf32>, vector<16xi1>
        %sub3A_832 = vector.broadcast %mul3A_109 : i32 to vector<16xi32>
        %sub3A_833 = arith.subi %get3A_794, %sub3A_832 : vector<16xi32>
        %lt3A_834 = arith.constant 10000 : i32
        %lt3A_835 = vector.broadcast %lt3A_834 : i32 to vector<16xi32>
        %lt3A_836 = arith.cmpi ult, %sub3A_833, %lt3A_835 : vector<16xi32>
        tpu.vector_store_idx %arg6[%sub3A_833, %broadcast_in_dim3A], %get3A_796 masked %lt3A_836 : memref<10000x8xf32, #tpu.memory_space<vmem>>[vector<16xi32>, vector<16xi32>], vector<16xf32>, vector<16xi1>
      }
      %scan3A_705 = arith.constant 64 : i32
      %add3A_706 = arith.constant 2 : i32
      %add3A_707 = arith.addi %add3A_668, %add3A_706 : i32
      %lt3A_708 = arith.constant 16 : i32
      %lt3A_709 = arith.cmpi slt, %add3A_707, %lt3A_708 : i32
      %convert_element_type3A_710 = arith.extui %lt3A_709 : i1 to i32
      %cond3A_711 = arith.constant 0 : i32
      %cond3A_712 = arith.cmpi ne, %convert_element_type3A_710, %cond3A_711 : i32
      scf.if %cond3A_712 {
        %jit3A_713 = arith.constant 2 : i32
        %div3A_714 = arith.divsi %add3A_707, %jit3A_713 : i32
        %sign3A_715 = arith.constant 0 : i32
        %sign3A_716 = arith.cmpi sgt, %add3A_707, %sign3A_715 : i32
        %sign3A_717 = arith.extui %sign3A_716 : i1 to i32
        %sign3A_718 = arith.constant 0 : i32
        %sign3A_719 = arith.cmpi slt, %add3A_707, %sign3A_718 : i32
        %sign3A_720 = arith.extui %sign3A_719 : i1 to i32
        %sign3A_721 = arith.subi %sign3A_717, %sign3A_720 : i32
        %sign3A_722 = arith.constant 0 : i32
        %sign3A_723 = arith.cmpi sgt, %jit3A_713, %sign3A_722 : i32
        %sign3A_724 = arith.extui %sign3A_723 : i1 to i32
        %sign3A_725 = arith.constant 0 : i32
        %sign3A_726 = arith.cmpi slt, %jit3A_713, %sign3A_725 : i32
        %sign3A_727 = arith.extui %sign3A_726 : i1 to i32
        %sign3A_728 = arith.subi %sign3A_724, %sign3A_727 : i32
        %ne3A_729 = arith.cmpi ne, %sign3A_721, %sign3A_728 : i32
        %rem3A_730 = arith.remsi %add3A_707, %jit3A_713 : i32
        %ne3A_731 = arith.constant 0 : i32
        %ne3A_732 = arith.cmpi ne, %rem3A_730, %ne3A_731 : i32
        %and3A_733 = arith.andi %ne3A_729, %ne3A_732 : i1
        %sub3A_734 = arith.constant 1 : i32
        %sub3A_735 = arith.subi %div3A_714, %sub3A_734 : i32
        %select_n3A_736 = arith.select %and3A_733, %sub3A_735, %div3A_714 : i32
        %rem3A_737 = arith.constant 2 : i32
        %rem3A_738 = arith.remsi %add3A_707, %rem3A_737 : i32
        %mul3A_739 = arith.constant 8 : i32
        %mul3A_740 = arith.muli %rem3A_83, %mul3A_739 : i32
        %add3A_741 = arith.addi %mul3A_740, %select_n3A_736 : i32
        %mul3A_742 = arith.constant 16384 : i32
        %mul3A_743 = arith.muli %add3A_741, %mul3A_742 : i32
        %mul3A_744 = arith.constant 8192 : i32
        %mul3A_745 = arith.muli %rem3A_738, %mul3A_744 : i32
        %add3A_746 = arith.addi %mul3A_743, %mul3A_745 : i32
        %dma_start3A_747 = tpu.memref_slice %arg3[%add3A_746] : memref<2097152xi32, #tpu.memory_space<hbm>> -> memref<8192xi32, #tpu.memory_space<hbm>>
        %dma_start3A_748 = tpu.memref_slice %arg3[%add3A_746] : memref<2097152xi32, #tpu.memory_space<hbm>> -> memref<8192xi32, #tpu.memory_space<hbm>>
        tpu.enqueue_dma source(%dma_start3A_748 : memref<8192xi32, #tpu.memory_space<hbm>>) target(%arg8 : memref<8192xi32, #tpu.memory_space<vmem>>) target_semaphore(%arg12 : memref<!tpu.dma_semaphore, #tpu.memory_space<semaphore_mem>>)
        %dma_start3A_749 = tpu.memref_slice %arg4[%add3A_746] : memref<2097152xf32, #tpu.memory_space<hbm>> -> memref<8192xf32, #tpu.memory_space<hbm>>
        %dma_start3A_750 = tpu.memref_slice %arg4[%add3A_746] : memref<2097152xf32, #tpu.memory_space<hbm>> -> memref<8192xf32, #tpu.memory_space<hbm>>
        tpu.enqueue_dma source(%dma_start3A_750 : memref<8192xf32, #tpu.memory_space<hbm>>) target(%arg10 : memref<8192xf32, #tpu.memory_space<vmem>>) target_semaphore(%arg14 : memref<!tpu.dma_semaphore, #tpu.memory_space<semaphore_mem>>)
      } else {
      }
    }
    %scan3A_115 = arith.constant 8 : i32
    %add3A_116 = arith.constant 32 : i32
    %add3A_117 = arith.addi %add3A, %add3A_116 : i32
    %rem3A_118 = arith.constant 16 : i32
    %rem3A_119 = arith.remsi %add3A_117, %rem3A_118 : i32
    %jit3A_120 = arith.constant 16 : i32
    %div3A_121 = arith.divsi %add3A_117, %jit3A_120 : i32
    %sign3A_122 = arith.constant 0 : i32
    %sign3A_123 = arith.cmpi sgt, %add3A_117, %sign3A_122 : i32
    %sign3A_124 = arith.extui %sign3A_123 : i1 to i32
    %sign3A_125 = arith.constant 0 : i32
    %sign3A_126 = arith.cmpi slt, %add3A_117, %sign3A_125 : i32
    %sign3A_127 = arith.extui %sign3A_126 : i1 to i32
    %sign3A_128 = arith.subi %sign3A_124, %sign3A_127 : i32
    %sign3A_129 = arith.constant 0 : i32
    %sign3A_130 = arith.cmpi sgt, %jit3A_120, %sign3A_129 : i32
    %sign3A_131 = arith.extui %sign3A_130 : i1 to i32
    %sign3A_132 = arith.constant 0 : i32
    %sign3A_133 = arith.cmpi slt, %jit3A_120, %sign3A_132 : i32
    %sign3A_134 = arith.extui %sign3A_133 : i1 to i32
    %sign3A_135 = arith.subi %sign3A_131, %sign3A_134 : i32
    %ne3A_136 = arith.cmpi ne, %sign3A_128, %sign3A_135 : i32
    %rem3A_137 = arith.remsi %add3A_117, %jit3A_120 : i32
    %ne3A_138 = arith.constant 0 : i32
    %ne3A_139 = arith.cmpi ne, %rem3A_137, %ne3A_138 : i32
    %and3A_140 = arith.andi %ne3A_136, %ne3A_139 : i1
    %sub3A_141 = arith.constant 1 : i32
    %sub3A_142 = arith.subi %div3A_121, %sub3A_141 : i32
    %select_n3A_143 = arith.select %and3A_140, %sub3A_142, %div3A_121 : i32
    %mul3A_144 = arith.constant 10000 : i32
    %mul3A_145 = arith.muli %select_n3A_143, %mul3A_144 : i32
    %mul3A_146 = arith.constant 8 : i32
    %mul3A_147 = arith.muli %rem3A_119, %mul3A_146 : i32
    %rem3A_148 = arith.constant 0 : i32
    %rem3A_149 = arith.constant 2 : i32
    %rem3A_150 = arith.remsi %rem3A_148, %rem3A_149 : i32
    %mul3A_151 = arith.constant 8 : i32
    %mul3A_152 = arith.muli %rem3A_119, %mul3A_151 : i32
    %add3A_153 = arith.constant 0 : i32
    %add3A_154 = arith.addi %mul3A_152, %add3A_153 : i32
    %mul3A_155 = arith.constant 16384 : i32
    %mul3A_156 = arith.muli %add3A_154, %mul3A_155 : i32
    %mul3A_157 = arith.constant 8192 : i32
    %mul3A_158 = arith.muli %rem3A_150, %mul3A_157 : i32
    %add3A_159 = arith.addi %mul3A_156, %mul3A_158 : i32
    %dma_start3A_160 = tpu.memref_slice %arg3[%add3A_159] : memref<2097152xi32, #tpu.memory_space<hbm>> -> memref<8192xi32, #tpu.memory_space<hbm>>
    %dma_start3A_161 = tpu.memref_slice %arg3[%add3A_159] : memref<2097152xi32, #tpu.memory_space<hbm>> -> memref<8192xi32, #tpu.memory_space<hbm>>
    tpu.enqueue_dma source(%dma_start3A_161 : memref<8192xi32, #tpu.memory_space<hbm>>) target(%arg7 : memref<8192xi32, #tpu.memory_space<vmem>>) target_semaphore(%arg11 : memref<!tpu.dma_semaphore, #tpu.memory_space<semaphore_mem>>)
    %rem3A_162 = arith.constant 0 : i32
    %rem3A_163 = arith.constant 2 : i32
    %rem3A_164 = arith.remsi %rem3A_162, %rem3A_163 : i32
    %mul3A_165 = arith.constant 8 : i32
    %mul3A_166 = arith.muli %rem3A_119, %mul3A_165 : i32
    %add3A_167 = arith.constant 0 : i32
    %add3A_168 = arith.addi %mul3A_166, %add3A_167 : i32
    %mul3A_169 = arith.constant 16384 : i32
    %mul3A_170 = arith.muli %add3A_168, %mul3A_169 : i32
    %mul3A_171 = arith.constant 8192 : i32
    %mul3A_172 = arith.muli %rem3A_164, %mul3A_171 : i32
    %add3A_173 = arith.addi %mul3A_170, %mul3A_172 : i32
    %dma_start3A_174 = tpu.memref_slice %arg4[%add3A_173] : memref<2097152xf32, #tpu.memory_space<hbm>> -> memref<8192xf32, #tpu.memory_space<hbm>>
    %dma_start3A_175 = tpu.memref_slice %arg4[%add3A_173] : memref<2097152xf32, #tpu.memory_space<hbm>> -> memref<8192xf32, #tpu.memory_space<hbm>>
    tpu.enqueue_dma source(%dma_start3A_175 : memref<8192xf32, #tpu.memory_space<hbm>>) target(%arg9 : memref<8192xf32, #tpu.memory_space<vmem>>) target_semaphore(%arg13 : memref<!tpu.dma_semaphore, #tpu.memory_space<semaphore_mem>>)
    %rem3A_176 = arith.constant 1 : i32
    %rem3A_177 = arith.constant 2 : i32
    %rem3A_178 = arith.remsi %rem3A_176, %rem3A_177 : i32
    %mul3A_179 = arith.constant 8 : i32
    %mul3A_180 = arith.muli %rem3A_119, %mul3A_179 : i32
    %add3A_181 = arith.constant 0 : i32
    %add3A_182 = arith.addi %mul3A_180, %add3A_181 : i32
    %mul3A_183 = arith.constant 16384 : i32
    %mul3A_184 = arith.muli %add3A_182, %mul3A_183 : i32
    %mul3A_185 = arith.constant 8192 : i32
    %mul3A_186 = arith.muli %rem3A_178, %mul3A_185 : i32
    %add3A_187 = arith.addi %mul3A_184, %mul3A_186 : i32
    %dma_start3A_188 = tpu.memref_slice %arg3[%add3A_187] : memref<2097152xi32, #tpu.memory_space<hbm>> -> memref<8192xi32, #tpu.memory_space<hbm>>
    %dma_start3A_189 = tpu.memref_slice %arg3[%add3A_187] : memref<2097152xi32, #tpu.memory_space<hbm>> -> memref<8192xi32, #tpu.memory_space<hbm>>
    tpu.enqueue_dma source(%dma_start3A_189 : memref<8192xi32, #tpu.memory_space<hbm>>) target(%arg8 : memref<8192xi32, #tpu.memory_space<vmem>>) target_semaphore(%arg12 : memref<!tpu.dma_semaphore, #tpu.memory_space<semaphore_mem>>)
    %rem3A_190 = arith.constant 1 : i32
    %rem3A_191 = arith.constant 2 : i32
    %rem3A_192 = arith.remsi %rem3A_190, %rem3A_191 : i32
    %mul3A_193 = arith.constant 8 : i32
    %mul3A_194 = arith.muli %rem3A_119, %mul3A_193 : i32
    %add3A_195 = arith.constant 0 : i32
    %add3A_196 = arith.addi %mul3A_194, %add3A_195 : i32
    %mul3A_197 = arith.constant 16384 : i32
    %mul3A_198 = arith.muli %add3A_196, %mul3A_197 : i32
    %mul3A_199 = arith.constant 8192 : i32
    %mul3A_200 = arith.muli %rem3A_192, %mul3A_199 : i32
    %add3A_201 = arith.addi %mul3A_198, %mul3A_200 : i32
    %dma_start3A_202 = tpu.memref_slice %arg4[%add3A_201] : memref<2097152xf32, #tpu.memory_space<hbm>> -> memref<8192xf32, #tpu.memory_space<hbm>>
    %dma_start3A_203 = tpu.memref_slice %arg4[%add3A_201] : memref<2097152xf32, #tpu.memory_space<hbm>> -> memref<8192xf32, #tpu.memory_space<hbm>>
    tpu.enqueue_dma source(%dma_start3A_203 : memref<8192xf32, #tpu.memory_space<hbm>>) target(%arg10 : memref<8192xf32, #tpu.memory_space<vmem>>) target_semaphore(%arg14 : memref<!tpu.dma_semaphore, #tpu.memory_space<semaphore_mem>>)
    "tpu.region"() ({
      %run_scoped3A = tpu.sem_alloc : memref<!tpu.dma_semaphore, #tpu.memory_space<semaphore_mem>>
      %dma_start3A_616 = tpu.memref_slice %arg5[%mul3A_109, %mul3A_111] : memref<100000x128xf32, #tpu.memory_space<hbm>> -> memref<10000x8xf32, #tpu.memory_space<hbm>>
      %dma_start3A_617 = tpu.memref_slice %arg5[%mul3A_109, %mul3A_111] : memref<100000x128xf32, #tpu.memory_space<hbm>> -> memref<10000x8xf32, #tpu.memory_space<hbm>>
      tpu.enqueue_dma source(%arg6 : memref<10000x8xf32, #tpu.memory_space<vmem>>) target(%dma_start3A_617 : memref<10000x8xf32, #tpu.memory_space<hbm>>) target_semaphore(%run_scoped3A : memref<!tpu.dma_semaphore, #tpu.memory_space<semaphore_mem>>)
      %dma_wait3A = tpu.memref_slice %arg5[%mul3A_109, %mul3A_111] : memref<100000x128xf32, #tpu.memory_space<hbm>> -> memref<10000x8xf32, #tpu.memory_space<hbm>>
      %dma_wait3A_618 = tpu.memref_slice %arg5[%mul3A_109, %mul3A_111] : memref<100000x128xf32, #tpu.memory_space<hbm>> -> memref<10000x8xf32, #tpu.memory_space<hbm>>
      tpu.wait_dma2 semaphore(%run_scoped3A : memref<!tpu.dma_semaphore, #tpu.memory_space<semaphore_mem>>) src(%arg6 : memref<10000x8xf32, #tpu.memory_space<vmem>>) dst(%dma_wait3A_618 : memref<10000x8xf32, #tpu.memory_space<hbm>>)
      tpu.yield
    }) : () -> ()
    %add3A_204 = arith.constant 32 : i32
    %add3A_205 = arith.addi %add3A, %add3A_204 : i32
    %rem3A_206 = arith.constant 16 : i32
    %rem3A_207 = arith.remsi %add3A_205, %rem3A_206 : i32
    %jit3A_208 = arith.constant 16 : i32
    %div3A_209 = arith.divsi %add3A_205, %jit3A_208 : i32
    %sign3A_210 = arith.constant 0 : i32
    %sign3A_211 = arith.cmpi sgt, %add3A_205, %sign3A_210 : i32
    %sign3A_212 = arith.extui %sign3A_211 : i1 to i32
    %sign3A_213 = arith.constant 0 : i32
    %sign3A_214 = arith.cmpi slt, %add3A_205, %sign3A_213 : i32
    %sign3A_215 = arith.extui %sign3A_214 : i1 to i32
    %sign3A_216 = arith.subi %sign3A_212, %sign3A_215 : i32
    %sign3A_217 = arith.constant 0 : i32
    %sign3A_218 = arith.cmpi sgt, %jit3A_208, %sign3A_217 : i32
    %sign3A_219 = arith.extui %sign3A_218 : i1 to i32
    %sign3A_220 = arith.constant 0 : i32
    %sign3A_221 = arith.cmpi slt, %jit3A_208, %sign3A_220 : i32
    %sign3A_222 = arith.extui %sign3A_221 : i1 to i32
    %sign3A_223 = arith.subi %sign3A_219, %sign3A_222 : i32
    %ne3A_224 = arith.cmpi ne, %sign3A_216, %sign3A_223 : i32
    %rem3A_225 = arith.remsi %add3A_205, %jit3A_208 : i32
    %ne3A_226 = arith.constant 0 : i32
    %ne3A_227 = arith.cmpi ne, %rem3A_225, %ne3A_226 : i32
    %and3A_228 = arith.andi %ne3A_224, %ne3A_227 : i1
    %sub3A_229 = arith.constant 1 : i32
    %sub3A_230 = arith.subi %div3A_209, %sub3A_229 : i32
    %select_n3A_231 = arith.select %and3A_228, %sub3A_230, %div3A_209 : i32
    %mul3A_232 = arith.constant 10000 : i32
    %mul3A_233 = arith.muli %select_n3A_231, %mul3A_232 : i32
    %mul3A_234 = arith.constant 8 : i32
    %mul3A_235 = arith.muli %rem3A_207, %mul3A_234 : i32
    "tpu.region"() ({
      %run_scoped3A = tpu.sem_alloc : memref<!tpu.dma_semaphore, #tpu.memory_space<semaphore_mem>>
      %dma_start3A_616 = tpu.memref_slice %arg2[%mul3A_233, %mul3A_235] : memref<100000x128xf32, #tpu.memory_space<hbm>> -> memref<10000x8xf32, #tpu.memory_space<hbm>>
      %dma_start3A_617 = tpu.memref_slice %arg2[%mul3A_233, %mul3A_235] : memref<100000x128xf32, #tpu.memory_space<hbm>> -> memref<10000x8xf32, #tpu.memory_space<hbm>>
      tpu.enqueue_dma source(%dma_start3A_617 : memref<10000x8xf32, #tpu.memory_space<hbm>>) target(%arg6 : memref<10000x8xf32, #tpu.memory_space<vmem>>) target_semaphore(%run_scoped3A : memref<!tpu.dma_semaphore, #tpu.memory_space<semaphore_mem>>)
      %dma_wait3A = tpu.memref_slice %arg2[%mul3A_233, %mul3A_235] : memref<100000x128xf32, #tpu.memory_space<hbm>> -> memref<10000x8xf32, #tpu.memory_space<hbm>>
      %dma_wait3A_618 = tpu.memref_slice %arg2[%mul3A_233, %mul3A_235] : memref<100000x128xf32, #tpu.memory_space<hbm>> -> memref<10000x8xf32, #tpu.memory_space<hbm>>
      tpu.wait_dma2 semaphore(%run_scoped3A : memref<!tpu.dma_semaphore, #tpu.memory_space<semaphore_mem>>) src(%dma_wait3A_618 : memref<10000x8xf32, #tpu.memory_space<hbm>>) dst(%arg6 : memref<10000x8xf32, #tpu.memory_space<vmem>>)
      tpu.yield
    }) : () -> ()
    %scan3A_236 = arith.constant 0 : i32
    %scan3A_237 = arith.constant 8 : i32
    %scan3A_238 = arith.addi %scan3A_236, %scan3A_237 : i32
    %scan3A_239 = arith.constant 1 : i32
    scf.for %scan3A_616 = %scan3A_236 to %scan3A_238 step %scan3A_239  : i32 {
      %mul3A_617 = arith.constant 1 : i32
      %mul3A_618 = arith.muli %scan3A_616, %mul3A_617 : i32
      %add3A_619 = arith.constant 0 : i32
      %add3A_620 = arith.addi %add3A_619, %mul3A_618 : i32
      %mul3A_621 = arith.constant 2 : i32
      %mul3A_622 = arith.muli %mul3A_621, %add3A_620 : i32
      %add3A_623 = arith.constant 0 : i32
      %add3A_624 = arith.addi %mul3A_622, %add3A_623 : i32
      %jit3A_625 = arith.constant 2 : i32
      %div3A_626 = arith.divsi %add3A_624, %jit3A_625 : i32
      %sign3A_627 = arith.constant 0 : i32
      %sign3A_628 = arith.cmpi sgt, %add3A_624, %sign3A_627 : i32
      %sign3A_629 = arith.extui %sign3A_628 : i1 to i32
      %sign3A_630 = arith.constant 0 : i32
      %sign3A_631 = arith.cmpi slt, %add3A_624, %sign3A_630 : i32
      %sign3A_632 = arith.extui %sign3A_631 : i1 to i32
      %sign3A_633 = arith.subi %sign3A_629, %sign3A_632 : i32
      %sign3A_634 = arith.constant 0 : i32
      %sign3A_635 = arith.cmpi sgt, %jit3A_625, %sign3A_634 : i32
      %sign3A_636 = arith.extui %sign3A_635 : i1 to i32
      %sign3A_637 = arith.constant 0 : i32
      %sign3A_638 = arith.cmpi slt, %jit3A_625, %sign3A_637 : i32
      %sign3A_639 = arith.extui %sign3A_638 : i1 to i32
      %sign3A_640 = arith.subi %sign3A_636, %sign3A_639 : i32
      %ne3A_641 = arith.cmpi ne, %sign3A_633, %sign3A_640 : i32
      %rem3A_642 = arith.remsi %add3A_624, %jit3A_625 : i32
      %ne3A_643 = arith.constant 0 : i32
      %ne3A_644 = arith.cmpi ne, %rem3A_642, %ne3A_643 : i32
      %and3A_645 = arith.andi %ne3A_641, %ne3A_644 : i1
      %sub3A_646 = arith.constant 1 : i32
      %sub3A_647 = arith.subi %div3A_626, %sub3A_646 : i32
      %select_n3A_648 = arith.select %and3A_645, %sub3A_647, %div3A_626 : i32
      %dma_wait3A = arith.constant 0 : i32
      %dma_wait3A_649 = tpu.memref_slice %arg3[%dma_wait3A] : memref<2097152xi32, #tpu.memory_space<hbm>> -> memref<8192xi32, #tpu.memory_space<hbm>>
      %dma_wait3A_650 = arith.constant 0 : i32
      %dma_wait3A_651 = tpu.memref_slice %arg3[%dma_wait3A_650] : memref<2097152xi32, #tpu.memory_space<hbm>> -> memref<8192xi32, #tpu.memory_space<hbm>>
      tpu.wait_dma2 semaphore(%arg11 : memref<!tpu.dma_semaphore, #tpu.memory_space<semaphore_mem>>) src(%dma_wait3A_651 : memref<8192xi32, #tpu.memory_space<hbm>>) dst(%arg7 : memref<8192xi32, #tpu.memory_space<vmem>>)
      %dma_wait3A_652 = arith.constant 0 : i32
      %dma_wait3A_653 = tpu.memref_slice %arg4[%dma_wait3A_652] : memref<2097152xf32, #tpu.memory_space<hbm>> -> memref<8192xf32, #tpu.memory_space<hbm>>
      %dma_wait3A_654 = arith.constant 0 : i32
      %dma_wait3A_655 = tpu.memref_slice %arg4[%dma_wait3A_654] : memref<2097152xf32, #tpu.memory_space<hbm>> -> memref<8192xf32, #tpu.memory_space<hbm>>
      tpu.wait_dma2 semaphore(%arg13 : memref<!tpu.dma_semaphore, #tpu.memory_space<semaphore_mem>>) src(%dma_wait3A_655 : memref<8192xf32, #tpu.memory_space<hbm>>) dst(%arg9 : memref<8192xf32, #tpu.memory_space<vmem>>)
      %scan3A_656 = arith.constant 0 : i32
      %scan3A_657 = arith.constant 64 : i32
      %scan3A_658 = arith.addi %scan3A_656, %scan3A_657 : i32
      %scan3A_659 = arith.constant 1 : i32
      scf.for %scan3A_713 = %scan3A_656 to %scan3A_658 step %scan3A_659  : i32 {
        %mul3A_714 = arith.constant 1 : i32
        %mul3A_715 = arith.muli %scan3A_713, %mul3A_714 : i32
        %add3A_716 = arith.constant 0 : i32
        %add3A_717 = arith.addi %add3A_716, %mul3A_715 : i32
        %mul3A_718 = arith.constant 8 : i32
        %mul3A_719 = arith.muli %add3A_717, %mul3A_718 : i32
        %add3A_720 = arith.constant 0 : i32
        %add3A_721 = arith.addi %mul3A_719, %add3A_720 : i32
        %mul3A_722 = arith.constant 16 : i32
        %mul3A_723 = arith.muli %add3A_721, %mul3A_722 : i32
        %get3A = arith.index_cast %mul3A_723 : i32 to index
        %get3A_724 = tpu.vector_load %arg7[%get3A] {strides = array<i32>} : memref<8192xi32, #tpu.memory_space<vmem>>, vector<16xi32>,
        %get3A_725 = arith.index_cast %mul3A_723 : i32 to index
        %get3A_726 = tpu.vector_load %arg9[%get3A_725] {strides = array<i32>} : memref<8192xf32, #tpu.memory_space<vmem>>, vector<16xf32>,
        %mul3A_727 = arith.constant 8 : i32
        %mul3A_728 = arith.muli %add3A_717, %mul3A_727 : i32
        %add3A_729 = arith.constant 1 : i32
        %add3A_730 = arith.addi %mul3A_728, %add3A_729 : i32
        %mul3A_731 = arith.constant 16 : i32
        %mul3A_732 = arith.muli %add3A_730, %mul3A_731 : i32
        %get3A_733 = arith.index_cast %mul3A_732 : i32 to index
        %get3A_734 = tpu.vector_load %arg7[%get3A_733] {strides = array<i32>} : memref<8192xi32, #tpu.memory_space<vmem>>, vector<16xi32>,
        %get3A_735 = arith.index_cast %mul3A_732 : i32 to index
        %get3A_736 = tpu.vector_load %arg9[%get3A_735] {strides = array<i32>} : memref<8192xf32, #tpu.memory_space<vmem>>, vector<16xf32>,
        %mul3A_737 = arith.constant 8 : i32
        %mul3A_738 = arith.muli %add3A_717, %mul3A_737 : i32
        %add3A_739 = arith.constant 2 : i32
        %add3A_740 = arith.addi %mul3A_738, %add3A_739 : i32
        %mul3A_741 = arith.constant 16 : i32
        %mul3A_742 = arith.muli %add3A_740, %mul3A_741 : i32
        %get3A_743 = arith.index_cast %mul3A_742 : i32 to index
        %get3A_744 = tpu.vector_load %arg7[%get3A_743] {strides = array<i32>} : memref<8192xi32, #tpu.memory_space<vmem>>, vector<16xi32>,
        %get3A_745 = arith.index_cast %mul3A_742 : i32 to index
        %get3A_746 = tpu.vector_load %arg9[%get3A_745] {strides = array<i32>} : memref<8192xf32, #tpu.memory_space<vmem>>, vector<16xf32>,
        %mul3A_747 = arith.constant 8 : i32
        %mul3A_748 = arith.muli %add3A_717, %mul3A_747 : i32
        %add3A_749 = arith.constant 3 : i32
        %add3A_750 = arith.addi %mul3A_748, %add3A_749 : i32
        %mul3A_751 = arith.constant 16 : i32
        %mul3A_752 = arith.muli %add3A_750, %mul3A_751 : i32
        %get3A_753 = arith.index_cast %mul3A_752 : i32 to index
        %get3A_754 = tpu.vector_load %arg7[%get3A_753] {strides = array<i32>} : memref<8192xi32, #tpu.memory_space<vmem>>, vector<16xi32>,
        %get3A_755 = arith.index_cast %mul3A_752 : i32 to index
        %get3A_756 = tpu.vector_load %arg9[%get3A_755] {strides = array<i32>} : memref<8192xf32, #tpu.memory_space<vmem>>, vector<16xf32>,
        %mul3A_757 = arith.constant 8 : i32
        %mul3A_758 = arith.muli %add3A_717, %mul3A_757 : i32
        %add3A_759 = arith.constant 4 : i32
        %add3A_760 = arith.addi %mul3A_758, %add3A_759 : i32
        %mul3A_761 = arith.constant 16 : i32
        %mul3A_762 = arith.muli %add3A_760, %mul3A_761 : i32
        %get3A_763 = arith.index_cast %mul3A_762 : i32 to index
        %get3A_764 = tpu.vector_load %arg7[%get3A_763] {strides = array<i32>} : memref<8192xi32, #tpu.memory_space<vmem>>, vector<16xi32>,
        %get3A_765 = arith.index_cast %mul3A_762 : i32 to index
        %get3A_766 = tpu.vector_load %arg9[%get3A_765] {strides = array<i32>} : memref<8192xf32, #tpu.memory_space<vmem>>, vector<16xf32>,
        %mul3A_767 = arith.constant 8 : i32
        %mul3A_768 = arith.muli %add3A_717, %mul3A_767 : i32
        %add3A_769 = arith.constant 5 : i32
        %add3A_770 = arith.addi %mul3A_768, %add3A_769 : i32
        %mul3A_771 = arith.constant 16 : i32
        %mul3A_772 = arith.muli %add3A_770, %mul3A_771 : i32
        %get3A_773 = arith.index_cast %mul3A_772 : i32 to index
        %get3A_774 = tpu.vector_load %arg7[%get3A_773] {strides = array<i32>} : memref<8192xi32, #tpu.memory_space<vmem>>, vector<16xi32>,
        %get3A_775 = arith.index_cast %mul3A_772 : i32 to index
        %get3A_776 = tpu.vector_load %arg9[%get3A_775] {strides = array<i32>} : memref<8192xf32, #tpu.memory_space<vmem>>, vector<16xf32>,
        %mul3A_777 = arith.constant 8 : i32
        %mul3A_778 = arith.muli %add3A_717, %mul3A_777 : i32
        %add3A_779 = arith.constant 6 : i32
        %add3A_780 = arith.addi %mul3A_778, %add3A_779 : i32
        %mul3A_781 = arith.constant 16 : i32
        %mul3A_782 = arith.muli %add3A_780, %mul3A_781 : i32
        %get3A_783 = arith.index_cast %mul3A_782 : i32 to index
        %get3A_784 = tpu.vector_load %arg7[%get3A_783] {strides = array<i32>} : memref<8192xi32, #tpu.memory_space<vmem>>, vector<16xi32>,
        %get3A_785 = arith.index_cast %mul3A_782 : i32 to index
        %get3A_786 = tpu.vector_load %arg9[%get3A_785] {strides = array<i32>} : memref<8192xf32, #tpu.memory_space<vmem>>, vector<16xf32>,
        %mul3A_787 = arith.constant 8 : i32
        %mul3A_788 = arith.muli %add3A_717, %mul3A_787 : i32
        %add3A_789 = arith.constant 7 : i32
        %add3A_790 = arith.addi %mul3A_788, %add3A_789 : i32
        %mul3A_791 = arith.constant 16 : i32
        %mul3A_792 = arith.muli %add3A_790, %mul3A_791 : i32
        %get3A_793 = arith.index_cast %mul3A_792 : i32 to index
        %get3A_794 = tpu.vector_load %arg7[%get3A_793] {strides = array<i32>} : memref<8192xi32, #tpu.memory_space<vmem>>, vector<16xi32>,
        %get3A_795 = arith.index_cast %mul3A_792 : i32 to index
        %get3A_796 = tpu.vector_load %arg9[%get3A_795] {strides = array<i32>} : memref<8192xf32, #tpu.memory_space<vmem>>, vector<16xf32>,
        %broadcast_in_dim3A = vector.broadcast %select_n3A_648 : i32 to vector<16xi32>
        %sub3A_797 = vector.broadcast %mul3A_233 : i32 to vector<16xi32>
        %sub3A_798 = arith.subi %get3A_724, %sub3A_797 : vector<16xi32>
        %lt3A_799 = arith.constant 10000 : i32
        %lt3A_800 = vector.broadcast %lt3A_799 : i32 to vector<16xi32>
        %lt3A_801 = arith.cmpi ult, %sub3A_798, %lt3A_800 : vector<16xi32>
        tpu.vector_store_idx %arg6[%sub3A_798, %broadcast_in_dim3A], %get3A_726 masked %lt3A_801 : memref<10000x8xf32, #tpu.memory_space<vmem>>[vector<16xi32>, vector<16xi32>], vector<16xf32>, vector<16xi1>
        %sub3A_802 = vector.broadcast %mul3A_233 : i32 to vector<16xi32>
        %sub3A_803 = arith.subi %get3A_734, %sub3A_802 : vector<16xi32>
        %lt3A_804 = arith.constant 10000 : i32
        %lt3A_805 = vector.broadcast %lt3A_804 : i32 to vector<16xi32>
        %lt3A_806 = arith.cmpi ult, %sub3A_803, %lt3A_805 : vector<16xi32>
        tpu.vector_store_idx %arg6[%sub3A_803, %broadcast_in_dim3A], %get3A_736 masked %lt3A_806 : memref<10000x8xf32, #tpu.memory_space<vmem>>[vector<16xi32>, vector<16xi32>], vector<16xf32>, vector<16xi1>
        %sub3A_807 = vector.broadcast %mul3A_233 : i32 to vector<16xi32>
        %sub3A_808 = arith.subi %get3A_744, %sub3A_807 : vector<16xi32>
        %lt3A_809 = arith.constant 10000 : i32
        %lt3A_810 = vector.broadcast %lt3A_809 : i32 to vector<16xi32>
        %lt3A_811 = arith.cmpi ult, %sub3A_808, %lt3A_810 : vector<16xi32>
        tpu.vector_store_idx %arg6[%sub3A_808, %broadcast_in_dim3A], %get3A_746 masked %lt3A_811 : memref<10000x8xf32, #tpu.memory_space<vmem>>[vector<16xi32>, vector<16xi32>], vector<16xf32>, vector<16xi1>
        %sub3A_812 = vector.broadcast %mul3A_233 : i32 to vector<16xi32>
        %sub3A_813 = arith.subi %get3A_754, %sub3A_812 : vector<16xi32>
        %lt3A_814 = arith.constant 10000 : i32
        %lt3A_815 = vector.broadcast %lt3A_814 : i32 to vector<16xi32>
        %lt3A_816 = arith.cmpi ult, %sub3A_813, %lt3A_815 : vector<16xi32>
        tpu.vector_store_idx %arg6[%sub3A_813, %broadcast_in_dim3A], %get3A_756 masked %lt3A_816 : memref<10000x8xf32, #tpu.memory_space<vmem>>[vector<16xi32>, vector<16xi32>], vector<16xf32>, vector<16xi1>
        %sub3A_817 = vector.broadcast %mul3A_233 : i32 to vector<16xi32>
        %sub3A_818 = arith.subi %get3A_764, %sub3A_817 : vector<16xi32>
        %lt3A_819 = arith.constant 10000 : i32
        %lt3A_820 = vector.broadcast %lt3A_819 : i32 to vector<16xi32>
        %lt3A_821 = arith.cmpi ult, %sub3A_818, %lt3A_820 : vector<16xi32>
        tpu.vector_store_idx %arg6[%sub3A_818, %broadcast_in_dim3A], %get3A_766 masked %lt3A_821 : memref<10000x8xf32, #tpu.memory_space<vmem>>[vector<16xi32>, vector<16xi32>], vector<16xf32>, vector<16xi1>
        %sub3A_822 = vector.broadcast %mul3A_233 : i32 to vector<16xi32>
        %sub3A_823 = arith.subi %get3A_774, %sub3A_822 : vector<16xi32>
        %lt3A_824 = arith.constant 10000 : i32
        %lt3A_825 = vector.broadcast %lt3A_824 : i32 to vector<16xi32>
        %lt3A_826 = arith.cmpi ult, %sub3A_823, %lt3A_825 : vector<16xi32>
        tpu.vector_store_idx %arg6[%sub3A_823, %broadcast_in_dim3A], %get3A_776 masked %lt3A_826 : memref<10000x8xf32, #tpu.memory_space<vmem>>[vector<16xi32>, vector<16xi32>], vector<16xf32>, vector<16xi1>
        %sub3A_827 = vector.broadcast %mul3A_233 : i32 to vector<16xi32>
        %sub3A_828 = arith.subi %get3A_784, %sub3A_827 : vector<16xi32>
        %lt3A_829 = arith.constant 10000 : i32
        %lt3A_830 = vector.broadcast %lt3A_829 : i32 to vector<16xi32>
        %lt3A_831 = arith.cmpi ult, %sub3A_828, %lt3A_830 : vector<16xi32>
        tpu.vector_store_idx %arg6[%sub3A_828, %broadcast_in_dim3A], %get3A_786 masked %lt3A_831 : memref<10000x8xf32, #tpu.memory_space<vmem>>[vector<16xi32>, vector<16xi32>], vector<16xf32>, vector<16xi1>
        %sub3A_832 = vector.broadcast %mul3A_233 : i32 to vector<16xi32>
        %sub3A_833 = arith.subi %get3A_794, %sub3A_832 : vector<16xi32>
        %lt3A_834 = arith.constant 10000 : i32
        %lt3A_835 = vector.broadcast %lt3A_834 : i32 to vector<16xi32>
        %lt3A_836 = arith.cmpi ult, %sub3A_833, %lt3A_835 : vector<16xi32>
        tpu.vector_store_idx %arg6[%sub3A_833, %broadcast_in_dim3A], %get3A_796 masked %lt3A_836 : memref<10000x8xf32, #tpu.memory_space<vmem>>[vector<16xi32>, vector<16xi32>], vector<16xf32>, vector<16xi1>
      }
      %scan3A_660 = arith.constant 64 : i32
      %add3A_661 = arith.constant 2 : i32
      %add3A_662 = arith.addi %add3A_624, %add3A_661 : i32
      %lt3A = arith.constant 16 : i32
      %lt3A_663 = arith.cmpi slt, %add3A_662, %lt3A : i32
      %convert_element_type3A = arith.extui %lt3A_663 : i1 to i32
      %cond3A = arith.constant 0 : i32
      %cond3A_664 = arith.cmpi ne, %convert_element_type3A, %cond3A : i32
      scf.if %cond3A_664 {
        %jit3A_713 = arith.constant 2 : i32
        %div3A_714 = arith.divsi %add3A_662, %jit3A_713 : i32
        %sign3A_715 = arith.constant 0 : i32
        %sign3A_716 = arith.cmpi sgt, %add3A_662, %sign3A_715 : i32
        %sign3A_717 = arith.extui %sign3A_716 : i1 to i32
        %sign3A_718 = arith.constant 0 : i32
        %sign3A_719 = arith.cmpi slt, %add3A_662, %sign3A_718 : i32
        %sign3A_720 = arith.extui %sign3A_719 : i1 to i32
        %sign3A_721 = arith.subi %sign3A_717, %sign3A_720 : i32
        %sign3A_722 = arith.constant 0 : i32
        %sign3A_723 = arith.cmpi sgt, %jit3A_713, %sign3A_722 : i32
        %sign3A_724 = arith.extui %sign3A_723 : i1 to i32
        %sign3A_725 = arith.constant 0 : i32
        %sign3A_726 = arith.cmpi slt, %jit3A_713, %sign3A_725 : i32
        %sign3A_727 = arith.extui %sign3A_726 : i1 to i32
        %sign3A_728 = arith.subi %sign3A_724, %sign3A_727 : i32
        %ne3A_729 = arith.cmpi ne, %sign3A_721, %sign3A_728 : i32
        %rem3A_730 = arith.remsi %add3A_662, %jit3A_713 : i32
        %ne3A_731 = arith.constant 0 : i32
        %ne3A_732 = arith.cmpi ne, %rem3A_730, %ne3A_731 : i32
        %and3A_733 = arith.andi %ne3A_729, %ne3A_732 : i1
        %sub3A_734 = arith.constant 1 : i32
        %sub3A_735 = arith.subi %div3A_714, %sub3A_734 : i32
        %select_n3A_736 = arith.select %and3A_733, %sub3A_735, %div3A_714 : i32
        %rem3A_737 = arith.constant 2 : i32
        %rem3A_738 = arith.remsi %add3A_662, %rem3A_737 : i32
        %mul3A_739 = arith.constant 8 : i32
        %mul3A_740 = arith.muli %rem3A_207, %mul3A_739 : i32
        %add3A_741 = arith.addi %mul3A_740, %select_n3A_736 : i32
        %mul3A_742 = arith.constant 16384 : i32
        %mul3A_743 = arith.muli %add3A_741, %mul3A_742 : i32
        %mul3A_744 = arith.constant 8192 : i32
        %mul3A_745 = arith.muli %rem3A_738, %mul3A_744 : i32
        %add3A_746 = arith.addi %mul3A_743, %mul3A_745 : i32
        %dma_start3A_747 = tpu.memref_slice %arg3[%add3A_746] : memref<2097152xi32, #tpu.memory_space<hbm>> -> memref<8192xi32, #tpu.memory_space<hbm>>
        %dma_start3A_748 = tpu.memref_slice %arg3[%add3A_746] : memref<2097152xi32, #tpu.memory_space<hbm>> -> memref<8192xi32, #tpu.memory_space<hbm>>
        tpu.enqueue_dma source(%dma_start3A_748 : memref<8192xi32, #tpu.memory_space<hbm>>) target(%arg7 : memref<8192xi32, #tpu.memory_space<vmem>>) target_semaphore(%arg11 : memref<!tpu.dma_semaphore, #tpu.memory_space<semaphore_mem>>)
        %dma_start3A_749 = tpu.memref_slice %arg4[%add3A_746] : memref<2097152xf32, #tpu.memory_space<hbm>> -> memref<8192xf32, #tpu.memory_space<hbm>>
        %dma_start3A_750 = tpu.memref_slice %arg4[%add3A_746] : memref<2097152xf32, #tpu.memory_space<hbm>> -> memref<8192xf32, #tpu.memory_space<hbm>>
        tpu.enqueue_dma source(%dma_start3A_750 : memref<8192xf32, #tpu.memory_space<hbm>>) target(%arg9 : memref<8192xf32, #tpu.memory_space<vmem>>) target_semaphore(%arg13 : memref<!tpu.dma_semaphore, #tpu.memory_space<semaphore_mem>>)
      } else {
      }
      %mul3A_665 = arith.constant 2 : i32
      %mul3A_666 = arith.muli %mul3A_665, %add3A_620 : i32
      %add3A_667 = arith.constant 1 : i32
      %add3A_668 = arith.addi %mul3A_666, %add3A_667 : i32
      %jit3A_669 = arith.constant 2 : i32
      %div3A_670 = arith.divsi %add3A_668, %jit3A_669 : i32
      %sign3A_671 = arith.constant 0 : i32
      %sign3A_672 = arith.cmpi sgt, %add3A_668, %sign3A_671 : i32
      %sign3A_673 = arith.extui %sign3A_672 : i1 to i32
      %sign3A_674 = arith.constant 0 : i32
      %sign3A_675 = arith.cmpi slt, %add3A_668, %sign3A_674 : i32
      %sign3A_676 = arith.extui %sign3A_675 : i1 to i32
      %sign3A_677 = arith.subi %sign3A_673, %sign3A_676 : i32
      %sign3A_678 = arith.constant 0 : i32
      %sign3A_679 = arith.cmpi sgt, %jit3A_669, %sign3A_678 : i32
      %sign3A_680 = arith.extui %sign3A_679 : i1 to i32
      %sign3A_681 = arith.constant 0 : i32
      %sign3A_682 = arith.cmpi slt, %jit3A_669, %sign3A_681 : i32
      %sign3A_683 = arith.extui %sign3A_682 : i1 to i32
      %sign3A_684 = arith.subi %sign3A_680, %sign3A_683 : i32
      %ne3A_685 = arith.cmpi ne, %sign3A_677, %sign3A_684 : i32
      %rem3A_686 = arith.remsi %add3A_668, %jit3A_669 : i32
      %ne3A_687 = arith.constant 0 : i32
      %ne3A_688 = arith.cmpi ne, %rem3A_686, %ne3A_687 : i32
      %and3A_689 = arith.andi %ne3A_685, %ne3A_688 : i1
      %sub3A_690 = arith.constant 1 : i32
      %sub3A_691 = arith.subi %div3A_670, %sub3A_690 : i32
      %select_n3A_692 = arith.select %and3A_689, %sub3A_691, %div3A_670 : i32
      %dma_wait3A_693 = arith.constant 0 : i32
      %dma_wait3A_694 = tpu.memref_slice %arg3[%dma_wait3A_693] : memref<2097152xi32, #tpu.memory_space<hbm>> -> memref<8192xi32, #tpu.memory_space<hbm>>
      %dma_wait3A_695 = arith.constant 0 : i32
      %dma_wait3A_696 = tpu.memref_slice %arg3[%dma_wait3A_695] : memref<2097152xi32, #tpu.memory_space<hbm>> -> memref<8192xi32, #tpu.memory_space<hbm>>
      tpu.wait_dma2 semaphore(%arg12 : memref<!tpu.dma_semaphore, #tpu.memory_space<semaphore_mem>>) src(%dma_wait3A_696 : memref<8192xi32, #tpu.memory_space<hbm>>) dst(%arg8 : memref<8192xi32, #tpu.memory_space<vmem>>)
      %dma_wait3A_697 = arith.constant 0 : i32
      %dma_wait3A_698 = tpu.memref_slice %arg4[%dma_wait3A_697] : memref<2097152xf32, #tpu.memory_space<hbm>> -> memref<8192xf32, #tpu.memory_space<hbm>>
      %dma_wait3A_699 = arith.constant 0 : i32
      %dma_wait3A_700 = tpu.memref_slice %arg4[%dma_wait3A_699] : memref<2097152xf32, #tpu.memory_space<hbm>> -> memref<8192xf32, #tpu.memory_space<hbm>>
      tpu.wait_dma2 semaphore(%arg14 : memref<!tpu.dma_semaphore, #tpu.memory_space<semaphore_mem>>) src(%dma_wait3A_700 : memref<8192xf32, #tpu.memory_space<hbm>>) dst(%arg10 : memref<8192xf32, #tpu.memory_space<vmem>>)
      %scan3A_701 = arith.constant 0 : i32
      %scan3A_702 = arith.constant 64 : i32
      %scan3A_703 = arith.addi %scan3A_701, %scan3A_702 : i32
      %scan3A_704 = arith.constant 1 : i32
      scf.for %scan3A_713 = %scan3A_701 to %scan3A_703 step %scan3A_704  : i32 {
        %mul3A_714 = arith.constant 1 : i32
        %mul3A_715 = arith.muli %scan3A_713, %mul3A_714 : i32
        %add3A_716 = arith.constant 0 : i32
        %add3A_717 = arith.addi %add3A_716, %mul3A_715 : i32
        %mul3A_718 = arith.constant 8 : i32
        %mul3A_719 = arith.muli %add3A_717, %mul3A_718 : i32
        %add3A_720 = arith.constant 0 : i32
        %add3A_721 = arith.addi %mul3A_719, %add3A_720 : i32
        %mul3A_722 = arith.constant 16 : i32
        %mul3A_723 = arith.muli %add3A_721, %mul3A_722 : i32
        %get3A = arith.index_cast %mul3A_723 : i32 to index
        %get3A_724 = tpu.vector_load %arg8[%get3A] {strides = array<i32>} : memref<8192xi32, #tpu.memory_space<vmem>>, vector<16xi32>,
        %get3A_725 = arith.index_cast %mul3A_723 : i32 to index
        %get3A_726 = tpu.vector_load %arg10[%get3A_725] {strides = array<i32>} : memref<8192xf32, #tpu.memory_space<vmem>>, vector<16xf32>,
        %mul3A_727 = arith.constant 8 : i32
        %mul3A_728 = arith.muli %add3A_717, %mul3A_727 : i32
        %add3A_729 = arith.constant 1 : i32
        %add3A_730 = arith.addi %mul3A_728, %add3A_729 : i32
        %mul3A_731 = arith.constant 16 : i32
        %mul3A_732 = arith.muli %add3A_730, %mul3A_731 : i32
        %get3A_733 = arith.index_cast %mul3A_732 : i32 to index
        %get3A_734 = tpu.vector_load %arg8[%get3A_733] {strides = array<i32>} : memref<8192xi32, #tpu.memory_space<vmem>>, vector<16xi32>,
        %get3A_735 = arith.index_cast %mul3A_732 : i32 to index
        %get3A_736 = tpu.vector_load %arg10[%get3A_735] {strides = array<i32>} : memref<8192xf32, #tpu.memory_space<vmem>>, vector<16xf32>,
        %mul3A_737 = arith.constant 8 : i32
        %mul3A_738 = arith.muli %add3A_717, %mul3A_737 : i32
        %add3A_739 = arith.constant 2 : i32
        %add3A_740 = arith.addi %mul3A_738, %add3A_739 : i32
        %mul3A_741 = arith.constant 16 : i32
        %mul3A_742 = arith.muli %add3A_740, %mul3A_741 : i32
        %get3A_743 = arith.index_cast %mul3A_742 : i32 to index
        %get3A_744 = tpu.vector_load %arg8[%get3A_743] {strides = array<i32>} : memref<8192xi32, #tpu.memory_space<vmem>>, vector<16xi32>,
        %get3A_745 = arith.index_cast %mul3A_742 : i32 to index
        %get3A_746 = tpu.vector_load %arg10[%get3A_745] {strides = array<i32>} : memref<8192xf32, #tpu.memory_space<vmem>>, vector<16xf32>,
        %mul3A_747 = arith.constant 8 : i32
        %mul3A_748 = arith.muli %add3A_717, %mul3A_747 : i32
        %add3A_749 = arith.constant 3 : i32
        %add3A_750 = arith.addi %mul3A_748, %add3A_749 : i32
        %mul3A_751 = arith.constant 16 : i32
        %mul3A_752 = arith.muli %add3A_750, %mul3A_751 : i32
        %get3A_753 = arith.index_cast %mul3A_752 : i32 to index
        %get3A_754 = tpu.vector_load %arg8[%get3A_753] {strides = array<i32>} : memref<8192xi32, #tpu.memory_space<vmem>>, vector<16xi32>,
        %get3A_755 = arith.index_cast %mul3A_752 : i32 to index
        %get3A_756 = tpu.vector_load %arg10[%get3A_755] {strides = array<i32>} : memref<8192xf32, #tpu.memory_space<vmem>>, vector<16xf32>,
        %mul3A_757 = arith.constant 8 : i32
        %mul3A_758 = arith.muli %add3A_717, %mul3A_757 : i32
        %add3A_759 = arith.constant 4 : i32
        %add3A_760 = arith.addi %mul3A_758, %add3A_759 : i32
        %mul3A_761 = arith.constant 16 : i32
        %mul3A_762 = arith.muli %add3A_760, %mul3A_761 : i32
        %get3A_763 = arith.index_cast %mul3A_762 : i32 to index
        %get3A_764 = tpu.vector_load %arg8[%get3A_763] {strides = array<i32>} : memref<8192xi32, #tpu.memory_space<vmem>>, vector<16xi32>,
        %get3A_765 = arith.index_cast %mul3A_762 : i32 to index
        %get3A_766 = tpu.vector_load %arg10[%get3A_765] {strides = array<i32>} : memref<8192xf32, #tpu.memory_space<vmem>>, vector<16xf32>,
        %mul3A_767 = arith.constant 8 : i32
        %mul3A_768 = arith.muli %add3A_717, %mul3A_767 : i32
        %add3A_769 = arith.constant 5 : i32
        %add3A_770 = arith.addi %mul3A_768, %add3A_769 : i32
        %mul3A_771 = arith.constant 16 : i32
        %mul3A_772 = arith.muli %add3A_770, %mul3A_771 : i32
        %get3A_773 = arith.index_cast %mul3A_772 : i32 to index
        %get3A_774 = tpu.vector_load %arg8[%get3A_773] {strides = array<i32>} : memref<8192xi32, #tpu.memory_space<vmem>>, vector<16xi32>,
        %get3A_775 = arith.index_cast %mul3A_772 : i32 to index
        %get3A_776 = tpu.vector_load %arg10[%get3A_775] {strides = array<i32>} : memref<8192xf32, #tpu.memory_space<vmem>>, vector<16xf32>,
        %mul3A_777 = arith.constant 8 : i32
        %mul3A_778 = arith.muli %add3A_717, %mul3A_777 : i32
        %add3A_779 = arith.constant 6 : i32
        %add3A_780 = arith.addi %mul3A_778, %add3A_779 : i32
        %mul3A_781 = arith.constant 16 : i32
        %mul3A_782 = arith.muli %add3A_780, %mul3A_781 : i32
        %get3A_783 = arith.index_cast %mul3A_782 : i32 to index
        %get3A_784 = tpu.vector_load %arg8[%get3A_783] {strides = array<i32>} : memref<8192xi32, #tpu.memory_space<vmem>>, vector<16xi32>,
        %get3A_785 = arith.index_cast %mul3A_782 : i32 to index
        %get3A_786 = tpu.vector_load %arg10[%get3A_785] {strides = array<i32>} : memref<8192xf32, #tpu.memory_space<vmem>>, vector<16xf32>,
        %mul3A_787 = arith.constant 8 : i32
        %mul3A_788 = arith.muli %add3A_717, %mul3A_787 : i32
        %add3A_789 = arith.constant 7 : i32
        %add3A_790 = arith.addi %mul3A_788, %add3A_789 : i32
        %mul3A_791 = arith.constant 16 : i32
        %mul3A_792 = arith.muli %add3A_790, %mul3A_791 : i32
        %get3A_793 = arith.index_cast %mul3A_792 : i32 to index
        %get3A_794 = tpu.vector_load %arg8[%get3A_793] {strides = array<i32>} : memref<8192xi32, #tpu.memory_space<vmem>>, vector<16xi32>,
        %get3A_795 = arith.index_cast %mul3A_792 : i32 to index
        %get3A_796 = tpu.vector_load %arg10[%get3A_795] {strides = array<i32>} : memref<8192xf32, #tpu.memory_space<vmem>>, vector<16xf32>,
        %broadcast_in_dim3A = vector.broadcast %select_n3A_692 : i32 to vector<16xi32>
        %sub3A_797 = vector.broadcast %mul3A_233 : i32 to vector<16xi32>
        %sub3A_798 = arith.subi %get3A_724, %sub3A_797 : vector<16xi32>
        %lt3A_799 = arith.constant 10000 : i32
        %lt3A_800 = vector.broadcast %lt3A_799 : i32 to vector<16xi32>
        %lt3A_801 = arith.cmpi ult, %sub3A_798, %lt3A_800 : vector<16xi32>
        tpu.vector_store_idx %arg6[%sub3A_798, %broadcast_in_dim3A], %get3A_726 masked %lt3A_801 : memref<10000x8xf32, #tpu.memory_space<vmem>>[vector<16xi32>, vector<16xi32>], vector<16xf32>, vector<16xi1>
        %sub3A_802 = vector.broadcast %mul3A_233 : i32 to vector<16xi32>
        %sub3A_803 = arith.subi %get3A_734, %sub3A_802 : vector<16xi32>
        %lt3A_804 = arith.constant 10000 : i32
        %lt3A_805 = vector.broadcast %lt3A_804 : i32 to vector<16xi32>
        %lt3A_806 = arith.cmpi ult, %sub3A_803, %lt3A_805 : vector<16xi32>
        tpu.vector_store_idx %arg6[%sub3A_803, %broadcast_in_dim3A], %get3A_736 masked %lt3A_806 : memref<10000x8xf32, #tpu.memory_space<vmem>>[vector<16xi32>, vector<16xi32>], vector<16xf32>, vector<16xi1>
        %sub3A_807 = vector.broadcast %mul3A_233 : i32 to vector<16xi32>
        %sub3A_808 = arith.subi %get3A_744, %sub3A_807 : vector<16xi32>
        %lt3A_809 = arith.constant 10000 : i32
        %lt3A_810 = vector.broadcast %lt3A_809 : i32 to vector<16xi32>
        %lt3A_811 = arith.cmpi ult, %sub3A_808, %lt3A_810 : vector<16xi32>
        tpu.vector_store_idx %arg6[%sub3A_808, %broadcast_in_dim3A], %get3A_746 masked %lt3A_811 : memref<10000x8xf32, #tpu.memory_space<vmem>>[vector<16xi32>, vector<16xi32>], vector<16xf32>, vector<16xi1>
        %sub3A_812 = vector.broadcast %mul3A_233 : i32 to vector<16xi32>
        %sub3A_813 = arith.subi %get3A_754, %sub3A_812 : vector<16xi32>
        %lt3A_814 = arith.constant 10000 : i32
        %lt3A_815 = vector.broadcast %lt3A_814 : i32 to vector<16xi32>
        %lt3A_816 = arith.cmpi ult, %sub3A_813, %lt3A_815 : vector<16xi32>
        tpu.vector_store_idx %arg6[%sub3A_813, %broadcast_in_dim3A], %get3A_756 masked %lt3A_816 : memref<10000x8xf32, #tpu.memory_space<vmem>>[vector<16xi32>, vector<16xi32>], vector<16xf32>, vector<16xi1>
        %sub3A_817 = vector.broadcast %mul3A_233 : i32 to vector<16xi32>
        %sub3A_818 = arith.subi %get3A_764, %sub3A_817 : vector<16xi32>
        %lt3A_819 = arith.constant 10000 : i32
        %lt3A_820 = vector.broadcast %lt3A_819 : i32 to vector<16xi32>
        %lt3A_821 = arith.cmpi ult, %sub3A_818, %lt3A_820 : vector<16xi32>
        tpu.vector_store_idx %arg6[%sub3A_818, %broadcast_in_dim3A], %get3A_766 masked %lt3A_821 : memref<10000x8xf32, #tpu.memory_space<vmem>>[vector<16xi32>, vector<16xi32>], vector<16xf32>, vector<16xi1>
        %sub3A_822 = vector.broadcast %mul3A_233 : i32 to vector<16xi32>
        %sub3A_823 = arith.subi %get3A_774, %sub3A_822 : vector<16xi32>
        %lt3A_824 = arith.constant 10000 : i32
        %lt3A_825 = vector.broadcast %lt3A_824 : i32 to vector<16xi32>
        %lt3A_826 = arith.cmpi ult, %sub3A_823, %lt3A_825 : vector<16xi32>
        tpu.vector_store_idx %arg6[%sub3A_823, %broadcast_in_dim3A], %get3A_776 masked %lt3A_826 : memref<10000x8xf32, #tpu.memory_space<vmem>>[vector<16xi32>, vector<16xi32>], vector<16xf32>, vector<16xi1>
        %sub3A_827 = vector.broadcast %mul3A_233 : i32 to vector<16xi32>
        %sub3A_828 = arith.subi %get3A_784, %sub3A_827 : vector<16xi32>
        %lt3A_829 = arith.constant 10000 : i32
        %lt3A_830 = vector.broadcast %lt3A_829 : i32 to vector<16xi32>
        %lt3A_831 = arith.cmpi ult, %sub3A_828, %lt3A_830 : vector<16xi32>
        tpu.vector_store_idx %arg6[%sub3A_828, %broadcast_in_dim3A], %get3A_786 masked %lt3A_831 : memref<10000x8xf32, #tpu.memory_space<vmem>>[vector<16xi32>, vector<16xi32>], vector<16xf32>, vector<16xi1>
        %sub3A_832 = vector.broadcast %mul3A_233 : i32 to vector<16xi32>
        %sub3A_833 = arith.subi %get3A_794, %sub3A_832 : vector<16xi32>
        %lt3A_834 = arith.constant 10000 : i32
        %lt3A_835 = vector.broadcast %lt3A_834 : i32 to vector<16xi32>
        %lt3A_836 = arith.cmpi ult, %sub3A_833, %lt3A_835 : vector<16xi32>
        tpu.vector_store_idx %arg6[%sub3A_833, %broadcast_in_dim3A], %get3A_796 masked %lt3A_836 : memref<10000x8xf32, #tpu.memory_space<vmem>>[vector<16xi32>, vector<16xi32>], vector<16xf32>, vector<16xi1>
      }
      %scan3A_705 = arith.constant 64 : i32
      %add3A_706 = arith.constant 2 : i32
      %add3A_707 = arith.addi %add3A_668, %add3A_706 : i32
      %lt3A_708 = arith.constant 16 : i32
      %lt3A_709 = arith.cmpi slt, %add3A_707, %lt3A_708 : i32
      %convert_element_type3A_710 = arith.extui %lt3A_709 : i1 to i32
      %cond3A_711 = arith.constant 0 : i32
      %cond3A_712 = arith.cmpi ne, %convert_element_type3A_710, %cond3A_711 : i32
      scf.if %cond3A_712 {
        %jit3A_713 = arith.constant 2 : i32
        %div3A_714 = arith.divsi %add3A_707, %jit3A_713 : i32
        %sign3A_715 = arith.constant 0 : i32
        %sign3A_716 = arith.cmpi sgt, %add3A_707, %sign3A_715 : i32
        %sign3A_717 = arith.extui %sign3A_716 : i1 to i32
        %sign3A_718 = arith.constant 0 : i32
        %sign3A_719 = arith.cmpi slt, %add3A_707, %sign3A_718 : i32
        %sign3A_720 = arith.extui %sign3A_719 : i1 to i32
        %sign3A_721 = arith.subi %sign3A_717, %sign3A_720 : i32
        %sign3A_722 = arith.constant 0 : i32
        %sign3A_723 = arith.cmpi sgt, %jit3A_713, %sign3A_722 : i32
        %sign3A_724 = arith.extui %sign3A_723 : i1 to i32
        %sign3A_725 = arith.constant 0 : i32
        %sign3A_726 = arith.cmpi slt, %jit3A_713, %sign3A_725 : i32
        %sign3A_727 = arith.extui %sign3A_726 : i1 to i32
        %sign3A_728 = arith.subi %sign3A_724, %sign3A_727 : i32
        %ne3A_729 = arith.cmpi ne, %sign3A_721, %sign3A_728 : i32
        %rem3A_730 = arith.remsi %add3A_707, %jit3A_713 : i32
        %ne3A_731 = arith.constant 0 : i32
        %ne3A_732 = arith.cmpi ne, %rem3A_730, %ne3A_731 : i32
        %and3A_733 = arith.andi %ne3A_729, %ne3A_732 : i1
        %sub3A_734 = arith.constant 1 : i32
        %sub3A_735 = arith.subi %div3A_714, %sub3A_734 : i32
        %select_n3A_736 = arith.select %and3A_733, %sub3A_735, %div3A_714 : i32
        %rem3A_737 = arith.constant 2 : i32
        %rem3A_738 = arith.remsi %add3A_707, %rem3A_737 : i32
        %mul3A_739 = arith.constant 8 : i32
        %mul3A_740 = arith.muli %rem3A_207, %mul3A_739 : i32
        %add3A_741 = arith.addi %mul3A_740, %select_n3A_736 : i32
        %mul3A_742 = arith.constant 16384 : i32
        %mul3A_743 = arith.muli %add3A_741, %mul3A_742 : i32
        %mul3A_744 = arith.constant 8192 : i32
        %mul3A_745 = arith.muli %rem3A_738, %mul3A_744 : i32
        %add3A_746 = arith.addi %mul3A_743, %mul3A_745 : i32
        %dma_start3A_747 = tpu.memref_slice %arg3[%add3A_746] : memref<2097152xi32, #tpu.memory_space<hbm>> -> memref<8192xi32, #tpu.memory_space<hbm>>
        %dma_start3A_748 = tpu.memref_slice %arg3[%add3A_746] : memref<2097152xi32, #tpu.memory_space<hbm>> -> memref<8192xi32, #tpu.memory_space<hbm>>
        tpu.enqueue_dma source(%dma_start3A_748 : memref<8192xi32, #tpu.memory_space<hbm>>) target(%arg8 : memref<8192xi32, #tpu.memory_space<vmem>>) target_semaphore(%arg12 : memref<!tpu.dma_semaphore, #tpu.memory_space<semaphore_mem>>)
        %dma_start3A_749 = tpu.memref_slice %arg4[%add3A_746] : memref<2097152xf32, #tpu.memory_space<hbm>> -> memref<8192xf32, #tpu.memory_space<hbm>>
        %dma_start3A_750 = tpu.memref_slice %arg4[%add3A_746] : memref<2097152xf32, #tpu.memory_space<hbm>> -> memref<8192xf32, #tpu.memory_space<hbm>>
        tpu.enqueue_dma source(%dma_start3A_750 : memref<8192xf32, #tpu.memory_space<hbm>>) target(%arg10 : memref<8192xf32, #tpu.memory_space<vmem>>) target_semaphore(%arg14 : memref<!tpu.dma_semaphore, #tpu.memory_space<semaphore_mem>>)
      } else {
      }
    }
    %scan3A_240 = arith.constant 8 : i32
    %add3A_241 = arith.constant 64 : i32
    %add3A_242 = arith.addi %add3A, %add3A_241 : i32
    %rem3A_243 = arith.constant 16 : i32
    %rem3A_244 = arith.remsi %add3A_242, %rem3A_243 : i32
    %jit3A_245 = arith.constant 16 : i32
    %div3A_246 = arith.divsi %add3A_242, %jit3A_245 : i32
    %sign3A_247 = arith.constant 0 : i32
    %sign3A_248 = arith.cmpi sgt, %add3A_242, %sign3A_247 : i32
    %sign3A_249 = arith.extui %sign3A_248 : i1 to i32
    %sign3A_250 = arith.constant 0 : i32
    %sign3A_251 = arith.cmpi slt, %add3A_242, %sign3A_250 : i32
    %sign3A_252 = arith.extui %sign3A_251 : i1 to i32
    %sign3A_253 = arith.subi %sign3A_249, %sign3A_252 : i32
    %sign3A_254 = arith.constant 0 : i32
    %sign3A_255 = arith.cmpi sgt, %jit3A_245, %sign3A_254 : i32
    %sign3A_256 = arith.extui %sign3A_255 : i1 to i32
    %sign3A_257 = arith.constant 0 : i32
    %sign3A_258 = arith.cmpi slt, %jit3A_245, %sign3A_257 : i32
    %sign3A_259 = arith.extui %sign3A_258 : i1 to i32
    %sign3A_260 = arith.subi %sign3A_256, %sign3A_259 : i32
    %ne3A_261 = arith.cmpi ne, %sign3A_253, %sign3A_260 : i32
    %rem3A_262 = arith.remsi %add3A_242, %jit3A_245 : i32
    %ne3A_263 = arith.constant 0 : i32
    %ne3A_264 = arith.cmpi ne, %rem3A_262, %ne3A_263 : i32
    %and3A_265 = arith.andi %ne3A_261, %ne3A_264 : i1
    %sub3A_266 = arith.constant 1 : i32
    %sub3A_267 = arith.subi %div3A_246, %sub3A_266 : i32
    %select_n3A_268 = arith.select %and3A_265, %sub3A_267, %div3A_246 : i32
    %mul3A_269 = arith.constant 10000 : i32
    %mul3A_270 = arith.muli %select_n3A_268, %mul3A_269 : i32
    %mul3A_271 = arith.constant 8 : i32
    %mul3A_272 = arith.muli %rem3A_244, %mul3A_271 : i32
    %rem3A_273 = arith.constant 0 : i32
    %rem3A_274 = arith.constant 2 : i32
    %rem3A_275 = arith.remsi %rem3A_273, %rem3A_274 : i32
    %mul3A_276 = arith.constant 8 : i32
    %mul3A_277 = arith.muli %rem3A_244, %mul3A_276 : i32
    %add3A_278 = arith.constant 0 : i32
    %add3A_279 = arith.addi %mul3A_277, %add3A_278 : i32
    %mul3A_280 = arith.constant 16384 : i32
    %mul3A_281 = arith.muli %add3A_279, %mul3A_280 : i32
    %mul3A_282 = arith.constant 8192 : i32
    %mul3A_283 = arith.muli %rem3A_275, %mul3A_282 : i32
    %add3A_284 = arith.addi %mul3A_281, %mul3A_283 : i32
    %dma_start3A_285 = tpu.memref_slice %arg3[%add3A_284] : memref<2097152xi32, #tpu.memory_space<hbm>> -> memref<8192xi32, #tpu.memory_space<hbm>>
    %dma_start3A_286 = tpu.memref_slice %arg3[%add3A_284] : memref<2097152xi32, #tpu.memory_space<hbm>> -> memref<8192xi32, #tpu.memory_space<hbm>>
    tpu.enqueue_dma source(%dma_start3A_286 : memref<8192xi32, #tpu.memory_space<hbm>>) target(%arg7 : memref<8192xi32, #tpu.memory_space<vmem>>) target_semaphore(%arg11 : memref<!tpu.dma_semaphore, #tpu.memory_space<semaphore_mem>>)
    %rem3A_287 = arith.constant 0 : i32
    %rem3A_288 = arith.constant 2 : i32
    %rem3A_289 = arith.remsi %rem3A_287, %rem3A_288 : i32
    %mul3A_290 = arith.constant 8 : i32
    %mul3A_291 = arith.muli %rem3A_244, %mul3A_290 : i32
    %add3A_292 = arith.constant 0 : i32
    %add3A_293 = arith.addi %mul3A_291, %add3A_292 : i32
    %mul3A_294 = arith.constant 16384 : i32
    %mul3A_295 = arith.muli %add3A_293, %mul3A_294 : i32
    %mul3A_296 = arith.constant 8192 : i32
    %mul3A_297 = arith.muli %rem3A_289, %mul3A_296 : i32
    %add3A_298 = arith.addi %mul3A_295, %mul3A_297 : i32
    %dma_start3A_299 = tpu.memref_slice %arg4[%add3A_298] : memref<2097152xf32, #tpu.memory_space<hbm>> -> memref<8192xf32, #tpu.memory_space<hbm>>
    %dma_start3A_300 = tpu.memref_slice %arg4[%add3A_298] : memref<2097152xf32, #tpu.memory_space<hbm>> -> memref<8192xf32, #tpu.memory_space<hbm>>
    tpu.enqueue_dma source(%dma_start3A_300 : memref<8192xf32, #tpu.memory_space<hbm>>) target(%arg9 : memref<8192xf32, #tpu.memory_space<vmem>>) target_semaphore(%arg13 : memref<!tpu.dma_semaphore, #tpu.memory_space<semaphore_mem>>)
    %rem3A_301 = arith.constant 1 : i32
    %rem3A_302 = arith.constant 2 : i32
    %rem3A_303 = arith.remsi %rem3A_301, %rem3A_302 : i32
    %mul3A_304 = arith.constant 8 : i32
    %mul3A_305 = arith.muli %rem3A_244, %mul3A_304 : i32
    %add3A_306 = arith.constant 0 : i32
    %add3A_307 = arith.addi %mul3A_305, %add3A_306 : i32
    %mul3A_308 = arith.constant 16384 : i32
    %mul3A_309 = arith.muli %add3A_307, %mul3A_308 : i32
    %mul3A_310 = arith.constant 8192 : i32
    %mul3A_311 = arith.muli %rem3A_303, %mul3A_310 : i32
    %add3A_312 = arith.addi %mul3A_309, %mul3A_311 : i32
    %dma_start3A_313 = tpu.memref_slice %arg3[%add3A_312] : memref<2097152xi32, #tpu.memory_space<hbm>> -> memref<8192xi32, #tpu.memory_space<hbm>>
    %dma_start3A_314 = tpu.memref_slice %arg3[%add3A_312] : memref<2097152xi32, #tpu.memory_space<hbm>> -> memref<8192xi32, #tpu.memory_space<hbm>>
    tpu.enqueue_dma source(%dma_start3A_314 : memref<8192xi32, #tpu.memory_space<hbm>>) target(%arg8 : memref<8192xi32, #tpu.memory_space<vmem>>) target_semaphore(%arg12 : memref<!tpu.dma_semaphore, #tpu.memory_space<semaphore_mem>>)
    %rem3A_315 = arith.constant 1 : i32
    %rem3A_316 = arith.constant 2 : i32
    %rem3A_317 = arith.remsi %rem3A_315, %rem3A_316 : i32
    %mul3A_318 = arith.constant 8 : i32
    %mul3A_319 = arith.muli %rem3A_244, %mul3A_318 : i32
    %add3A_320 = arith.constant 0 : i32
    %add3A_321 = arith.addi %mul3A_319, %add3A_320 : i32
    %mul3A_322 = arith.constant 16384 : i32
    %mul3A_323 = arith.muli %add3A_321, %mul3A_322 : i32
    %mul3A_324 = arith.constant 8192 : i32
    %mul3A_325 = arith.muli %rem3A_317, %mul3A_324 : i32
    %add3A_326 = arith.addi %mul3A_323, %mul3A_325 : i32
    %dma_start3A_327 = tpu.memref_slice %arg4[%add3A_326] : memref<2097152xf32, #tpu.memory_space<hbm>> -> memref<8192xf32, #tpu.memory_space<hbm>>
    %dma_start3A_328 = tpu.memref_slice %arg4[%add3A_326] : memref<2097152xf32, #tpu.memory_space<hbm>> -> memref<8192xf32, #tpu.memory_space<hbm>>
    tpu.enqueue_dma source(%dma_start3A_328 : memref<8192xf32, #tpu.memory_space<hbm>>) target(%arg10 : memref<8192xf32, #tpu.memory_space<vmem>>) target_semaphore(%arg14 : memref<!tpu.dma_semaphore, #tpu.memory_space<semaphore_mem>>)
    "tpu.region"() ({
      %run_scoped3A = tpu.sem_alloc : memref<!tpu.dma_semaphore, #tpu.memory_space<semaphore_mem>>
      %dma_start3A_616 = tpu.memref_slice %arg5[%mul3A_233, %mul3A_235] : memref<100000x128xf32, #tpu.memory_space<hbm>> -> memref<10000x8xf32, #tpu.memory_space<hbm>>
      %dma_start3A_617 = tpu.memref_slice %arg5[%mul3A_233, %mul3A_235] : memref<100000x128xf32, #tpu.memory_space<hbm>> -> memref<10000x8xf32, #tpu.memory_space<hbm>>
      tpu.enqueue_dma source(%arg6 : memref<10000x8xf32, #tpu.memory_space<vmem>>) target(%dma_start3A_617 : memref<10000x8xf32, #tpu.memory_space<hbm>>) target_semaphore(%run_scoped3A : memref<!tpu.dma_semaphore, #tpu.memory_space<semaphore_mem>>)
      %dma_wait3A = tpu.memref_slice %arg5[%mul3A_233, %mul3A_235] : memref<100000x128xf32, #tpu.memory_space<hbm>> -> memref<10000x8xf32, #tpu.memory_space<hbm>>
      %dma_wait3A_618 = tpu.memref_slice %arg5[%mul3A_233, %mul3A_235] : memref<100000x128xf32, #tpu.memory_space<hbm>> -> memref<10000x8xf32, #tpu.memory_space<hbm>>
      tpu.wait_dma2 semaphore(%run_scoped3A : memref<!tpu.dma_semaphore, #tpu.memory_space<semaphore_mem>>) src(%arg6 : memref<10000x8xf32, #tpu.memory_space<vmem>>) dst(%dma_wait3A_618 : memref<10000x8xf32, #tpu.memory_space<hbm>>)
      tpu.yield
    }) : () -> ()
    %add3A_329 = arith.constant 64 : i32
    %add3A_330 = arith.addi %add3A, %add3A_329 : i32
    %rem3A_331 = arith.constant 16 : i32
    %rem3A_332 = arith.remsi %add3A_330, %rem3A_331 : i32
    %jit3A_333 = arith.constant 16 : i32
    %div3A_334 = arith.divsi %add3A_330, %jit3A_333 : i32
    %sign3A_335 = arith.constant 0 : i32
    %sign3A_336 = arith.cmpi sgt, %add3A_330, %sign3A_335 : i32
    %sign3A_337 = arith.extui %sign3A_336 : i1 to i32
    %sign3A_338 = arith.constant 0 : i32
    %sign3A_339 = arith.cmpi slt, %add3A_330, %sign3A_338 : i32
    %sign3A_340 = arith.extui %sign3A_339 : i1 to i32
    %sign3A_341 = arith.subi %sign3A_337, %sign3A_340 : i32
    %sign3A_342 = arith.constant 0 : i32
    %sign3A_343 = arith.cmpi sgt, %jit3A_333, %sign3A_342 : i32
    %sign3A_344 = arith.extui %sign3A_343 : i1 to i32
    %sign3A_345 = arith.constant 0 : i32
    %sign3A_346 = arith.cmpi slt, %jit3A_333, %sign3A_345 : i32
    %sign3A_347 = arith.extui %sign3A_346 : i1 to i32
    %sign3A_348 = arith.subi %sign3A_344, %sign3A_347 : i32
    %ne3A_349 = arith.cmpi ne, %sign3A_341, %sign3A_348 : i32
    %rem3A_350 = arith.remsi %add3A_330, %jit3A_333 : i32
    %ne3A_351 = arith.constant 0 : i32
    %ne3A_352 = arith.cmpi ne, %rem3A_350, %ne3A_351 : i32
    %and3A_353 = arith.andi %ne3A_349, %ne3A_352 : i1
    %sub3A_354 = arith.constant 1 : i32
    %sub3A_355 = arith.subi %div3A_334, %sub3A_354 : i32
    %select_n3A_356 = arith.select %and3A_353, %sub3A_355, %div3A_334 : i32
    %mul3A_357 = arith.constant 10000 : i32
    %mul3A_358 = arith.muli %select_n3A_356, %mul3A_357 : i32
    %mul3A_359 = arith.constant 8 : i32
    %mul3A_360 = arith.muli %rem3A_332, %mul3A_359 : i32
    "tpu.region"() ({
      %run_scoped3A = tpu.sem_alloc : memref<!tpu.dma_semaphore, #tpu.memory_space<semaphore_mem>>
      %dma_start3A_616 = tpu.memref_slice %arg2[%mul3A_358, %mul3A_360] : memref<100000x128xf32, #tpu.memory_space<hbm>> -> memref<10000x8xf32, #tpu.memory_space<hbm>>
      %dma_start3A_617 = tpu.memref_slice %arg2[%mul3A_358, %mul3A_360] : memref<100000x128xf32, #tpu.memory_space<hbm>> -> memref<10000x8xf32, #tpu.memory_space<hbm>>
      tpu.enqueue_dma source(%dma_start3A_617 : memref<10000x8xf32, #tpu.memory_space<hbm>>) target(%arg6 : memref<10000x8xf32, #tpu.memory_space<vmem>>) target_semaphore(%run_scoped3A : memref<!tpu.dma_semaphore, #tpu.memory_space<semaphore_mem>>)
      %dma_wait3A = tpu.memref_slice %arg2[%mul3A_358, %mul3A_360] : memref<100000x128xf32, #tpu.memory_space<hbm>> -> memref<10000x8xf32, #tpu.memory_space<hbm>>
      %dma_wait3A_618 = tpu.memref_slice %arg2[%mul3A_358, %mul3A_360] : memref<100000x128xf32, #tpu.memory_space<hbm>> -> memref<10000x8xf32, #tpu.memory_space<hbm>>
      tpu.wait_dma2 semaphore(%run_scoped3A : memref<!tpu.dma_semaphore, #tpu.memory_space<semaphore_mem>>) src(%dma_wait3A_618 : memref<10000x8xf32, #tpu.memory_space<hbm>>) dst(%arg6 : memref<10000x8xf32, #tpu.memory_space<vmem>>)
      tpu.yield
    }) : () -> ()
    %scan3A_361 = arith.constant 0 : i32
    %scan3A_362 = arith.constant 8 : i32
    %scan3A_363 = arith.addi %scan3A_361, %scan3A_362 : i32
    %scan3A_364 = arith.constant 1 : i32
    scf.for %scan3A_616 = %scan3A_361 to %scan3A_363 step %scan3A_364  : i32 {
      %mul3A_617 = arith.constant 1 : i32
      %mul3A_618 = arith.muli %scan3A_616, %mul3A_617 : i32
      %add3A_619 = arith.constant 0 : i32
      %add3A_620 = arith.addi %add3A_619, %mul3A_618 : i32
      %mul3A_621 = arith.constant 2 : i32
      %mul3A_622 = arith.muli %mul3A_621, %add3A_620 : i32
      %add3A_623 = arith.constant 0 : i32
      %add3A_624 = arith.addi %mul3A_622, %add3A_623 : i32
      %jit3A_625 = arith.constant 2 : i32
      %div3A_626 = arith.divsi %add3A_624, %jit3A_625 : i32
      %sign3A_627 = arith.constant 0 : i32
      %sign3A_628 = arith.cmpi sgt, %add3A_624, %sign3A_627 : i32
      %sign3A_629 = arith.extui %sign3A_628 : i1 to i32
      %sign3A_630 = arith.constant 0 : i32
      %sign3A_631 = arith.cmpi slt, %add3A_624, %sign3A_630 : i32
      %sign3A_632 = arith.extui %sign3A_631 : i1 to i32
      %sign3A_633 = arith.subi %sign3A_629, %sign3A_632 : i32
      %sign3A_634 = arith.constant 0 : i32
      %sign3A_635 = arith.cmpi sgt, %jit3A_625, %sign3A_634 : i32
      %sign3A_636 = arith.extui %sign3A_635 : i1 to i32
      %sign3A_637 = arith.constant 0 : i32
      %sign3A_638 = arith.cmpi slt, %jit3A_625, %sign3A_637 : i32
      %sign3A_639 = arith.extui %sign3A_638 : i1 to i32
      %sign3A_640 = arith.subi %sign3A_636, %sign3A_639 : i32
      %ne3A_641 = arith.cmpi ne, %sign3A_633, %sign3A_640 : i32
      %rem3A_642 = arith.remsi %add3A_624, %jit3A_625 : i32
      %ne3A_643 = arith.constant 0 : i32
      %ne3A_644 = arith.cmpi ne, %rem3A_642, %ne3A_643 : i32
      %and3A_645 = arith.andi %ne3A_641, %ne3A_644 : i1
      %sub3A_646 = arith.constant 1 : i32
      %sub3A_647 = arith.subi %div3A_626, %sub3A_646 : i32
      %select_n3A_648 = arith.select %and3A_645, %sub3A_647, %div3A_626 : i32
      %dma_wait3A = arith.constant 0 : i32
      %dma_wait3A_649 = tpu.memref_slice %arg3[%dma_wait3A] : memref<2097152xi32, #tpu.memory_space<hbm>> -> memref<8192xi32, #tpu.memory_space<hbm>>
      %dma_wait3A_650 = arith.constant 0 : i32
      %dma_wait3A_651 = tpu.memref_slice %arg3[%dma_wait3A_650] : memref<2097152xi32, #tpu.memory_space<hbm>> -> memref<8192xi32, #tpu.memory_space<hbm>>
      tpu.wait_dma2 semaphore(%arg11 : memref<!tpu.dma_semaphore, #tpu.memory_space<semaphore_mem>>) src(%dma_wait3A_651 : memref<8192xi32, #tpu.memory_space<hbm>>) dst(%arg7 : memref<8192xi32, #tpu.memory_space<vmem>>)
      %dma_wait3A_652 = arith.constant 0 : i32
      %dma_wait3A_653 = tpu.memref_slice %arg4[%dma_wait3A_652] : memref<2097152xf32, #tpu.memory_space<hbm>> -> memref<8192xf32, #tpu.memory_space<hbm>>
      %dma_wait3A_654 = arith.constant 0 : i32
      %dma_wait3A_655 = tpu.memref_slice %arg4[%dma_wait3A_654] : memref<2097152xf32, #tpu.memory_space<hbm>> -> memref<8192xf32, #tpu.memory_space<hbm>>
      tpu.wait_dma2 semaphore(%arg13 : memref<!tpu.dma_semaphore, #tpu.memory_space<semaphore_mem>>) src(%dma_wait3A_655 : memref<8192xf32, #tpu.memory_space<hbm>>) dst(%arg9 : memref<8192xf32, #tpu.memory_space<vmem>>)
      %scan3A_656 = arith.constant 0 : i32
      %scan3A_657 = arith.constant 64 : i32
      %scan3A_658 = arith.addi %scan3A_656, %scan3A_657 : i32
      %scan3A_659 = arith.constant 1 : i32
      scf.for %scan3A_713 = %scan3A_656 to %scan3A_658 step %scan3A_659  : i32 {
        %mul3A_714 = arith.constant 1 : i32
        %mul3A_715 = arith.muli %scan3A_713, %mul3A_714 : i32
        %add3A_716 = arith.constant 0 : i32
        %add3A_717 = arith.addi %add3A_716, %mul3A_715 : i32
        %mul3A_718 = arith.constant 8 : i32
        %mul3A_719 = arith.muli %add3A_717, %mul3A_718 : i32
        %add3A_720 = arith.constant 0 : i32
        %add3A_721 = arith.addi %mul3A_719, %add3A_720 : i32
        %mul3A_722 = arith.constant 16 : i32
        %mul3A_723 = arith.muli %add3A_721, %mul3A_722 : i32
        %get3A = arith.index_cast %mul3A_723 : i32 to index
        %get3A_724 = tpu.vector_load %arg7[%get3A] {strides = array<i32>} : memref<8192xi32, #tpu.memory_space<vmem>>, vector<16xi32>,
        %get3A_725 = arith.index_cast %mul3A_723 : i32 to index
        %get3A_726 = tpu.vector_load %arg9[%get3A_725] {strides = array<i32>} : memref<8192xf32, #tpu.memory_space<vmem>>, vector<16xf32>,
        %mul3A_727 = arith.constant 8 : i32
        %mul3A_728 = arith.muli %add3A_717, %mul3A_727 : i32
        %add3A_729 = arith.constant 1 : i32
        %add3A_730 = arith.addi %mul3A_728, %add3A_729 : i32
        %mul3A_731 = arith.constant 16 : i32
        %mul3A_732 = arith.muli %add3A_730, %mul3A_731 : i32
        %get3A_733 = arith.index_cast %mul3A_732 : i32 to index
        %get3A_734 = tpu.vector_load %arg7[%get3A_733] {strides = array<i32>} : memref<8192xi32, #tpu.memory_space<vmem>>, vector<16xi32>,
        %get3A_735 = arith.index_cast %mul3A_732 : i32 to index
        %get3A_736 = tpu.vector_load %arg9[%get3A_735] {strides = array<i32>} : memref<8192xf32, #tpu.memory_space<vmem>>, vector<16xf32>,
        %mul3A_737 = arith.constant 8 : i32
        %mul3A_738 = arith.muli %add3A_717, %mul3A_737 : i32
        %add3A_739 = arith.constant 2 : i32
        %add3A_740 = arith.addi %mul3A_738, %add3A_739 : i32
        %mul3A_741 = arith.constant 16 : i32
        %mul3A_742 = arith.muli %add3A_740, %mul3A_741 : i32
        %get3A_743 = arith.index_cast %mul3A_742 : i32 to index
        %get3A_744 = tpu.vector_load %arg7[%get3A_743] {strides = array<i32>} : memref<8192xi32, #tpu.memory_space<vmem>>, vector<16xi32>,
        %get3A_745 = arith.index_cast %mul3A_742 : i32 to index
        %get3A_746 = tpu.vector_load %arg9[%get3A_745] {strides = array<i32>} : memref<8192xf32, #tpu.memory_space<vmem>>, vector<16xf32>,
        %mul3A_747 = arith.constant 8 : i32
        %mul3A_748 = arith.muli %add3A_717, %mul3A_747 : i32
        %add3A_749 = arith.constant 3 : i32
        %add3A_750 = arith.addi %mul3A_748, %add3A_749 : i32
        %mul3A_751 = arith.constant 16 : i32
        %mul3A_752 = arith.muli %add3A_750, %mul3A_751 : i32
        %get3A_753 = arith.index_cast %mul3A_752 : i32 to index
        %get3A_754 = tpu.vector_load %arg7[%get3A_753] {strides = array<i32>} : memref<8192xi32, #tpu.memory_space<vmem>>, vector<16xi32>,
        %get3A_755 = arith.index_cast %mul3A_752 : i32 to index
        %get3A_756 = tpu.vector_load %arg9[%get3A_755] {strides = array<i32>} : memref<8192xf32, #tpu.memory_space<vmem>>, vector<16xf32>,
        %mul3A_757 = arith.constant 8 : i32
        %mul3A_758 = arith.muli %add3A_717, %mul3A_757 : i32
        %add3A_759 = arith.constant 4 : i32
        %add3A_760 = arith.addi %mul3A_758, %add3A_759 : i32
        %mul3A_761 = arith.constant 16 : i32
        %mul3A_762 = arith.muli %add3A_760, %mul3A_761 : i32
        %get3A_763 = arith.index_cast %mul3A_762 : i32 to index
        %get3A_764 = tpu.vector_load %arg7[%get3A_763] {strides = array<i32>} : memref<8192xi32, #tpu.memory_space<vmem>>, vector<16xi32>,
        %get3A_765 = arith.index_cast %mul3A_762 : i32 to index
        %get3A_766 = tpu.vector_load %arg9[%get3A_765] {strides = array<i32>} : memref<8192xf32, #tpu.memory_space<vmem>>, vector<16xf32>,
        %mul3A_767 = arith.constant 8 : i32
        %mul3A_768 = arith.muli %add3A_717, %mul3A_767 : i32
        %add3A_769 = arith.constant 5 : i32
        %add3A_770 = arith.addi %mul3A_768, %add3A_769 : i32
        %mul3A_771 = arith.constant 16 : i32
        %mul3A_772 = arith.muli %add3A_770, %mul3A_771 : i32
        %get3A_773 = arith.index_cast %mul3A_772 : i32 to index
        %get3A_774 = tpu.vector_load %arg7[%get3A_773] {strides = array<i32>} : memref<8192xi32, #tpu.memory_space<vmem>>, vector<16xi32>,
        %get3A_775 = arith.index_cast %mul3A_772 : i32 to index
        %get3A_776 = tpu.vector_load %arg9[%get3A_775] {strides = array<i32>} : memref<8192xf32, #tpu.memory_space<vmem>>, vector<16xf32>,
        %mul3A_777 = arith.constant 8 : i32
        %mul3A_778 = arith.muli %add3A_717, %mul3A_777 : i32
        %add3A_779 = arith.constant 6 : i32
        %add3A_780 = arith.addi %mul3A_778, %add3A_779 : i32
        %mul3A_781 = arith.constant 16 : i32
        %mul3A_782 = arith.muli %add3A_780, %mul3A_781 : i32
        %get3A_783 = arith.index_cast %mul3A_782 : i32 to index
        %get3A_784 = tpu.vector_load %arg7[%get3A_783] {strides = array<i32>} : memref<8192xi32, #tpu.memory_space<vmem>>, vector<16xi32>,
        %get3A_785 = arith.index_cast %mul3A_782 : i32 to index
        %get3A_786 = tpu.vector_load %arg9[%get3A_785] {strides = array<i32>} : memref<8192xf32, #tpu.memory_space<vmem>>, vector<16xf32>,
        %mul3A_787 = arith.constant 8 : i32
        %mul3A_788 = arith.muli %add3A_717, %mul3A_787 : i32
        %add3A_789 = arith.constant 7 : i32
        %add3A_790 = arith.addi %mul3A_788, %add3A_789 : i32
        %mul3A_791 = arith.constant 16 : i32
        %mul3A_792 = arith.muli %add3A_790, %mul3A_791 : i32
        %get3A_793 = arith.index_cast %mul3A_792 : i32 to index
        %get3A_794 = tpu.vector_load %arg7[%get3A_793] {strides = array<i32>} : memref<8192xi32, #tpu.memory_space<vmem>>, vector<16xi32>,
        %get3A_795 = arith.index_cast %mul3A_792 : i32 to index
        %get3A_796 = tpu.vector_load %arg9[%get3A_795] {strides = array<i32>} : memref<8192xf32, #tpu.memory_space<vmem>>, vector<16xf32>,
        %broadcast_in_dim3A = vector.broadcast %select_n3A_648 : i32 to vector<16xi32>
        %sub3A_797 = vector.broadcast %mul3A_358 : i32 to vector<16xi32>
        %sub3A_798 = arith.subi %get3A_724, %sub3A_797 : vector<16xi32>
        %lt3A_799 = arith.constant 10000 : i32
        %lt3A_800 = vector.broadcast %lt3A_799 : i32 to vector<16xi32>
        %lt3A_801 = arith.cmpi ult, %sub3A_798, %lt3A_800 : vector<16xi32>
        tpu.vector_store_idx %arg6[%sub3A_798, %broadcast_in_dim3A], %get3A_726 masked %lt3A_801 : memref<10000x8xf32, #tpu.memory_space<vmem>>[vector<16xi32>, vector<16xi32>], vector<16xf32>, vector<16xi1>
        %sub3A_802 = vector.broadcast %mul3A_358 : i32 to vector<16xi32>
        %sub3A_803 = arith.subi %get3A_734, %sub3A_802 : vector<16xi32>
        %lt3A_804 = arith.constant 10000 : i32
        %lt3A_805 = vector.broadcast %lt3A_804 : i32 to vector<16xi32>
        %lt3A_806 = arith.cmpi ult, %sub3A_803, %lt3A_805 : vector<16xi32>
        tpu.vector_store_idx %arg6[%sub3A_803, %broadcast_in_dim3A], %get3A_736 masked %lt3A_806 : memref<10000x8xf32, #tpu.memory_space<vmem>>[vector<16xi32>, vector<16xi32>], vector<16xf32>, vector<16xi1>
        %sub3A_807 = vector.broadcast %mul3A_358 : i32 to vector<16xi32>
        %sub3A_808 = arith.subi %get3A_744, %sub3A_807 : vector<16xi32>
        %lt3A_809 = arith.constant 10000 : i32
        %lt3A_810 = vector.broadcast %lt3A_809 : i32 to vector<16xi32>
        %lt3A_811 = arith.cmpi ult, %sub3A_808, %lt3A_810 : vector<16xi32>
        tpu.vector_store_idx %arg6[%sub3A_808, %broadcast_in_dim3A], %get3A_746 masked %lt3A_811 : memref<10000x8xf32, #tpu.memory_space<vmem>>[vector<16xi32>, vector<16xi32>], vector<16xf32>, vector<16xi1>
        %sub3A_812 = vector.broadcast %mul3A_358 : i32 to vector<16xi32>
        %sub3A_813 = arith.subi %get3A_754, %sub3A_812 : vector<16xi32>
        %lt3A_814 = arith.constant 10000 : i32
        %lt3A_815 = vector.broadcast %lt3A_814 : i32 to vector<16xi32>
        %lt3A_816 = arith.cmpi ult, %sub3A_813, %lt3A_815 : vector<16xi32>
        tpu.vector_store_idx %arg6[%sub3A_813, %broadcast_in_dim3A], %get3A_756 masked %lt3A_816 : memref<10000x8xf32, #tpu.memory_space<vmem>>[vector<16xi32>, vector<16xi32>], vector<16xf32>, vector<16xi1>
        %sub3A_817 = vector.broadcast %mul3A_358 : i32 to vector<16xi32>
        %sub3A_818 = arith.subi %get3A_764, %sub3A_817 : vector<16xi32>
        %lt3A_819 = arith.constant 10000 : i32
        %lt3A_820 = vector.broadcast %lt3A_819 : i32 to vector<16xi32>
        %lt3A_821 = arith.cmpi ult, %sub3A_818, %lt3A_820 : vector<16xi32>
        tpu.vector_store_idx %arg6[%sub3A_818, %broadcast_in_dim3A], %get3A_766 masked %lt3A_821 : memref<10000x8xf32, #tpu.memory_space<vmem>>[vector<16xi32>, vector<16xi32>], vector<16xf32>, vector<16xi1>
        %sub3A_822 = vector.broadcast %mul3A_358 : i32 to vector<16xi32>
        %sub3A_823 = arith.subi %get3A_774, %sub3A_822 : vector<16xi32>
        %lt3A_824 = arith.constant 10000 : i32
        %lt3A_825 = vector.broadcast %lt3A_824 : i32 to vector<16xi32>
        %lt3A_826 = arith.cmpi ult, %sub3A_823, %lt3A_825 : vector<16xi32>
        tpu.vector_store_idx %arg6[%sub3A_823, %broadcast_in_dim3A], %get3A_776 masked %lt3A_826 : memref<10000x8xf32, #tpu.memory_space<vmem>>[vector<16xi32>, vector<16xi32>], vector<16xf32>, vector<16xi1>
        %sub3A_827 = vector.broadcast %mul3A_358 : i32 to vector<16xi32>
        %sub3A_828 = arith.subi %get3A_784, %sub3A_827 : vector<16xi32>
        %lt3A_829 = arith.constant 10000 : i32
        %lt3A_830 = vector.broadcast %lt3A_829 : i32 to vector<16xi32>
        %lt3A_831 = arith.cmpi ult, %sub3A_828, %lt3A_830 : vector<16xi32>
        tpu.vector_store_idx %arg6[%sub3A_828, %broadcast_in_dim3A], %get3A_786 masked %lt3A_831 : memref<10000x8xf32, #tpu.memory_space<vmem>>[vector<16xi32>, vector<16xi32>], vector<16xf32>, vector<16xi1>
        %sub3A_832 = vector.broadcast %mul3A_358 : i32 to vector<16xi32>
        %sub3A_833 = arith.subi %get3A_794, %sub3A_832 : vector<16xi32>
        %lt3A_834 = arith.constant 10000 : i32
        %lt3A_835 = vector.broadcast %lt3A_834 : i32 to vector<16xi32>
        %lt3A_836 = arith.cmpi ult, %sub3A_833, %lt3A_835 : vector<16xi32>
        tpu.vector_store_idx %arg6[%sub3A_833, %broadcast_in_dim3A], %get3A_796 masked %lt3A_836 : memref<10000x8xf32, #tpu.memory_space<vmem>>[vector<16xi32>, vector<16xi32>], vector<16xf32>, vector<16xi1>
      }
      %scan3A_660 = arith.constant 64 : i32
      %add3A_661 = arith.constant 2 : i32
      %add3A_662 = arith.addi %add3A_624, %add3A_661 : i32
      %lt3A = arith.constant 16 : i32
      %lt3A_663 = arith.cmpi slt, %add3A_662, %lt3A : i32
      %convert_element_type3A = arith.extui %lt3A_663 : i1 to i32
      %cond3A = arith.constant 0 : i32
      %cond3A_664 = arith.cmpi ne, %convert_element_type3A, %cond3A : i32
      scf.if %cond3A_664 {
        %jit3A_713 = arith.constant 2 : i32
        %div3A_714 = arith.divsi %add3A_662, %jit3A_713 : i32
        %sign3A_715 = arith.constant 0 : i32
        %sign3A_716 = arith.cmpi sgt, %add3A_662, %sign3A_715 : i32
        %sign3A_717 = arith.extui %sign3A_716 : i1 to i32
        %sign3A_718 = arith.constant 0 : i32
        %sign3A_719 = arith.cmpi slt, %add3A_662, %sign3A_718 : i32
        %sign3A_720 = arith.extui %sign3A_719 : i1 to i32
        %sign3A_721 = arith.subi %sign3A_717, %sign3A_720 : i32
        %sign3A_722 = arith.constant 0 : i32
        %sign3A_723 = arith.cmpi sgt, %jit3A_713, %sign3A_722 : i32
        %sign3A_724 = arith.extui %sign3A_723 : i1 to i32
        %sign3A_725 = arith.constant 0 : i32
        %sign3A_726 = arith.cmpi slt, %jit3A_713, %sign3A_725 : i32
        %sign3A_727 = arith.extui %sign3A_726 : i1 to i32
        %sign3A_728 = arith.subi %sign3A_724, %sign3A_727 : i32
        %ne3A_729 = arith.cmpi ne, %sign3A_721, %sign3A_728 : i32
        %rem3A_730 = arith.remsi %add3A_662, %jit3A_713 : i32
        %ne3A_731 = arith.constant 0 : i32
        %ne3A_732 = arith.cmpi ne, %rem3A_730, %ne3A_731 : i32
        %and3A_733 = arith.andi %ne3A_729, %ne3A_732 : i1
        %sub3A_734 = arith.constant 1 : i32
        %sub3A_735 = arith.subi %div3A_714, %sub3A_734 : i32
        %select_n3A_736 = arith.select %and3A_733, %sub3A_735, %div3A_714 : i32
        %rem3A_737 = arith.constant 2 : i32
        %rem3A_738 = arith.remsi %add3A_662, %rem3A_737 : i32
        %mul3A_739 = arith.constant 8 : i32
        %mul3A_740 = arith.muli %rem3A_332, %mul3A_739 : i32
        %add3A_741 = arith.addi %mul3A_740, %select_n3A_736 : i32
        %mul3A_742 = arith.constant 16384 : i32
        %mul3A_743 = arith.muli %add3A_741, %mul3A_742 : i32
        %mul3A_744 = arith.constant 8192 : i32
        %mul3A_745 = arith.muli %rem3A_738, %mul3A_744 : i32
        %add3A_746 = arith.addi %mul3A_743, %mul3A_745 : i32
        %dma_start3A_747 = tpu.memref_slice %arg3[%add3A_746] : memref<2097152xi32, #tpu.memory_space<hbm>> -> memref<8192xi32, #tpu.memory_space<hbm>>
        %dma_start3A_748 = tpu.memref_slice %arg3[%add3A_746] : memref<2097152xi32, #tpu.memory_space<hbm>> -> memref<8192xi32, #tpu.memory_space<hbm>>
        tpu.enqueue_dma source(%dma_start3A_748 : memref<8192xi32, #tpu.memory_space<hbm>>) target(%arg7 : memref<8192xi32, #tpu.memory_space<vmem>>) target_semaphore(%arg11 : memref<!tpu.dma_semaphore, #tpu.memory_space<semaphore_mem>>)
        %dma_start3A_749 = tpu.memref_slice %arg4[%add3A_746] : memref<2097152xf32, #tpu.memory_space<hbm>> -> memref<8192xf32, #tpu.memory_space<hbm>>
        %dma_start3A_750 = tpu.memref_slice %arg4[%add3A_746] : memref<2097152xf32, #tpu.memory_space<hbm>> -> memref<8192xf32, #tpu.memory_space<hbm>>
        tpu.enqueue_dma source(%dma_start3A_750 : memref<8192xf32, #tpu.memory_space<hbm>>) target(%arg9 : memref<8192xf32, #tpu.memory_space<vmem>>) target_semaphore(%arg13 : memref<!tpu.dma_semaphore, #tpu.memory_space<semaphore_mem>>)
      } else {
      }
      %mul3A_665 = arith.constant 2 : i32
      %mul3A_666 = arith.muli %mul3A_665, %add3A_620 : i32
      %add3A_667 = arith.constant 1 : i32
      %add3A_668 = arith.addi %mul3A_666, %add3A_667 : i32
      %jit3A_669 = arith.constant 2 : i32
      %div3A_670 = arith.divsi %add3A_668, %jit3A_669 : i32
      %sign3A_671 = arith.constant 0 : i32
      %sign3A_672 = arith.cmpi sgt, %add3A_668, %sign3A_671 : i32
      %sign3A_673 = arith.extui %sign3A_672 : i1 to i32
      %sign3A_674 = arith.constant 0 : i32
      %sign3A_675 = arith.cmpi slt, %add3A_668, %sign3A_674 : i32
      %sign3A_676 = arith.extui %sign3A_675 : i1 to i32
      %sign3A_677 = arith.subi %sign3A_673, %sign3A_676 : i32
      %sign3A_678 = arith.constant 0 : i32
      %sign3A_679 = arith.cmpi sgt, %jit3A_669, %sign3A_678 : i32
      %sign3A_680 = arith.extui %sign3A_679 : i1 to i32
      %sign3A_681 = arith.constant 0 : i32
      %sign3A_682 = arith.cmpi slt, %jit3A_669, %sign3A_681 : i32
      %sign3A_683 = arith.extui %sign3A_682 : i1 to i32
      %sign3A_684 = arith.subi %sign3A_680, %sign3A_683 : i32
      %ne3A_685 = arith.cmpi ne, %sign3A_677, %sign3A_684 : i32
      %rem3A_686 = arith.remsi %add3A_668, %jit3A_669 : i32
      %ne3A_687 = arith.constant 0 : i32
      %ne3A_688 = arith.cmpi ne, %rem3A_686, %ne3A_687 : i32
      %and3A_689 = arith.andi %ne3A_685, %ne3A_688 : i1
      %sub3A_690 = arith.constant 1 : i32
      %sub3A_691 = arith.subi %div3A_670, %sub3A_690 : i32
      %select_n3A_692 = arith.select %and3A_689, %sub3A_691, %div3A_670 : i32
      %dma_wait3A_693 = arith.constant 0 : i32
      %dma_wait3A_694 = tpu.memref_slice %arg3[%dma_wait3A_693] : memref<2097152xi32, #tpu.memory_space<hbm>> -> memref<8192xi32, #tpu.memory_space<hbm>>
      %dma_wait3A_695 = arith.constant 0 : i32
      %dma_wait3A_696 = tpu.memref_slice %arg3[%dma_wait3A_695] : memref<2097152xi32, #tpu.memory_space<hbm>> -> memref<8192xi32, #tpu.memory_space<hbm>>
      tpu.wait_dma2 semaphore(%arg12 : memref<!tpu.dma_semaphore, #tpu.memory_space<semaphore_mem>>) src(%dma_wait3A_696 : memref<8192xi32, #tpu.memory_space<hbm>>) dst(%arg8 : memref<8192xi32, #tpu.memory_space<vmem>>)
      %dma_wait3A_697 = arith.constant 0 : i32
      %dma_wait3A_698 = tpu.memref_slice %arg4[%dma_wait3A_697] : memref<2097152xf32, #tpu.memory_space<hbm>> -> memref<8192xf32, #tpu.memory_space<hbm>>
      %dma_wait3A_699 = arith.constant 0 : i32
      %dma_wait3A_700 = tpu.memref_slice %arg4[%dma_wait3A_699] : memref<2097152xf32, #tpu.memory_space<hbm>> -> memref<8192xf32, #tpu.memory_space<hbm>>
      tpu.wait_dma2 semaphore(%arg14 : memref<!tpu.dma_semaphore, #tpu.memory_space<semaphore_mem>>) src(%dma_wait3A_700 : memref<8192xf32, #tpu.memory_space<hbm>>) dst(%arg10 : memref<8192xf32, #tpu.memory_space<vmem>>)
      %scan3A_701 = arith.constant 0 : i32
      %scan3A_702 = arith.constant 64 : i32
      %scan3A_703 = arith.addi %scan3A_701, %scan3A_702 : i32
      %scan3A_704 = arith.constant 1 : i32
      scf.for %scan3A_713 = %scan3A_701 to %scan3A_703 step %scan3A_704  : i32 {
        %mul3A_714 = arith.constant 1 : i32
        %mul3A_715 = arith.muli %scan3A_713, %mul3A_714 : i32
        %add3A_716 = arith.constant 0 : i32
        %add3A_717 = arith.addi %add3A_716, %mul3A_715 : i32
        %mul3A_718 = arith.constant 8 : i32
        %mul3A_719 = arith.muli %add3A_717, %mul3A_718 : i32
        %add3A_720 = arith.constant 0 : i32
        %add3A_721 = arith.addi %mul3A_719, %add3A_720 : i32
        %mul3A_722 = arith.constant 16 : i32
        %mul3A_723 = arith.muli %add3A_721, %mul3A_722 : i32
        %get3A = arith.index_cast %mul3A_723 : i32 to index
        %get3A_724 = tpu.vector_load %arg8[%get3A] {strides = array<i32>} : memref<8192xi32, #tpu.memory_space<vmem>>, vector<16xi32>,
        %get3A_725 = arith.index_cast %mul3A_723 : i32 to index
        %get3A_726 = tpu.vector_load %arg10[%get3A_725] {strides = array<i32>} : memref<8192xf32, #tpu.memory_space<vmem>>, vector<16xf32>,
        %mul3A_727 = arith.constant 8 : i32
        %mul3A_728 = arith.muli %add3A_717, %mul3A_727 : i32
        %add3A_729 = arith.constant 1 : i32
        %add3A_730 = arith.addi %mul3A_728, %add3A_729 : i32
        %mul3A_731 = arith.constant 16 : i32
        %mul3A_732 = arith.muli %add3A_730, %mul3A_731 : i32
        %get3A_733 = arith.index_cast %mul3A_732 : i32 to index
        %get3A_734 = tpu.vector_load %arg8[%get3A_733] {strides = array<i32>} : memref<8192xi32, #tpu.memory_space<vmem>>, vector<16xi32>,
        %get3A_735 = arith.index_cast %mul3A_732 : i32 to index
        %get3A_736 = tpu.vector_load %arg10[%get3A_735] {strides = array<i32>} : memref<8192xf32, #tpu.memory_space<vmem>>, vector<16xf32>,
        %mul3A_737 = arith.constant 8 : i32
        %mul3A_738 = arith.muli %add3A_717, %mul3A_737 : i32
        %add3A_739 = arith.constant 2 : i32
        %add3A_740 = arith.addi %mul3A_738, %add3A_739 : i32
        %mul3A_741 = arith.constant 16 : i32
        %mul3A_742 = arith.muli %add3A_740, %mul3A_741 : i32
        %get3A_743 = arith.index_cast %mul3A_742 : i32 to index
        %get3A_744 = tpu.vector_load %arg8[%get3A_743] {strides = array<i32>} : memref<8192xi32, #tpu.memory_space<vmem>>, vector<16xi32>,
        %get3A_745 = arith.index_cast %mul3A_742 : i32 to index
        %get3A_746 = tpu.vector_load %arg10[%get3A_745] {strides = array<i32>} : memref<8192xf32, #tpu.memory_space<vmem>>, vector<16xf32>,
        %mul3A_747 = arith.constant 8 : i32
        %mul3A_748 = arith.muli %add3A_717, %mul3A_747 : i32
        %add3A_749 = arith.constant 3 : i32
        %add3A_750 = arith.addi %mul3A_748, %add3A_749 : i32
        %mul3A_751 = arith.constant 16 : i32
        %mul3A_752 = arith.muli %add3A_750, %mul3A_751 : i32
        %get3A_753 = arith.index_cast %mul3A_752 : i32 to index
        %get3A_754 = tpu.vector_load %arg8[%get3A_753] {strides = array<i32>} : memref<8192xi32, #tpu.memory_space<vmem>>, vector<16xi32>,
        %get3A_755 = arith.index_cast %mul3A_752 : i32 to index
        %get3A_756 = tpu.vector_load %arg10[%get3A_755] {strides = array<i32>} : memref<8192xf32, #tpu.memory_space<vmem>>, vector<16xf32>,
        %mul3A_757 = arith.constant 8 : i32
        %mul3A_758 = arith.muli %add3A_717, %mul3A_757 : i32
        %add3A_759 = arith.constant 4 : i32
        %add3A_760 = arith.addi %mul3A_758, %add3A_759 : i32
        %mul3A_761 = arith.constant 16 : i32
        %mul3A_762 = arith.muli %add3A_760, %mul3A_761 : i32
        %get3A_763 = arith.index_cast %mul3A_762 : i32 to index
        %get3A_764 = tpu.vector_load %arg8[%get3A_763] {strides = array<i32>} : memref<8192xi32, #tpu.memory_space<vmem>>, vector<16xi32>,
        %get3A_765 = arith.index_cast %mul3A_762 : i32 to index
        %get3A_766 = tpu.vector_load %arg10[%get3A_765] {strides = array<i32>} : memref<8192xf32, #tpu.memory_space<vmem>>, vector<16xf32>,
        %mul3A_767 = arith.constant 8 : i32
        %mul3A_768 = arith.muli %add3A_717, %mul3A_767 : i32
        %add3A_769 = arith.constant 5 : i32
        %add3A_770 = arith.addi %mul3A_768, %add3A_769 : i32
        %mul3A_771 = arith.constant 16 : i32
        %mul3A_772 = arith.muli %add3A_770, %mul3A_771 : i32
        %get3A_773 = arith.index_cast %mul3A_772 : i32 to index
        %get3A_774 = tpu.vector_load %arg8[%get3A_773] {strides = array<i32>} : memref<8192xi32, #tpu.memory_space<vmem>>, vector<16xi32>,
        %get3A_775 = arith.index_cast %mul3A_772 : i32 to index
        %get3A_776 = tpu.vector_load %arg10[%get3A_775] {strides = array<i32>} : memref<8192xf32, #tpu.memory_space<vmem>>, vector<16xf32>,
        %mul3A_777 = arith.constant 8 : i32
        %mul3A_778 = arith.muli %add3A_717, %mul3A_777 : i32
        %add3A_779 = arith.constant 6 : i32
        %add3A_780 = arith.addi %mul3A_778, %add3A_779 : i32
        %mul3A_781 = arith.constant 16 : i32
        %mul3A_782 = arith.muli %add3A_780, %mul3A_781 : i32
        %get3A_783 = arith.index_cast %mul3A_782 : i32 to index
        %get3A_784 = tpu.vector_load %arg8[%get3A_783] {strides = array<i32>} : memref<8192xi32, #tpu.memory_space<vmem>>, vector<16xi32>,
        %get3A_785 = arith.index_cast %mul3A_782 : i32 to index
        %get3A_786 = tpu.vector_load %arg10[%get3A_785] {strides = array<i32>} : memref<8192xf32, #tpu.memory_space<vmem>>, vector<16xf32>,
        %mul3A_787 = arith.constant 8 : i32
        %mul3A_788 = arith.muli %add3A_717, %mul3A_787 : i32
        %add3A_789 = arith.constant 7 : i32
        %add3A_790 = arith.addi %mul3A_788, %add3A_789 : i32
        %mul3A_791 = arith.constant 16 : i32
        %mul3A_792 = arith.muli %add3A_790, %mul3A_791 : i32
        %get3A_793 = arith.index_cast %mul3A_792 : i32 to index
        %get3A_794 = tpu.vector_load %arg8[%get3A_793] {strides = array<i32>} : memref<8192xi32, #tpu.memory_space<vmem>>, vector<16xi32>,
        %get3A_795 = arith.index_cast %mul3A_792 : i32 to index
        %get3A_796 = tpu.vector_load %arg10[%get3A_795] {strides = array<i32>} : memref<8192xf32, #tpu.memory_space<vmem>>, vector<16xf32>,
        %broadcast_in_dim3A = vector.broadcast %select_n3A_692 : i32 to vector<16xi32>
        %sub3A_797 = vector.broadcast %mul3A_358 : i32 to vector<16xi32>
        %sub3A_798 = arith.subi %get3A_724, %sub3A_797 : vector<16xi32>
        %lt3A_799 = arith.constant 10000 : i32
        %lt3A_800 = vector.broadcast %lt3A_799 : i32 to vector<16xi32>
        %lt3A_801 = arith.cmpi ult, %sub3A_798, %lt3A_800 : vector<16xi32>
        tpu.vector_store_idx %arg6[%sub3A_798, %broadcast_in_dim3A], %get3A_726 masked %lt3A_801 : memref<10000x8xf32, #tpu.memory_space<vmem>>[vector<16xi32>, vector<16xi32>], vector<16xf32>, vector<16xi1>
        %sub3A_802 = vector.broadcast %mul3A_358 : i32 to vector<16xi32>
        %sub3A_803 = arith.subi %get3A_734, %sub3A_802 : vector<16xi32>
        %lt3A_804 = arith.constant 10000 : i32
        %lt3A_805 = vector.broadcast %lt3A_804 : i32 to vector<16xi32>
        %lt3A_806 = arith.cmpi ult, %sub3A_803, %lt3A_805 : vector<16xi32>
        tpu.vector_store_idx %arg6[%sub3A_803, %broadcast_in_dim3A], %get3A_736 masked %lt3A_806 : memref<10000x8xf32, #tpu.memory_space<vmem>>[vector<16xi32>, vector<16xi32>], vector<16xf32>, vector<16xi1>
        %sub3A_807 = vector.broadcast %mul3A_358 : i32 to vector<16xi32>
        %sub3A_808 = arith.subi %get3A_744, %sub3A_807 : vector<16xi32>
        %lt3A_809 = arith.constant 10000 : i32
        %lt3A_810 = vector.broadcast %lt3A_809 : i32 to vector<16xi32>
        %lt3A_811 = arith.cmpi ult, %sub3A_808, %lt3A_810 : vector<16xi32>
        tpu.vector_store_idx %arg6[%sub3A_808, %broadcast_in_dim3A], %get3A_746 masked %lt3A_811 : memref<10000x8xf32, #tpu.memory_space<vmem>>[vector<16xi32>, vector<16xi32>], vector<16xf32>, vector<16xi1>
        %sub3A_812 = vector.broadcast %mul3A_358 : i32 to vector<16xi32>
        %sub3A_813 = arith.subi %get3A_754, %sub3A_812 : vector<16xi32>
        %lt3A_814 = arith.constant 10000 : i32
        %lt3A_815 = vector.broadcast %lt3A_814 : i32 to vector<16xi32>
        %lt3A_816 = arith.cmpi ult, %sub3A_813, %lt3A_815 : vector<16xi32>
        tpu.vector_store_idx %arg6[%sub3A_813, %broadcast_in_dim3A], %get3A_756 masked %lt3A_816 : memref<10000x8xf32, #tpu.memory_space<vmem>>[vector<16xi32>, vector<16xi32>], vector<16xf32>, vector<16xi1>
        %sub3A_817 = vector.broadcast %mul3A_358 : i32 to vector<16xi32>
        %sub3A_818 = arith.subi %get3A_764, %sub3A_817 : vector<16xi32>
        %lt3A_819 = arith.constant 10000 : i32
        %lt3A_820 = vector.broadcast %lt3A_819 : i32 to vector<16xi32>
        %lt3A_821 = arith.cmpi ult, %sub3A_818, %lt3A_820 : vector<16xi32>
        tpu.vector_store_idx %arg6[%sub3A_818, %broadcast_in_dim3A], %get3A_766 masked %lt3A_821 : memref<10000x8xf32, #tpu.memory_space<vmem>>[vector<16xi32>, vector<16xi32>], vector<16xf32>, vector<16xi1>
        %sub3A_822 = vector.broadcast %mul3A_358 : i32 to vector<16xi32>
        %sub3A_823 = arith.subi %get3A_774, %sub3A_822 : vector<16xi32>
        %lt3A_824 = arith.constant 10000 : i32
        %lt3A_825 = vector.broadcast %lt3A_824 : i32 to vector<16xi32>
        %lt3A_826 = arith.cmpi ult, %sub3A_823, %lt3A_825 : vector<16xi32>
        tpu.vector_store_idx %arg6[%sub3A_823, %broadcast_in_dim3A], %get3A_776 masked %lt3A_826 : memref<10000x8xf32, #tpu.memory_space<vmem>>[vector<16xi32>, vector<16xi32>], vector<16xf32>, vector<16xi1>
        %sub3A_827 = vector.broadcast %mul3A_358 : i32 to vector<16xi32>
        %sub3A_828 = arith.subi %get3A_784, %sub3A_827 : vector<16xi32>
        %lt3A_829 = arith.constant 10000 : i32
        %lt3A_830 = vector.broadcast %lt3A_829 : i32 to vector<16xi32>
        %lt3A_831 = arith.cmpi ult, %sub3A_828, %lt3A_830 : vector<16xi32>
        tpu.vector_store_idx %arg6[%sub3A_828, %broadcast_in_dim3A], %get3A_786 masked %lt3A_831 : memref<10000x8xf32, #tpu.memory_space<vmem>>[vector<16xi32>, vector<16xi32>], vector<16xf32>, vector<16xi1>
        %sub3A_832 = vector.broadcast %mul3A_358 : i32 to vector<16xi32>
        %sub3A_833 = arith.subi %get3A_794, %sub3A_832 : vector<16xi32>
        %lt3A_834 = arith.constant 10000 : i32
        %lt3A_835 = vector.broadcast %lt3A_834 : i32 to vector<16xi32>
        %lt3A_836 = arith.cmpi ult, %sub3A_833, %lt3A_835 : vector<16xi32>
        tpu.vector_store_idx %arg6[%sub3A_833, %broadcast_in_dim3A], %get3A_796 masked %lt3A_836 : memref<10000x8xf32, #tpu.memory_space<vmem>>[vector<16xi32>, vector<16xi32>], vector<16xf32>, vector<16xi1>
      }
      %scan3A_705 = arith.constant 64 : i32
      %add3A_706 = arith.constant 2 : i32
      %add3A_707 = arith.addi %add3A_668, %add3A_706 : i32
      %lt3A_708 = arith.constant 16 : i32
      %lt3A_709 = arith.cmpi slt, %add3A_707, %lt3A_708 : i32
      %convert_element_type3A_710 = arith.extui %lt3A_709 : i1 to i32
      %cond3A_711 = arith.constant 0 : i32
      %cond3A_712 = arith.cmpi ne, %convert_element_type3A_710, %cond3A_711 : i32
      scf.if %cond3A_712 {
        %jit3A_713 = arith.constant 2 : i32
        %div3A_714 = arith.divsi %add3A_707, %jit3A_713 : i32
        %sign3A_715 = arith.constant 0 : i32
        %sign3A_716 = arith.cmpi sgt, %add3A_707, %sign3A_715 : i32
        %sign3A_717 = arith.extui %sign3A_716 : i1 to i32
        %sign3A_718 = arith.constant 0 : i32
        %sign3A_719 = arith.cmpi slt, %add3A_707, %sign3A_718 : i32
        %sign3A_720 = arith.extui %sign3A_719 : i1 to i32
        %sign3A_721 = arith.subi %sign3A_717, %sign3A_720 : i32
        %sign3A_722 = arith.constant 0 : i32
        %sign3A_723 = arith.cmpi sgt, %jit3A_713, %sign3A_722 : i32
        %sign3A_724 = arith.extui %sign3A_723 : i1 to i32
        %sign3A_725 = arith.constant 0 : i32
        %sign3A_726 = arith.cmpi slt, %jit3A_713, %sign3A_725 : i32
        %sign3A_727 = arith.extui %sign3A_726 : i1 to i32
        %sign3A_728 = arith.subi %sign3A_724, %sign3A_727 : i32
        %ne3A_729 = arith.cmpi ne, %sign3A_721, %sign3A_728 : i32
        %rem3A_730 = arith.remsi %add3A_707, %jit3A_713 : i32
        %ne3A_731 = arith.constant 0 : i32
        %ne3A_732 = arith.cmpi ne, %rem3A_730, %ne3A_731 : i32
        %and3A_733 = arith.andi %ne3A_729, %ne3A_732 : i1
        %sub3A_734 = arith.constant 1 : i32
        %sub3A_735 = arith.subi %div3A_714, %sub3A_734 : i32
        %select_n3A_736 = arith.select %and3A_733, %sub3A_735, %div3A_714 : i32
        %rem3A_737 = arith.constant 2 : i32
        %rem3A_738 = arith.remsi %add3A_707, %rem3A_737 : i32
        %mul3A_739 = arith.constant 8 : i32
        %mul3A_740 = arith.muli %rem3A_332, %mul3A_739 : i32
        %add3A_741 = arith.addi %mul3A_740, %select_n3A_736 : i32
        %mul3A_742 = arith.constant 16384 : i32
        %mul3A_743 = arith.muli %add3A_741, %mul3A_742 : i32
        %mul3A_744 = arith.constant 8192 : i32
        %mul3A_745 = arith.muli %rem3A_738, %mul3A_744 : i32
        %add3A_746 = arith.addi %mul3A_743, %mul3A_745 : i32
        %dma_start3A_747 = tpu.memref_slice %arg3[%add3A_746] : memref<2097152xi32, #tpu.memory_space<hbm>> -> memref<8192xi32, #tpu.memory_space<hbm>>
        %dma_start3A_748 = tpu.memref_slice %arg3[%add3A_746] : memref<2097152xi32, #tpu.memory_space<hbm>> -> memref<8192xi32, #tpu.memory_space<hbm>>
        tpu.enqueue_dma source(%dma_start3A_748 : memref<8192xi32, #tpu.memory_space<hbm>>) target(%arg8 : memref<8192xi32, #tpu.memory_space<vmem>>) target_semaphore(%arg12 : memref<!tpu.dma_semaphore, #tpu.memory_space<semaphore_mem>>)
        %dma_start3A_749 = tpu.memref_slice %arg4[%add3A_746] : memref<2097152xf32, #tpu.memory_space<hbm>> -> memref<8192xf32, #tpu.memory_space<hbm>>
        %dma_start3A_750 = tpu.memref_slice %arg4[%add3A_746] : memref<2097152xf32, #tpu.memory_space<hbm>> -> memref<8192xf32, #tpu.memory_space<hbm>>
        tpu.enqueue_dma source(%dma_start3A_750 : memref<8192xf32, #tpu.memory_space<hbm>>) target(%arg10 : memref<8192xf32, #tpu.memory_space<vmem>>) target_semaphore(%arg14 : memref<!tpu.dma_semaphore, #tpu.memory_space<semaphore_mem>>)
      } else {
      }
    }
    %scan3A_365 = arith.constant 8 : i32
    %add3A_366 = arith.constant 96 : i32
    %add3A_367 = arith.addi %add3A, %add3A_366 : i32
    %rem3A_368 = arith.constant 16 : i32
    %rem3A_369 = arith.remsi %add3A_367, %rem3A_368 : i32
    %jit3A_370 = arith.constant 16 : i32
    %div3A_371 = arith.divsi %add3A_367, %jit3A_370 : i32
    %sign3A_372 = arith.constant 0 : i32
    %sign3A_373 = arith.cmpi sgt, %add3A_367, %sign3A_372 : i32
    %sign3A_374 = arith.extui %sign3A_373 : i1 to i32
    %sign3A_375 = arith.constant 0 : i32
    %sign3A_376 = arith.cmpi slt, %add3A_367, %sign3A_375 : i32
    %sign3A_377 = arith.extui %sign3A_376 : i1 to i32
    %sign3A_378 = arith.subi %sign3A_374, %sign3A_377 : i32
    %sign3A_379 = arith.constant 0 : i32
    %sign3A_380 = arith.cmpi sgt, %jit3A_370, %sign3A_379 : i32
    %sign3A_381 = arith.extui %sign3A_380 : i1 to i32
    %sign3A_382 = arith.constant 0 : i32
    %sign3A_383 = arith.cmpi slt, %jit3A_370, %sign3A_382 : i32
    %sign3A_384 = arith.extui %sign3A_383 : i1 to i32
    %sign3A_385 = arith.subi %sign3A_381, %sign3A_384 : i32
    %ne3A_386 = arith.cmpi ne, %sign3A_378, %sign3A_385 : i32
    %rem3A_387 = arith.remsi %add3A_367, %jit3A_370 : i32
    %ne3A_388 = arith.constant 0 : i32
    %ne3A_389 = arith.cmpi ne, %rem3A_387, %ne3A_388 : i32
    %and3A_390 = arith.andi %ne3A_386, %ne3A_389 : i1
    %sub3A_391 = arith.constant 1 : i32
    %sub3A_392 = arith.subi %div3A_371, %sub3A_391 : i32
    %select_n3A_393 = arith.select %and3A_390, %sub3A_392, %div3A_371 : i32
    %mul3A_394 = arith.constant 10000 : i32
    %mul3A_395 = arith.muli %select_n3A_393, %mul3A_394 : i32
    %mul3A_396 = arith.constant 8 : i32
    %mul3A_397 = arith.muli %rem3A_369, %mul3A_396 : i32
    %rem3A_398 = arith.constant 0 : i32
    %rem3A_399 = arith.constant 2 : i32
    %rem3A_400 = arith.remsi %rem3A_398, %rem3A_399 : i32
    %mul3A_401 = arith.constant 8 : i32
    %mul3A_402 = arith.muli %rem3A_369, %mul3A_401 : i32
    %add3A_403 = arith.constant 0 : i32
    %add3A_404 = arith.addi %mul3A_402, %add3A_403 : i32
    %mul3A_405 = arith.constant 16384 : i32
    %mul3A_406 = arith.muli %add3A_404, %mul3A_405 : i32
    %mul3A_407 = arith.constant 8192 : i32
    %mul3A_408 = arith.muli %rem3A_400, %mul3A_407 : i32
    %add3A_409 = arith.addi %mul3A_406, %mul3A_408 : i32
    %dma_start3A_410 = tpu.memref_slice %arg3[%add3A_409] : memref<2097152xi32, #tpu.memory_space<hbm>> -> memref<8192xi32, #tpu.memory_space<hbm>>
    %dma_start3A_411 = tpu.memref_slice %arg3[%add3A_409] : memref<2097152xi32, #tpu.memory_space<hbm>> -> memref<8192xi32, #tpu.memory_space<hbm>>
    tpu.enqueue_dma source(%dma_start3A_411 : memref<8192xi32, #tpu.memory_space<hbm>>) target(%arg7 : memref<8192xi32, #tpu.memory_space<vmem>>) target_semaphore(%arg11 : memref<!tpu.dma_semaphore, #tpu.memory_space<semaphore_mem>>)
    %rem3A_412 = arith.constant 0 : i32
    %rem3A_413 = arith.constant 2 : i32
    %rem3A_414 = arith.remsi %rem3A_412, %rem3A_413 : i32
    %mul3A_415 = arith.constant 8 : i32
    %mul3A_416 = arith.muli %rem3A_369, %mul3A_415 : i32
    %add3A_417 = arith.constant 0 : i32
    %add3A_418 = arith.addi %mul3A_416, %add3A_417 : i32
    %mul3A_419 = arith.constant 16384 : i32
    %mul3A_420 = arith.muli %add3A_418, %mul3A_419 : i32
    %mul3A_421 = arith.constant 8192 : i32
    %mul3A_422 = arith.muli %rem3A_414, %mul3A_421 : i32
    %add3A_423 = arith.addi %mul3A_420, %mul3A_422 : i32
    %dma_start3A_424 = tpu.memref_slice %arg4[%add3A_423] : memref<2097152xf32, #tpu.memory_space<hbm>> -> memref<8192xf32, #tpu.memory_space<hbm>>
    %dma_start3A_425 = tpu.memref_slice %arg4[%add3A_423] : memref<2097152xf32, #tpu.memory_space<hbm>> -> memref<8192xf32, #tpu.memory_space<hbm>>
    tpu.enqueue_dma source(%dma_start3A_425 : memref<8192xf32, #tpu.memory_space<hbm>>) target(%arg9 : memref<8192xf32, #tpu.memory_space<vmem>>) target_semaphore(%arg13 : memref<!tpu.dma_semaphore, #tpu.memory_space<semaphore_mem>>)
    %rem3A_426 = arith.constant 1 : i32
    %rem3A_427 = arith.constant 2 : i32
    %rem3A_428 = arith.remsi %rem3A_426, %rem3A_427 : i32
    %mul3A_429 = arith.constant 8 : i32
    %mul3A_430 = arith.muli %rem3A_369, %mul3A_429 : i32
    %add3A_431 = arith.constant 0 : i32
    %add3A_432 = arith.addi %mul3A_430, %add3A_431 : i32
    %mul3A_433 = arith.constant 16384 : i32
    %mul3A_434 = arith.muli %add3A_432, %mul3A_433 : i32
    %mul3A_435 = arith.constant 8192 : i32
    %mul3A_436 = arith.muli %rem3A_428, %mul3A_435 : i32
    %add3A_437 = arith.addi %mul3A_434, %mul3A_436 : i32
    %dma_start3A_438 = tpu.memref_slice %arg3[%add3A_437] : memref<2097152xi32, #tpu.memory_space<hbm>> -> memref<8192xi32, #tpu.memory_space<hbm>>
    %dma_start3A_439 = tpu.memref_slice %arg3[%add3A_437] : memref<2097152xi32, #tpu.memory_space<hbm>> -> memref<8192xi32, #tpu.memory_space<hbm>>
    tpu.enqueue_dma source(%dma_start3A_439 : memref<8192xi32, #tpu.memory_space<hbm>>) target(%arg8 : memref<8192xi32, #tpu.memory_space<vmem>>) target_semaphore(%arg12 : memref<!tpu.dma_semaphore, #tpu.memory_space<semaphore_mem>>)
    %rem3A_440 = arith.constant 1 : i32
    %rem3A_441 = arith.constant 2 : i32
    %rem3A_442 = arith.remsi %rem3A_440, %rem3A_441 : i32
    %mul3A_443 = arith.constant 8 : i32
    %mul3A_444 = arith.muli %rem3A_369, %mul3A_443 : i32
    %add3A_445 = arith.constant 0 : i32
    %add3A_446 = arith.addi %mul3A_444, %add3A_445 : i32
    %mul3A_447 = arith.constant 16384 : i32
    %mul3A_448 = arith.muli %add3A_446, %mul3A_447 : i32
    %mul3A_449 = arith.constant 8192 : i32
    %mul3A_450 = arith.muli %rem3A_442, %mul3A_449 : i32
    %add3A_451 = arith.addi %mul3A_448, %mul3A_450 : i32
    %dma_start3A_452 = tpu.memref_slice %arg4[%add3A_451] : memref<2097152xf32, #tpu.memory_space<hbm>> -> memref<8192xf32, #tpu.memory_space<hbm>>
    %dma_start3A_453 = tpu.memref_slice %arg4[%add3A_451] : memref<2097152xf32, #tpu.memory_space<hbm>> -> memref<8192xf32, #tpu.memory_space<hbm>>
    tpu.enqueue_dma source(%dma_start3A_453 : memref<8192xf32, #tpu.memory_space<hbm>>) target(%arg10 : memref<8192xf32, #tpu.memory_space<vmem>>) target_semaphore(%arg14 : memref<!tpu.dma_semaphore, #tpu.memory_space<semaphore_mem>>)
    "tpu.region"() ({
      %run_scoped3A = tpu.sem_alloc : memref<!tpu.dma_semaphore, #tpu.memory_space<semaphore_mem>>
      %dma_start3A_616 = tpu.memref_slice %arg5[%mul3A_358, %mul3A_360] : memref<100000x128xf32, #tpu.memory_space<hbm>> -> memref<10000x8xf32, #tpu.memory_space<hbm>>
      %dma_start3A_617 = tpu.memref_slice %arg5[%mul3A_358, %mul3A_360] : memref<100000x128xf32, #tpu.memory_space<hbm>> -> memref<10000x8xf32, #tpu.memory_space<hbm>>
      tpu.enqueue_dma source(%arg6 : memref<10000x8xf32, #tpu.memory_space<vmem>>) target(%dma_start3A_617 : memref<10000x8xf32, #tpu.memory_space<hbm>>) target_semaphore(%run_scoped3A : memref<!tpu.dma_semaphore, #tpu.memory_space<semaphore_mem>>)
      %dma_wait3A = tpu.memref_slice %arg5[%mul3A_358, %mul3A_360] : memref<100000x128xf32, #tpu.memory_space<hbm>> -> memref<10000x8xf32, #tpu.memory_space<hbm>>
      %dma_wait3A_618 = tpu.memref_slice %arg5[%mul3A_358, %mul3A_360] : memref<100000x128xf32, #tpu.memory_space<hbm>> -> memref<10000x8xf32, #tpu.memory_space<hbm>>
      tpu.wait_dma2 semaphore(%run_scoped3A : memref<!tpu.dma_semaphore, #tpu.memory_space<semaphore_mem>>) src(%arg6 : memref<10000x8xf32, #tpu.memory_space<vmem>>) dst(%dma_wait3A_618 : memref<10000x8xf32, #tpu.memory_space<hbm>>)
      tpu.yield
    }) : () -> ()
    %add3A_454 = arith.constant 96 : i32
    %add3A_455 = arith.addi %add3A, %add3A_454 : i32
    %rem3A_456 = arith.constant 16 : i32
    %rem3A_457 = arith.remsi %add3A_455, %rem3A_456 : i32
    %jit3A_458 = arith.constant 16 : i32
    %div3A_459 = arith.divsi %add3A_455, %jit3A_458 : i32
    %sign3A_460 = arith.constant 0 : i32
    %sign3A_461 = arith.cmpi sgt, %add3A_455, %sign3A_460 : i32
    %sign3A_462 = arith.extui %sign3A_461 : i1 to i32
    %sign3A_463 = arith.constant 0 : i32
    %sign3A_464 = arith.cmpi slt, %add3A_455, %sign3A_463 : i32
    %sign3A_465 = arith.extui %sign3A_464 : i1 to i32
    %sign3A_466 = arith.subi %sign3A_462, %sign3A_465 : i32
    %sign3A_467 = arith.constant 0 : i32
    %sign3A_468 = arith.cmpi sgt, %jit3A_458, %sign3A_467 : i32
    %sign3A_469 = arith.extui %sign3A_468 : i1 to i32
    %sign3A_470 = arith.constant 0 : i32
    %sign3A_471 = arith.cmpi slt, %jit3A_458, %sign3A_470 : i32
    %sign3A_472 = arith.extui %sign3A_471 : i1 to i32
    %sign3A_473 = arith.subi %sign3A_469, %sign3A_472 : i32
    %ne3A_474 = arith.cmpi ne, %sign3A_466, %sign3A_473 : i32
    %rem3A_475 = arith.remsi %add3A_455, %jit3A_458 : i32
    %ne3A_476 = arith.constant 0 : i32
    %ne3A_477 = arith.cmpi ne, %rem3A_475, %ne3A_476 : i32
    %and3A_478 = arith.andi %ne3A_474, %ne3A_477 : i1
    %sub3A_479 = arith.constant 1 : i32
    %sub3A_480 = arith.subi %div3A_459, %sub3A_479 : i32
    %select_n3A_481 = arith.select %and3A_478, %sub3A_480, %div3A_459 : i32
    %mul3A_482 = arith.constant 10000 : i32
    %mul3A_483 = arith.muli %select_n3A_481, %mul3A_482 : i32
    %mul3A_484 = arith.constant 8 : i32
    %mul3A_485 = arith.muli %rem3A_457, %mul3A_484 : i32
    "tpu.region"() ({
      %run_scoped3A = tpu.sem_alloc : memref<!tpu.dma_semaphore, #tpu.memory_space<semaphore_mem>>
      %dma_start3A_616 = tpu.memref_slice %arg2[%mul3A_483, %mul3A_485] : memref<100000x128xf32, #tpu.memory_space<hbm>> -> memref<10000x8xf32, #tpu.memory_space<hbm>>
      %dma_start3A_617 = tpu.memref_slice %arg2[%mul3A_483, %mul3A_485] : memref<100000x128xf32, #tpu.memory_space<hbm>> -> memref<10000x8xf32, #tpu.memory_space<hbm>>
      tpu.enqueue_dma source(%dma_start3A_617 : memref<10000x8xf32, #tpu.memory_space<hbm>>) target(%arg6 : memref<10000x8xf32, #tpu.memory_space<vmem>>) target_semaphore(%run_scoped3A : memref<!tpu.dma_semaphore, #tpu.memory_space<semaphore_mem>>)
      %dma_wait3A = tpu.memref_slice %arg2[%mul3A_483, %mul3A_485] : memref<100000x128xf32, #tpu.memory_space<hbm>> -> memref<10000x8xf32, #tpu.memory_space<hbm>>
      %dma_wait3A_618 = tpu.memref_slice %arg2[%mul3A_483, %mul3A_485] : memref<100000x128xf32, #tpu.memory_space<hbm>> -> memref<10000x8xf32, #tpu.memory_space<hbm>>
      tpu.wait_dma2 semaphore(%run_scoped3A : memref<!tpu.dma_semaphore, #tpu.memory_space<semaphore_mem>>) src(%dma_wait3A_618 : memref<10000x8xf32, #tpu.memory_space<hbm>>) dst(%arg6 : memref<10000x8xf32, #tpu.memory_space<vmem>>)
      tpu.yield
    }) : () -> ()
    %scan3A_486 = arith.constant 0 : i32
    %scan3A_487 = arith.constant 8 : i32
    %scan3A_488 = arith.addi %scan3A_486, %scan3A_487 : i32
    %scan3A_489 = arith.constant 1 : i32
    scf.for %scan3A_616 = %scan3A_486 to %scan3A_488 step %scan3A_489  : i32 {
      %mul3A_617 = arith.constant 1 : i32
      %mul3A_618 = arith.muli %scan3A_616, %mul3A_617 : i32
      %add3A_619 = arith.constant 0 : i32
      %add3A_620 = arith.addi %add3A_619, %mul3A_618 : i32
      %mul3A_621 = arith.constant 2 : i32
      %mul3A_622 = arith.muli %mul3A_621, %add3A_620 : i32
      %add3A_623 = arith.constant 0 : i32
      %add3A_624 = arith.addi %mul3A_622, %add3A_623 : i32
      %jit3A_625 = arith.constant 2 : i32
      %div3A_626 = arith.divsi %add3A_624, %jit3A_625 : i32
      %sign3A_627 = arith.constant 0 : i32
      %sign3A_628 = arith.cmpi sgt, %add3A_624, %sign3A_627 : i32
      %sign3A_629 = arith.extui %sign3A_628 : i1 to i32
      %sign3A_630 = arith.constant 0 : i32
      %sign3A_631 = arith.cmpi slt, %add3A_624, %sign3A_630 : i32
      %sign3A_632 = arith.extui %sign3A_631 : i1 to i32
      %sign3A_633 = arith.subi %sign3A_629, %sign3A_632 : i32
      %sign3A_634 = arith.constant 0 : i32
      %sign3A_635 = arith.cmpi sgt, %jit3A_625, %sign3A_634 : i32
      %sign3A_636 = arith.extui %sign3A_635 : i1 to i32
      %sign3A_637 = arith.constant 0 : i32
      %sign3A_638 = arith.cmpi slt, %jit3A_625, %sign3A_637 : i32
      %sign3A_639 = arith.extui %sign3A_638 : i1 to i32
      %sign3A_640 = arith.subi %sign3A_636, %sign3A_639 : i32
      %ne3A_641 = arith.cmpi ne, %sign3A_633, %sign3A_640 : i32
      %rem3A_642 = arith.remsi %add3A_624, %jit3A_625 : i32
      %ne3A_643 = arith.constant 0 : i32
      %ne3A_644 = arith.cmpi ne, %rem3A_642, %ne3A_643 : i32
      %and3A_645 = arith.andi %ne3A_641, %ne3A_644 : i1
      %sub3A_646 = arith.constant 1 : i32
      %sub3A_647 = arith.subi %div3A_626, %sub3A_646 : i32
      %select_n3A_648 = arith.select %and3A_645, %sub3A_647, %div3A_626 : i32
      %dma_wait3A = arith.constant 0 : i32
      %dma_wait3A_649 = tpu.memref_slice %arg3[%dma_wait3A] : memref<2097152xi32, #tpu.memory_space<hbm>> -> memref<8192xi32, #tpu.memory_space<hbm>>
      %dma_wait3A_650 = arith.constant 0 : i32
      %dma_wait3A_651 = tpu.memref_slice %arg3[%dma_wait3A_650] : memref<2097152xi32, #tpu.memory_space<hbm>> -> memref<8192xi32, #tpu.memory_space<hbm>>
      tpu.wait_dma2 semaphore(%arg11 : memref<!tpu.dma_semaphore, #tpu.memory_space<semaphore_mem>>) src(%dma_wait3A_651 : memref<8192xi32, #tpu.memory_space<hbm>>) dst(%arg7 : memref<8192xi32, #tpu.memory_space<vmem>>)
      %dma_wait3A_652 = arith.constant 0 : i32
      %dma_wait3A_653 = tpu.memref_slice %arg4[%dma_wait3A_652] : memref<2097152xf32, #tpu.memory_space<hbm>> -> memref<8192xf32, #tpu.memory_space<hbm>>
      %dma_wait3A_654 = arith.constant 0 : i32
      %dma_wait3A_655 = tpu.memref_slice %arg4[%dma_wait3A_654] : memref<2097152xf32, #tpu.memory_space<hbm>> -> memref<8192xf32, #tpu.memory_space<hbm>>
      tpu.wait_dma2 semaphore(%arg13 : memref<!tpu.dma_semaphore, #tpu.memory_space<semaphore_mem>>) src(%dma_wait3A_655 : memref<8192xf32, #tpu.memory_space<hbm>>) dst(%arg9 : memref<8192xf32, #tpu.memory_space<vmem>>)
      %scan3A_656 = arith.constant 0 : i32
      %scan3A_657 = arith.constant 64 : i32
      %scan3A_658 = arith.addi %scan3A_656, %scan3A_657 : i32
      %scan3A_659 = arith.constant 1 : i32
      scf.for %scan3A_713 = %scan3A_656 to %scan3A_658 step %scan3A_659  : i32 {
        %mul3A_714 = arith.constant 1 : i32
        %mul3A_715 = arith.muli %scan3A_713, %mul3A_714 : i32
        %add3A_716 = arith.constant 0 : i32
        %add3A_717 = arith.addi %add3A_716, %mul3A_715 : i32
        %mul3A_718 = arith.constant 8 : i32
        %mul3A_719 = arith.muli %add3A_717, %mul3A_718 : i32
        %add3A_720 = arith.constant 0 : i32
        %add3A_721 = arith.addi %mul3A_719, %add3A_720 : i32
        %mul3A_722 = arith.constant 16 : i32
        %mul3A_723 = arith.muli %add3A_721, %mul3A_722 : i32
        %get3A = arith.index_cast %mul3A_723 : i32 to index
        %get3A_724 = tpu.vector_load %arg7[%get3A] {strides = array<i32>} : memref<8192xi32, #tpu.memory_space<vmem>>, vector<16xi32>,
        %get3A_725 = arith.index_cast %mul3A_723 : i32 to index
        %get3A_726 = tpu.vector_load %arg9[%get3A_725] {strides = array<i32>} : memref<8192xf32, #tpu.memory_space<vmem>>, vector<16xf32>,
        %mul3A_727 = arith.constant 8 : i32
        %mul3A_728 = arith.muli %add3A_717, %mul3A_727 : i32
        %add3A_729 = arith.constant 1 : i32
        %add3A_730 = arith.addi %mul3A_728, %add3A_729 : i32
        %mul3A_731 = arith.constant 16 : i32
        %mul3A_732 = arith.muli %add3A_730, %mul3A_731 : i32
        %get3A_733 = arith.index_cast %mul3A_732 : i32 to index
        %get3A_734 = tpu.vector_load %arg7[%get3A_733] {strides = array<i32>} : memref<8192xi32, #tpu.memory_space<vmem>>, vector<16xi32>,
        %get3A_735 = arith.index_cast %mul3A_732 : i32 to index
        %get3A_736 = tpu.vector_load %arg9[%get3A_735] {strides = array<i32>} : memref<8192xf32, #tpu.memory_space<vmem>>, vector<16xf32>,
        %mul3A_737 = arith.constant 8 : i32
        %mul3A_738 = arith.muli %add3A_717, %mul3A_737 : i32
        %add3A_739 = arith.constant 2 : i32
        %add3A_740 = arith.addi %mul3A_738, %add3A_739 : i32
        %mul3A_741 = arith.constant 16 : i32
        %mul3A_742 = arith.muli %add3A_740, %mul3A_741 : i32
        %get3A_743 = arith.index_cast %mul3A_742 : i32 to index
        %get3A_744 = tpu.vector_load %arg7[%get3A_743] {strides = array<i32>} : memref<8192xi32, #tpu.memory_space<vmem>>, vector<16xi32>,
        %get3A_745 = arith.index_cast %mul3A_742 : i32 to index
        %get3A_746 = tpu.vector_load %arg9[%get3A_745] {strides = array<i32>} : memref<8192xf32, #tpu.memory_space<vmem>>, vector<16xf32>,
        %mul3A_747 = arith.constant 8 : i32
        %mul3A_748 = arith.muli %add3A_717, %mul3A_747 : i32
        %add3A_749 = arith.constant 3 : i32
        %add3A_750 = arith.addi %mul3A_748, %add3A_749 : i32
        %mul3A_751 = arith.constant 16 : i32
        %mul3A_752 = arith.muli %add3A_750, %mul3A_751 : i32
        %get3A_753 = arith.index_cast %mul3A_752 : i32 to index
        %get3A_754 = tpu.vector_load %arg7[%get3A_753] {strides = array<i32>} : memref<8192xi32, #tpu.memory_space<vmem>>, vector<16xi32>,
        %get3A_755 = arith.index_cast %mul3A_752 : i32 to index
        %get3A_756 = tpu.vector_load %arg9[%get3A_755] {strides = array<i32>} : memref<8192xf32, #tpu.memory_space<vmem>>, vector<16xf32>,
        %mul3A_757 = arith.constant 8 : i32
        %mul3A_758 = arith.muli %add3A_717, %mul3A_757 : i32
        %add3A_759 = arith.constant 4 : i32
        %add3A_760 = arith.addi %mul3A_758, %add3A_759 : i32
        %mul3A_761 = arith.constant 16 : i32
        %mul3A_762 = arith.muli %add3A_760, %mul3A_761 : i32
        %get3A_763 = arith.index_cast %mul3A_762 : i32 to index
        %get3A_764 = tpu.vector_load %arg7[%get3A_763] {strides = array<i32>} : memref<8192xi32, #tpu.memory_space<vmem>>, vector<16xi32>,
        %get3A_765 = arith.index_cast %mul3A_762 : i32 to index
        %get3A_766 = tpu.vector_load %arg9[%get3A_765] {strides = array<i32>} : memref<8192xf32, #tpu.memory_space<vmem>>, vector<16xf32>,
        %mul3A_767 = arith.constant 8 : i32
        %mul3A_768 = arith.muli %add3A_717, %mul3A_767 : i32
        %add3A_769 = arith.constant 5 : i32
        %add3A_770 = arith.addi %mul3A_768, %add3A_769 : i32
        %mul3A_771 = arith.constant 16 : i32
        %mul3A_772 = arith.muli %add3A_770, %mul3A_771 : i32
        %get3A_773 = arith.index_cast %mul3A_772 : i32 to index
        %get3A_774 = tpu.vector_load %arg7[%get3A_773] {strides = array<i32>} : memref<8192xi32, #tpu.memory_space<vmem>>, vector<16xi32>,
        %get3A_775 = arith.index_cast %mul3A_772 : i32 to index
        %get3A_776 = tpu.vector_load %arg9[%get3A_775] {strides = array<i32>} : memref<8192xf32, #tpu.memory_space<vmem>>, vector<16xf32>,
        %mul3A_777 = arith.constant 8 : i32
        %mul3A_778 = arith.muli %add3A_717, %mul3A_777 : i32
        %add3A_779 = arith.constant 6 : i32
        %add3A_780 = arith.addi %mul3A_778, %add3A_779 : i32
        %mul3A_781 = arith.constant 16 : i32
        %mul3A_782 = arith.muli %add3A_780, %mul3A_781 : i32
        %get3A_783 = arith.index_cast %mul3A_782 : i32 to index
        %get3A_784 = tpu.vector_load %arg7[%get3A_783] {strides = array<i32>} : memref<8192xi32, #tpu.memory_space<vmem>>, vector<16xi32>,
        %get3A_785 = arith.index_cast %mul3A_782 : i32 to index
        %get3A_786 = tpu.vector_load %arg9[%get3A_785] {strides = array<i32>} : memref<8192xf32, #tpu.memory_space<vmem>>, vector<16xf32>,
        %mul3A_787 = arith.constant 8 : i32
        %mul3A_788 = arith.muli %add3A_717, %mul3A_787 : i32
        %add3A_789 = arith.constant 7 : i32
        %add3A_790 = arith.addi %mul3A_788, %add3A_789 : i32
        %mul3A_791 = arith.constant 16 : i32
        %mul3A_792 = arith.muli %add3A_790, %mul3A_791 : i32
        %get3A_793 = arith.index_cast %mul3A_792 : i32 to index
        %get3A_794 = tpu.vector_load %arg7[%get3A_793] {strides = array<i32>} : memref<8192xi32, #tpu.memory_space<vmem>>, vector<16xi32>,
        %get3A_795 = arith.index_cast %mul3A_792 : i32 to index
        %get3A_796 = tpu.vector_load %arg9[%get3A_795] {strides = array<i32>} : memref<8192xf32, #tpu.memory_space<vmem>>, vector<16xf32>,
        %broadcast_in_dim3A = vector.broadcast %select_n3A_648 : i32 to vector<16xi32>
        %sub3A_797 = vector.broadcast %mul3A_483 : i32 to vector<16xi32>
        %sub3A_798 = arith.subi %get3A_724, %sub3A_797 : vector<16xi32>
        %lt3A_799 = arith.constant 10000 : i32
        %lt3A_800 = vector.broadcast %lt3A_799 : i32 to vector<16xi32>
        %lt3A_801 = arith.cmpi ult, %sub3A_798, %lt3A_800 : vector<16xi32>
        tpu.vector_store_idx %arg6[%sub3A_798, %broadcast_in_dim3A], %get3A_726 masked %lt3A_801 : memref<10000x8xf32, #tpu.memory_space<vmem>>[vector<16xi32>, vector<16xi32>], vector<16xf32>, vector<16xi1>
        %sub3A_802 = vector.broadcast %mul3A_483 : i32 to vector<16xi32>
        %sub3A_803 = arith.subi %get3A_734, %sub3A_802 : vector<16xi32>
        %lt3A_804 = arith.constant 10000 : i32
        %lt3A_805 = vector.broadcast %lt3A_804 : i32 to vector<16xi32>
        %lt3A_806 = arith.cmpi ult, %sub3A_803, %lt3A_805 : vector<16xi32>
        tpu.vector_store_idx %arg6[%sub3A_803, %broadcast_in_dim3A], %get3A_736 masked %lt3A_806 : memref<10000x8xf32, #tpu.memory_space<vmem>>[vector<16xi32>, vector<16xi32>], vector<16xf32>, vector<16xi1>
        %sub3A_807 = vector.broadcast %mul3A_483 : i32 to vector<16xi32>
        %sub3A_808 = arith.subi %get3A_744, %sub3A_807 : vector<16xi32>
        %lt3A_809 = arith.constant 10000 : i32
        %lt3A_810 = vector.broadcast %lt3A_809 : i32 to vector<16xi32>
        %lt3A_811 = arith.cmpi ult, %sub3A_808, %lt3A_810 : vector<16xi32>
        tpu.vector_store_idx %arg6[%sub3A_808, %broadcast_in_dim3A], %get3A_746 masked %lt3A_811 : memref<10000x8xf32, #tpu.memory_space<vmem>>[vector<16xi32>, vector<16xi32>], vector<16xf32>, vector<16xi1>
        %sub3A_812 = vector.broadcast %mul3A_483 : i32 to vector<16xi32>
        %sub3A_813 = arith.subi %get3A_754, %sub3A_812 : vector<16xi32>
        %lt3A_814 = arith.constant 10000 : i32
        %lt3A_815 = vector.broadcast %lt3A_814 : i32 to vector<16xi32>
        %lt3A_816 = arith.cmpi ult, %sub3A_813, %lt3A_815 : vector<16xi32>
        tpu.vector_store_idx %arg6[%sub3A_813, %broadcast_in_dim3A], %get3A_756 masked %lt3A_816 : memref<10000x8xf32, #tpu.memory_space<vmem>>[vector<16xi32>, vector<16xi32>], vector<16xf32>, vector<16xi1>
        %sub3A_817 = vector.broadcast %mul3A_483 : i32 to vector<16xi32>
        %sub3A_818 = arith.subi %get3A_764, %sub3A_817 : vector<16xi32>
        %lt3A_819 = arith.constant 10000 : i32
        %lt3A_820 = vector.broadcast %lt3A_819 : i32 to vector<16xi32>
        %lt3A_821 = arith.cmpi ult, %sub3A_818, %lt3A_820 : vector<16xi32>
        tpu.vector_store_idx %arg6[%sub3A_818, %broadcast_in_dim3A], %get3A_766 masked %lt3A_821 : memref<10000x8xf32, #tpu.memory_space<vmem>>[vector<16xi32>, vector<16xi32>], vector<16xf32>, vector<16xi1>
        %sub3A_822 = vector.broadcast %mul3A_483 : i32 to vector<16xi32>
        %sub3A_823 = arith.subi %get3A_774, %sub3A_822 : vector<16xi32>
        %lt3A_824 = arith.constant 10000 : i32
        %lt3A_825 = vector.broadcast %lt3A_824 : i32 to vector<16xi32>
        %lt3A_826 = arith.cmpi ult, %sub3A_823, %lt3A_825 : vector<16xi32>
        tpu.vector_store_idx %arg6[%sub3A_823, %broadcast_in_dim3A], %get3A_776 masked %lt3A_826 : memref<10000x8xf32, #tpu.memory_space<vmem>>[vector<16xi32>, vector<16xi32>], vector<16xf32>, vector<16xi1>
        %sub3A_827 = vector.broadcast %mul3A_483 : i32 to vector<16xi32>
        %sub3A_828 = arith.subi %get3A_784, %sub3A_827 : vector<16xi32>
        %lt3A_829 = arith.constant 10000 : i32
        %lt3A_830 = vector.broadcast %lt3A_829 : i32 to vector<16xi32>
        %lt3A_831 = arith.cmpi ult, %sub3A_828, %lt3A_830 : vector<16xi32>
        tpu.vector_store_idx %arg6[%sub3A_828, %broadcast_in_dim3A], %get3A_786 masked %lt3A_831 : memref<10000x8xf32, #tpu.memory_space<vmem>>[vector<16xi32>, vector<16xi32>], vector<16xf32>, vector<16xi1>
        %sub3A_832 = vector.broadcast %mul3A_483 : i32 to vector<16xi32>
        %sub3A_833 = arith.subi %get3A_794, %sub3A_832 : vector<16xi32>
        %lt3A_834 = arith.constant 10000 : i32
        %lt3A_835 = vector.broadcast %lt3A_834 : i32 to vector<16xi32>
        %lt3A_836 = arith.cmpi ult, %sub3A_833, %lt3A_835 : vector<16xi32>
        tpu.vector_store_idx %arg6[%sub3A_833, %broadcast_in_dim3A], %get3A_796 masked %lt3A_836 : memref<10000x8xf32, #tpu.memory_space<vmem>>[vector<16xi32>, vector<16xi32>], vector<16xf32>, vector<16xi1>
      }
      %scan3A_660 = arith.constant 64 : i32
      %add3A_661 = arith.constant 2 : i32
      %add3A_662 = arith.addi %add3A_624, %add3A_661 : i32
      %lt3A = arith.constant 16 : i32
      %lt3A_663 = arith.cmpi slt, %add3A_662, %lt3A : i32
      %convert_element_type3A = arith.extui %lt3A_663 : i1 to i32
      %cond3A = arith.constant 0 : i32
      %cond3A_664 = arith.cmpi ne, %convert_element_type3A, %cond3A : i32
      scf.if %cond3A_664 {
        %jit3A_713 = arith.constant 2 : i32
        %div3A_714 = arith.divsi %add3A_662, %jit3A_713 : i32
        %sign3A_715 = arith.constant 0 : i32
        %sign3A_716 = arith.cmpi sgt, %add3A_662, %sign3A_715 : i32
        %sign3A_717 = arith.extui %sign3A_716 : i1 to i32
        %sign3A_718 = arith.constant 0 : i32
        %sign3A_719 = arith.cmpi slt, %add3A_662, %sign3A_718 : i32
        %sign3A_720 = arith.extui %sign3A_719 : i1 to i32
        %sign3A_721 = arith.subi %sign3A_717, %sign3A_720 : i32
        %sign3A_722 = arith.constant 0 : i32
        %sign3A_723 = arith.cmpi sgt, %jit3A_713, %sign3A_722 : i32
        %sign3A_724 = arith.extui %sign3A_723 : i1 to i32
        %sign3A_725 = arith.constant 0 : i32
        %sign3A_726 = arith.cmpi slt, %jit3A_713, %sign3A_725 : i32
        %sign3A_727 = arith.extui %sign3A_726 : i1 to i32
        %sign3A_728 = arith.subi %sign3A_724, %sign3A_727 : i32
        %ne3A_729 = arith.cmpi ne, %sign3A_721, %sign3A_728 : i32
        %rem3A_730 = arith.remsi %add3A_662, %jit3A_713 : i32
        %ne3A_731 = arith.constant 0 : i32
        %ne3A_732 = arith.cmpi ne, %rem3A_730, %ne3A_731 : i32
        %and3A_733 = arith.andi %ne3A_729, %ne3A_732 : i1
        %sub3A_734 = arith.constant 1 : i32
        %sub3A_735 = arith.subi %div3A_714, %sub3A_734 : i32
        %select_n3A_736 = arith.select %and3A_733, %sub3A_735, %div3A_714 : i32
        %rem3A_737 = arith.constant 2 : i32
        %rem3A_738 = arith.remsi %add3A_662, %rem3A_737 : i32
        %mul3A_739 = arith.constant 8 : i32
        %mul3A_740 = arith.muli %rem3A_457, %mul3A_739 : i32
        %add3A_741 = arith.addi %mul3A_740, %select_n3A_736 : i32
        %mul3A_742 = arith.constant 16384 : i32
        %mul3A_743 = arith.muli %add3A_741, %mul3A_742 : i32
        %mul3A_744 = arith.constant 8192 : i32
        %mul3A_745 = arith.muli %rem3A_738, %mul3A_744 : i32
        %add3A_746 = arith.addi %mul3A_743, %mul3A_745 : i32
        %dma_start3A_747 = tpu.memref_slice %arg3[%add3A_746] : memref<2097152xi32, #tpu.memory_space<hbm>> -> memref<8192xi32, #tpu.memory_space<hbm>>
        %dma_start3A_748 = tpu.memref_slice %arg3[%add3A_746] : memref<2097152xi32, #tpu.memory_space<hbm>> -> memref<8192xi32, #tpu.memory_space<hbm>>
        tpu.enqueue_dma source(%dma_start3A_748 : memref<8192xi32, #tpu.memory_space<hbm>>) target(%arg7 : memref<8192xi32, #tpu.memory_space<vmem>>) target_semaphore(%arg11 : memref<!tpu.dma_semaphore, #tpu.memory_space<semaphore_mem>>)
        %dma_start3A_749 = tpu.memref_slice %arg4[%add3A_746] : memref<2097152xf32, #tpu.memory_space<hbm>> -> memref<8192xf32, #tpu.memory_space<hbm>>
        %dma_start3A_750 = tpu.memref_slice %arg4[%add3A_746] : memref<2097152xf32, #tpu.memory_space<hbm>> -> memref<8192xf32, #tpu.memory_space<hbm>>
        tpu.enqueue_dma source(%dma_start3A_750 : memref<8192xf32, #tpu.memory_space<hbm>>) target(%arg9 : memref<8192xf32, #tpu.memory_space<vmem>>) target_semaphore(%arg13 : memref<!tpu.dma_semaphore, #tpu.memory_space<semaphore_mem>>)
      } else {
      }
      %mul3A_665 = arith.constant 2 : i32
      %mul3A_666 = arith.muli %mul3A_665, %add3A_620 : i32
      %add3A_667 = arith.constant 1 : i32
      %add3A_668 = arith.addi %mul3A_666, %add3A_667 : i32
      %jit3A_669 = arith.constant 2 : i32
      %div3A_670 = arith.divsi %add3A_668, %jit3A_669 : i32
      %sign3A_671 = arith.constant 0 : i32
      %sign3A_672 = arith.cmpi sgt, %add3A_668, %sign3A_671 : i32
      %sign3A_673 = arith.extui %sign3A_672 : i1 to i32
      %sign3A_674 = arith.constant 0 : i32
      %sign3A_675 = arith.cmpi slt, %add3A_668, %sign3A_674 : i32
      %sign3A_676 = arith.extui %sign3A_675 : i1 to i32
      %sign3A_677 = arith.subi %sign3A_673, %sign3A_676 : i32
      %sign3A_678 = arith.constant 0 : i32
      %sign3A_679 = arith.cmpi sgt, %jit3A_669, %sign3A_678 : i32
      %sign3A_680 = arith.extui %sign3A_679 : i1 to i32
      %sign3A_681 = arith.constant 0 : i32
      %sign3A_682 = arith.cmpi slt, %jit3A_669, %sign3A_681 : i32
      %sign3A_683 = arith.extui %sign3A_682 : i1 to i32
      %sign3A_684 = arith.subi %sign3A_680, %sign3A_683 : i32
      %ne3A_685 = arith.cmpi ne, %sign3A_677, %sign3A_684 : i32
      %rem3A_686 = arith.remsi %add3A_668, %jit3A_669 : i32
      %ne3A_687 = arith.constant 0 : i32
      %ne3A_688 = arith.cmpi ne, %rem3A_686, %ne3A_687 : i32
      %and3A_689 = arith.andi %ne3A_685, %ne3A_688 : i1
      %sub3A_690 = arith.constant 1 : i32
      %sub3A_691 = arith.subi %div3A_670, %sub3A_690 : i32
      %select_n3A_692 = arith.select %and3A_689, %sub3A_691, %div3A_670 : i32
      %dma_wait3A_693 = arith.constant 0 : i32
      %dma_wait3A_694 = tpu.memref_slice %arg3[%dma_wait3A_693] : memref<2097152xi32, #tpu.memory_space<hbm>> -> memref<8192xi32, #tpu.memory_space<hbm>>
      %dma_wait3A_695 = arith.constant 0 : i32
      %dma_wait3A_696 = tpu.memref_slice %arg3[%dma_wait3A_695] : memref<2097152xi32, #tpu.memory_space<hbm>> -> memref<8192xi32, #tpu.memory_space<hbm>>
      tpu.wait_dma2 semaphore(%arg12 : memref<!tpu.dma_semaphore, #tpu.memory_space<semaphore_mem>>) src(%dma_wait3A_696 : memref<8192xi32, #tpu.memory_space<hbm>>) dst(%arg8 : memref<8192xi32, #tpu.memory_space<vmem>>)
      %dma_wait3A_697 = arith.constant 0 : i32
      %dma_wait3A_698 = tpu.memref_slice %arg4[%dma_wait3A_697] : memref<2097152xf32, #tpu.memory_space<hbm>> -> memref<8192xf32, #tpu.memory_space<hbm>>
      %dma_wait3A_699 = arith.constant 0 : i32
      %dma_wait3A_700 = tpu.memref_slice %arg4[%dma_wait3A_699] : memref<2097152xf32, #tpu.memory_space<hbm>> -> memref<8192xf32, #tpu.memory_space<hbm>>
      tpu.wait_dma2 semaphore(%arg14 : memref<!tpu.dma_semaphore, #tpu.memory_space<semaphore_mem>>) src(%dma_wait3A_700 : memref<8192xf32, #tpu.memory_space<hbm>>) dst(%arg10 : memref<8192xf32, #tpu.memory_space<vmem>>)
      %scan3A_701 = arith.constant 0 : i32
      %scan3A_702 = arith.constant 64 : i32
      %scan3A_703 = arith.addi %scan3A_701, %scan3A_702 : i32
      %scan3A_704 = arith.constant 1 : i32
      scf.for %scan3A_713 = %scan3A_701 to %scan3A_703 step %scan3A_704  : i32 {
        %mul3A_714 = arith.constant 1 : i32
        %mul3A_715 = arith.muli %scan3A_713, %mul3A_714 : i32
        %add3A_716 = arith.constant 0 : i32
        %add3A_717 = arith.addi %add3A_716, %mul3A_715 : i32
        %mul3A_718 = arith.constant 8 : i32
        %mul3A_719 = arith.muli %add3A_717, %mul3A_718 : i32
        %add3A_720 = arith.constant 0 : i32
        %add3A_721 = arith.addi %mul3A_719, %add3A_720 : i32
        %mul3A_722 = arith.constant 16 : i32
        %mul3A_723 = arith.muli %add3A_721, %mul3A_722 : i32
        %get3A = arith.index_cast %mul3A_723 : i32 to index
        %get3A_724 = tpu.vector_load %arg8[%get3A] {strides = array<i32>} : memref<8192xi32, #tpu.memory_space<vmem>>, vector<16xi32>,
        %get3A_725 = arith.index_cast %mul3A_723 : i32 to index
        %get3A_726 = tpu.vector_load %arg10[%get3A_725] {strides = array<i32>} : memref<8192xf32, #tpu.memory_space<vmem>>, vector<16xf32>,
        %mul3A_727 = arith.constant 8 : i32
        %mul3A_728 = arith.muli %add3A_717, %mul3A_727 : i32
        %add3A_729 = arith.constant 1 : i32
        %add3A_730 = arith.addi %mul3A_728, %add3A_729 : i32
        %mul3A_731 = arith.constant 16 : i32
        %mul3A_732 = arith.muli %add3A_730, %mul3A_731 : i32
        %get3A_733 = arith.index_cast %mul3A_732 : i32 to index
        %get3A_734 = tpu.vector_load %arg8[%get3A_733] {strides = array<i32>} : memref<8192xi32, #tpu.memory_space<vmem>>, vector<16xi32>,
        %get3A_735 = arith.index_cast %mul3A_732 : i32 to index
        %get3A_736 = tpu.vector_load %arg10[%get3A_735] {strides = array<i32>} : memref<8192xf32, #tpu.memory_space<vmem>>, vector<16xf32>,
        %mul3A_737 = arith.constant 8 : i32
        %mul3A_738 = arith.muli %add3A_717, %mul3A_737 : i32
        %add3A_739 = arith.constant 2 : i32
        %add3A_740 = arith.addi %mul3A_738, %add3A_739 : i32
        %mul3A_741 = arith.constant 16 : i32
        %mul3A_742 = arith.muli %add3A_740, %mul3A_741 : i32
        %get3A_743 = arith.index_cast %mul3A_742 : i32 to index
        %get3A_744 = tpu.vector_load %arg8[%get3A_743] {strides = array<i32>} : memref<8192xi32, #tpu.memory_space<vmem>>, vector<16xi32>,
        %get3A_745 = arith.index_cast %mul3A_742 : i32 to index
        %get3A_746 = tpu.vector_load %arg10[%get3A_745] {strides = array<i32>} : memref<8192xf32, #tpu.memory_space<vmem>>, vector<16xf32>,
        %mul3A_747 = arith.constant 8 : i32
        %mul3A_748 = arith.muli %add3A_717, %mul3A_747 : i32
        %add3A_749 = arith.constant 3 : i32
        %add3A_750 = arith.addi %mul3A_748, %add3A_749 : i32
        %mul3A_751 = arith.constant 16 : i32
        %mul3A_752 = arith.muli %add3A_750, %mul3A_751 : i32
        %get3A_753 = arith.index_cast %mul3A_752 : i32 to index
        %get3A_754 = tpu.vector_load %arg8[%get3A_753] {strides = array<i32>} : memref<8192xi32, #tpu.memory_space<vmem>>, vector<16xi32>,
        %get3A_755 = arith.index_cast %mul3A_752 : i32 to index
        %get3A_756 = tpu.vector_load %arg10[%get3A_755] {strides = array<i32>} : memref<8192xf32, #tpu.memory_space<vmem>>, vector<16xf32>,
        %mul3A_757 = arith.constant 8 : i32
        %mul3A_758 = arith.muli %add3A_717, %mul3A_757 : i32
        %add3A_759 = arith.constant 4 : i32
        %add3A_760 = arith.addi %mul3A_758, %add3A_759 : i32
        %mul3A_761 = arith.constant 16 : i32
        %mul3A_762 = arith.muli %add3A_760, %mul3A_761 : i32
        %get3A_763 = arith.index_cast %mul3A_762 : i32 to index
        %get3A_764 = tpu.vector_load %arg8[%get3A_763] {strides = array<i32>} : memref<8192xi32, #tpu.memory_space<vmem>>, vector<16xi32>,
        %get3A_765 = arith.index_cast %mul3A_762 : i32 to index
        %get3A_766 = tpu.vector_load %arg10[%get3A_765] {strides = array<i32>} : memref<8192xf32, #tpu.memory_space<vmem>>, vector<16xf32>,
        %mul3A_767 = arith.constant 8 : i32
        %mul3A_768 = arith.muli %add3A_717, %mul3A_767 : i32
        %add3A_769 = arith.constant 5 : i32
        %add3A_770 = arith.addi %mul3A_768, %add3A_769 : i32
        %mul3A_771 = arith.constant 16 : i32
        %mul3A_772 = arith.muli %add3A_770, %mul3A_771 : i32
        %get3A_773 = arith.index_cast %mul3A_772 : i32 to index
        %get3A_774 = tpu.vector_load %arg8[%get3A_773] {strides = array<i32>} : memref<8192xi32, #tpu.memory_space<vmem>>, vector<16xi32>,
        %get3A_775 = arith.index_cast %mul3A_772 : i32 to index
        %get3A_776 = tpu.vector_load %arg10[%get3A_775] {strides = array<i32>} : memref<8192xf32, #tpu.memory_space<vmem>>, vector<16xf32>,
        %mul3A_777 = arith.constant 8 : i32
        %mul3A_778 = arith.muli %add3A_717, %mul3A_777 : i32
        %add3A_779 = arith.constant 6 : i32
        %add3A_780 = arith.addi %mul3A_778, %add3A_779 : i32
        %mul3A_781 = arith.constant 16 : i32
        %mul3A_782 = arith.muli %add3A_780, %mul3A_781 : i32
        %get3A_783 = arith.index_cast %mul3A_782 : i32 to index
        %get3A_784 = tpu.vector_load %arg8[%get3A_783] {strides = array<i32>} : memref<8192xi32, #tpu.memory_space<vmem>>, vector<16xi32>,
        %get3A_785 = arith.index_cast %mul3A_782 : i32 to index
        %get3A_786 = tpu.vector_load %arg10[%get3A_785] {strides = array<i32>} : memref<8192xf32, #tpu.memory_space<vmem>>, vector<16xf32>,
        %mul3A_787 = arith.constant 8 : i32
        %mul3A_788 = arith.muli %add3A_717, %mul3A_787 : i32
        %add3A_789 = arith.constant 7 : i32
        %add3A_790 = arith.addi %mul3A_788, %add3A_789 : i32
        %mul3A_791 = arith.constant 16 : i32
        %mul3A_792 = arith.muli %add3A_790, %mul3A_791 : i32
        %get3A_793 = arith.index_cast %mul3A_792 : i32 to index
        %get3A_794 = tpu.vector_load %arg8[%get3A_793] {strides = array<i32>} : memref<8192xi32, #tpu.memory_space<vmem>>, vector<16xi32>,
        %get3A_795 = arith.index_cast %mul3A_792 : i32 to index
        %get3A_796 = tpu.vector_load %arg10[%get3A_795] {strides = array<i32>} : memref<8192xf32, #tpu.memory_space<vmem>>, vector<16xf32>,
        %broadcast_in_dim3A = vector.broadcast %select_n3A_692 : i32 to vector<16xi32>
        %sub3A_797 = vector.broadcast %mul3A_483 : i32 to vector<16xi32>
        %sub3A_798 = arith.subi %get3A_724, %sub3A_797 : vector<16xi32>
        %lt3A_799 = arith.constant 10000 : i32
        %lt3A_800 = vector.broadcast %lt3A_799 : i32 to vector<16xi32>
        %lt3A_801 = arith.cmpi ult, %sub3A_798, %lt3A_800 : vector<16xi32>
        tpu.vector_store_idx %arg6[%sub3A_798, %broadcast_in_dim3A], %get3A_726 masked %lt3A_801 : memref<10000x8xf32, #tpu.memory_space<vmem>>[vector<16xi32>, vector<16xi32>], vector<16xf32>, vector<16xi1>
        %sub3A_802 = vector.broadcast %mul3A_483 : i32 to vector<16xi32>
        %sub3A_803 = arith.subi %get3A_734, %sub3A_802 : vector<16xi32>
        %lt3A_804 = arith.constant 10000 : i32
        %lt3A_805 = vector.broadcast %lt3A_804 : i32 to vector<16xi32>
        %lt3A_806 = arith.cmpi ult, %sub3A_803, %lt3A_805 : vector<16xi32>
        tpu.vector_store_idx %arg6[%sub3A_803, %broadcast_in_dim3A], %get3A_736 masked %lt3A_806 : memref<10000x8xf32, #tpu.memory_space<vmem>>[vector<16xi32>, vector<16xi32>], vector<16xf32>, vector<16xi1>
        %sub3A_807 = vector.broadcast %mul3A_483 : i32 to vector<16xi32>
        %sub3A_808 = arith.subi %get3A_744, %sub3A_807 : vector<16xi32>
        %lt3A_809 = arith.constant 10000 : i32
        %lt3A_810 = vector.broadcast %lt3A_809 : i32 to vector<16xi32>
        %lt3A_811 = arith.cmpi ult, %sub3A_808, %lt3A_810 : vector<16xi32>
        tpu.vector_store_idx %arg6[%sub3A_808, %broadcast_in_dim3A], %get3A_746 masked %lt3A_811 : memref<10000x8xf32, #tpu.memory_space<vmem>>[vector<16xi32>, vector<16xi32>], vector<16xf32>, vector<16xi1>
        %sub3A_812 = vector.broadcast %mul3A_483 : i32 to vector<16xi32>
        %sub3A_813 = arith.subi %get3A_754, %sub3A_812 : vector<16xi32>
        %lt3A_814 = arith.constant 10000 : i32
        %lt3A_815 = vector.broadcast %lt3A_814 : i32 to vector<16xi32>
        %lt3A_816 = arith.cmpi ult, %sub3A_813, %lt3A_815 : vector<16xi32>
        tpu.vector_store_idx %arg6[%sub3A_813, %broadcast_in_dim3A], %get3A_756 masked %lt3A_816 : memref<10000x8xf32, #tpu.memory_space<vmem>>[vector<16xi32>, vector<16xi32>], vector<16xf32>, vector<16xi1>
        %sub3A_817 = vector.broadcast %mul3A_483 : i32 to vector<16xi32>
        %sub3A_818 = arith.subi %get3A_764, %sub3A_817 : vector<16xi32>
        %lt3A_819 = arith.constant 10000 : i32
        %lt3A_820 = vector.broadcast %lt3A_819 : i32 to vector<16xi32>
        %lt3A_821 = arith.cmpi ult, %sub3A_818, %lt3A_820 : vector<16xi32>
        tpu.vector_store_idx %arg6[%sub3A_818, %broadcast_in_dim3A], %get3A_766 masked %lt3A_821 : memref<10000x8xf32, #tpu.memory_space<vmem>>[vector<16xi32>, vector<16xi32>], vector<16xf32>, vector<16xi1>
        %sub3A_822 = vector.broadcast %mul3A_483 : i32 to vector<16xi32>
        %sub3A_823 = arith.subi %get3A_774, %sub3A_822 : vector<16xi32>
        %lt3A_824 = arith.constant 10000 : i32
        %lt3A_825 = vector.broadcast %lt3A_824 : i32 to vector<16xi32>
        %lt3A_826 = arith.cmpi ult, %sub3A_823, %lt3A_825 : vector<16xi32>
        tpu.vector_store_idx %arg6[%sub3A_823, %broadcast_in_dim3A], %get3A_776 masked %lt3A_826 : memref<10000x8xf32, #tpu.memory_space<vmem>>[vector<16xi32>, vector<16xi32>], vector<16xf32>, vector<16xi1>
        %sub3A_827 = vector.broadcast %mul3A_483 : i32 to vector<16xi32>
        %sub3A_828 = arith.subi %get3A_784, %sub3A_827 : vector<16xi32>
        %lt3A_829 = arith.constant 10000 : i32
        %lt3A_830 = vector.broadcast %lt3A_829 : i32 to vector<16xi32>
        %lt3A_831 = arith.cmpi ult, %sub3A_828, %lt3A_830 : vector<16xi32>
        tpu.vector_store_idx %arg6[%sub3A_828, %broadcast_in_dim3A], %get3A_786 masked %lt3A_831 : memref<10000x8xf32, #tpu.memory_space<vmem>>[vector<16xi32>, vector<16xi32>], vector<16xf32>, vector<16xi1>
        %sub3A_832 = vector.broadcast %mul3A_483 : i32 to vector<16xi32>
        %sub3A_833 = arith.subi %get3A_794, %sub3A_832 : vector<16xi32>
        %lt3A_834 = arith.constant 10000 : i32
        %lt3A_835 = vector.broadcast %lt3A_834 : i32 to vector<16xi32>
        %lt3A_836 = arith.cmpi ult, %sub3A_833, %lt3A_835 : vector<16xi32>
        tpu.vector_store_idx %arg6[%sub3A_833, %broadcast_in_dim3A], %get3A_796 masked %lt3A_836 : memref<10000x8xf32, #tpu.memory_space<vmem>>[vector<16xi32>, vector<16xi32>], vector<16xf32>, vector<16xi1>
      }
      %scan3A_705 = arith.constant 64 : i32
      %add3A_706 = arith.constant 2 : i32
      %add3A_707 = arith.addi %add3A_668, %add3A_706 : i32
      %lt3A_708 = arith.constant 16 : i32
      %lt3A_709 = arith.cmpi slt, %add3A_707, %lt3A_708 : i32
      %convert_element_type3A_710 = arith.extui %lt3A_709 : i1 to i32
      %cond3A_711 = arith.constant 0 : i32
      %cond3A_712 = arith.cmpi ne, %convert_element_type3A_710, %cond3A_711 : i32
      scf.if %cond3A_712 {
        %jit3A_713 = arith.constant 2 : i32
        %div3A_714 = arith.divsi %add3A_707, %jit3A_713 : i32
        %sign3A_715 = arith.constant 0 : i32
        %sign3A_716 = arith.cmpi sgt, %add3A_707, %sign3A_715 : i32
        %sign3A_717 = arith.extui %sign3A_716 : i1 to i32
        %sign3A_718 = arith.constant 0 : i32
        %sign3A_719 = arith.cmpi slt, %add3A_707, %sign3A_718 : i32
        %sign3A_720 = arith.extui %sign3A_719 : i1 to i32
        %sign3A_721 = arith.subi %sign3A_717, %sign3A_720 : i32
        %sign3A_722 = arith.constant 0 : i32
        %sign3A_723 = arith.cmpi sgt, %jit3A_713, %sign3A_722 : i32
        %sign3A_724 = arith.extui %sign3A_723 : i1 to i32
        %sign3A_725 = arith.constant 0 : i32
        %sign3A_726 = arith.cmpi slt, %jit3A_713, %sign3A_725 : i32
        %sign3A_727 = arith.extui %sign3A_726 : i1 to i32
        %sign3A_728 = arith.subi %sign3A_724, %sign3A_727 : i32
        %ne3A_729 = arith.cmpi ne, %sign3A_721, %sign3A_728 : i32
        %rem3A_730 = arith.remsi %add3A_707, %jit3A_713 : i32
        %ne3A_731 = arith.constant 0 : i32
        %ne3A_732 = arith.cmpi ne, %rem3A_730, %ne3A_731 : i32
        %and3A_733 = arith.andi %ne3A_729, %ne3A_732 : i1
        %sub3A_734 = arith.constant 1 : i32
        %sub3A_735 = arith.subi %div3A_714, %sub3A_734 : i32
        %select_n3A_736 = arith.select %and3A_733, %sub3A_735, %div3A_714 : i32
        %rem3A_737 = arith.constant 2 : i32
        %rem3A_738 = arith.remsi %add3A_707, %rem3A_737 : i32
        %mul3A_739 = arith.constant 8 : i32
        %mul3A_740 = arith.muli %rem3A_457, %mul3A_739 : i32
        %add3A_741 = arith.addi %mul3A_740, %select_n3A_736 : i32
        %mul3A_742 = arith.constant 16384 : i32
        %mul3A_743 = arith.muli %add3A_741, %mul3A_742 : i32
        %mul3A_744 = arith.constant 8192 : i32
        %mul3A_745 = arith.muli %rem3A_738, %mul3A_744 : i32
        %add3A_746 = arith.addi %mul3A_743, %mul3A_745 : i32
        %dma_start3A_747 = tpu.memref_slice %arg3[%add3A_746] : memref<2097152xi32, #tpu.memory_space<hbm>> -> memref<8192xi32, #tpu.memory_space<hbm>>
        %dma_start3A_748 = tpu.memref_slice %arg3[%add3A_746] : memref<2097152xi32, #tpu.memory_space<hbm>> -> memref<8192xi32, #tpu.memory_space<hbm>>
        tpu.enqueue_dma source(%dma_start3A_748 : memref<8192xi32, #tpu.memory_space<hbm>>) target(%arg8 : memref<8192xi32, #tpu.memory_space<vmem>>) target_semaphore(%arg12 : memref<!tpu.dma_semaphore, #tpu.memory_space<semaphore_mem>>)
        %dma_start3A_749 = tpu.memref_slice %arg4[%add3A_746] : memref<2097152xf32, #tpu.memory_space<hbm>> -> memref<8192xf32, #tpu.memory_space<hbm>>
        %dma_start3A_750 = tpu.memref_slice %arg4[%add3A_746] : memref<2097152xf32, #tpu.memory_space<hbm>> -> memref<8192xf32, #tpu.memory_space<hbm>>
        tpu.enqueue_dma source(%dma_start3A_750 : memref<8192xf32, #tpu.memory_space<hbm>>) target(%arg10 : memref<8192xf32, #tpu.memory_space<vmem>>) target_semaphore(%arg14 : memref<!tpu.dma_semaphore, #tpu.memory_space<semaphore_mem>>)
      } else {
      }
    }
    %scan3A_490 = arith.constant 8 : i32
    %add3A_491 = arith.constant 128 : i32
    %add3A_492 = arith.addi %add3A, %add3A_491 : i32
    %rem3A_493 = arith.constant 16 : i32
    %rem3A_494 = arith.remsi %add3A_492, %rem3A_493 : i32
    %jit3A_495 = arith.constant 16 : i32
    %div3A_496 = arith.divsi %add3A_492, %jit3A_495 : i32
    %sign3A_497 = arith.constant 0 : i32
    %sign3A_498 = arith.cmpi sgt, %add3A_492, %sign3A_497 : i32
    %sign3A_499 = arith.extui %sign3A_498 : i1 to i32
    %sign3A_500 = arith.constant 0 : i32
    %sign3A_501 = arith.cmpi slt, %add3A_492, %sign3A_500 : i32
    %sign3A_502 = arith.extui %sign3A_501 : i1 to i32
    %sign3A_503 = arith.subi %sign3A_499, %sign3A_502 : i32
    %sign3A_504 = arith.constant 0 : i32
    %sign3A_505 = arith.cmpi sgt, %jit3A_495, %sign3A_504 : i32
    %sign3A_506 = arith.extui %sign3A_505 : i1 to i32
    %sign3A_507 = arith.constant 0 : i32
    %sign3A_508 = arith.cmpi slt, %jit3A_495, %sign3A_507 : i32
    %sign3A_509 = arith.extui %sign3A_508 : i1 to i32
    %sign3A_510 = arith.subi %sign3A_506, %sign3A_509 : i32
    %ne3A_511 = arith.cmpi ne, %sign3A_503, %sign3A_510 : i32
    %rem3A_512 = arith.remsi %add3A_492, %jit3A_495 : i32
    %ne3A_513 = arith.constant 0 : i32
    %ne3A_514 = arith.cmpi ne, %rem3A_512, %ne3A_513 : i32
    %and3A_515 = arith.andi %ne3A_511, %ne3A_514 : i1
    %sub3A_516 = arith.constant 1 : i32
    %sub3A_517 = arith.subi %div3A_496, %sub3A_516 : i32
    %select_n3A_518 = arith.select %and3A_515, %sub3A_517, %div3A_496 : i32
    %mul3A_519 = arith.constant 10000 : i32
    %mul3A_520 = arith.muli %select_n3A_518, %mul3A_519 : i32
    %mul3A_521 = arith.constant 8 : i32
    %mul3A_522 = arith.muli %rem3A_494, %mul3A_521 : i32
    %rem3A_523 = arith.constant 0 : i32
    %rem3A_524 = arith.constant 2 : i32
    %rem3A_525 = arith.remsi %rem3A_523, %rem3A_524 : i32
    %mul3A_526 = arith.constant 8 : i32
    %mul3A_527 = arith.muli %rem3A_494, %mul3A_526 : i32
    %add3A_528 = arith.constant 0 : i32
    %add3A_529 = arith.addi %mul3A_527, %add3A_528 : i32
    %mul3A_530 = arith.constant 16384 : i32
    %mul3A_531 = arith.muli %add3A_529, %mul3A_530 : i32
    %mul3A_532 = arith.constant 8192 : i32
    %mul3A_533 = arith.muli %rem3A_525, %mul3A_532 : i32
    %add3A_534 = arith.addi %mul3A_531, %mul3A_533 : i32
    %dma_start3A_535 = tpu.memref_slice %arg3[%add3A_534] : memref<2097152xi32, #tpu.memory_space<hbm>> -> memref<8192xi32, #tpu.memory_space<hbm>>
    %dma_start3A_536 = tpu.memref_slice %arg3[%add3A_534] : memref<2097152xi32, #tpu.memory_space<hbm>> -> memref<8192xi32, #tpu.memory_space<hbm>>
    tpu.enqueue_dma source(%dma_start3A_536 : memref<8192xi32, #tpu.memory_space<hbm>>) target(%arg7 : memref<8192xi32, #tpu.memory_space<vmem>>) target_semaphore(%arg11 : memref<!tpu.dma_semaphore, #tpu.memory_space<semaphore_mem>>)
    %rem3A_537 = arith.constant 0 : i32
    %rem3A_538 = arith.constant 2 : i32
    %rem3A_539 = arith.remsi %rem3A_537, %rem3A_538 : i32
    %mul3A_540 = arith.constant 8 : i32
    %mul3A_541 = arith.muli %rem3A_494, %mul3A_540 : i32
    %add3A_542 = arith.constant 0 : i32
    %add3A_543 = arith.addi %mul3A_541, %add3A_542 : i32
    %mul3A_544 = arith.constant 16384 : i32
    %mul3A_545 = arith.muli %add3A_543, %mul3A_544 : i32
    %mul3A_546 = arith.constant 8192 : i32
    %mul3A_547 = arith.muli %rem3A_539, %mul3A_546 : i32
    %add3A_548 = arith.addi %mul3A_545, %mul3A_547 : i32
    %dma_start3A_549 = tpu.memref_slice %arg4[%add3A_548] : memref<2097152xf32, #tpu.memory_space<hbm>> -> memref<8192xf32, #tpu.memory_space<hbm>>
    %dma_start3A_550 = tpu.memref_slice %arg4[%add3A_548] : memref<2097152xf32, #tpu.memory_space<hbm>> -> memref<8192xf32, #tpu.memory_space<hbm>>
    tpu.enqueue_dma source(%dma_start3A_550 : memref<8192xf32, #tpu.memory_space<hbm>>) target(%arg9 : memref<8192xf32, #tpu.memory_space<vmem>>) target_semaphore(%arg13 : memref<!tpu.dma_semaphore, #tpu.memory_space<semaphore_mem>>)
    %rem3A_551 = arith.constant 1 : i32
    %rem3A_552 = arith.constant 2 : i32
    %rem3A_553 = arith.remsi %rem3A_551, %rem3A_552 : i32
    %mul3A_554 = arith.constant 8 : i32
    %mul3A_555 = arith.muli %rem3A_494, %mul3A_554 : i32
    %add3A_556 = arith.constant 0 : i32
    %add3A_557 = arith.addi %mul3A_555, %add3A_556 : i32
    %mul3A_558 = arith.constant 16384 : i32
    %mul3A_559 = arith.muli %add3A_557, %mul3A_558 : i32
    %mul3A_560 = arith.constant 8192 : i32
    %mul3A_561 = arith.muli %rem3A_553, %mul3A_560 : i32
    %add3A_562 = arith.addi %mul3A_559, %mul3A_561 : i32
    %dma_start3A_563 = tpu.memref_slice %arg3[%add3A_562] : memref<2097152xi32, #tpu.memory_space<hbm>> -> memref<8192xi32, #tpu.memory_space<hbm>>
    %dma_start3A_564 = tpu.memref_slice %arg3[%add3A_562] : memref<2097152xi32, #tpu.memory_space<hbm>> -> memref<8192xi32, #tpu.memory_space<hbm>>
    tpu.enqueue_dma source(%dma_start3A_564 : memref<8192xi32, #tpu.memory_space<hbm>>) target(%arg8 : memref<8192xi32, #tpu.memory_space<vmem>>) target_semaphore(%arg12 : memref<!tpu.dma_semaphore, #tpu.memory_space<semaphore_mem>>)
    %rem3A_565 = arith.constant 1 : i32
    %rem3A_566 = arith.constant 2 : i32
    %rem3A_567 = arith.remsi %rem3A_565, %rem3A_566 : i32
    %mul3A_568 = arith.constant 8 : i32
    %mul3A_569 = arith.muli %rem3A_494, %mul3A_568 : i32
    %add3A_570 = arith.constant 0 : i32
    %add3A_571 = arith.addi %mul3A_569, %add3A_570 : i32
    %mul3A_572 = arith.constant 16384 : i32
    %mul3A_573 = arith.muli %add3A_571, %mul3A_572 : i32
    %mul3A_574 = arith.constant 8192 : i32
    %mul3A_575 = arith.muli %rem3A_567, %mul3A_574 : i32
    %add3A_576 = arith.addi %mul3A_573, %mul3A_575 : i32
    %dma_start3A_577 = tpu.memref_slice %arg4[%add3A_576] : memref<2097152xf32, #tpu.memory_space<hbm>> -> memref<8192xf32, #tpu.memory_space<hbm>>
    %dma_start3A_578 = tpu.memref_slice %arg4[%add3A_576] : memref<2097152xf32, #tpu.memory_space<hbm>> -> memref<8192xf32, #tpu.memory_space<hbm>>
    tpu.enqueue_dma source(%dma_start3A_578 : memref<8192xf32, #tpu.memory_space<hbm>>) target(%arg10 : memref<8192xf32, #tpu.memory_space<vmem>>) target_semaphore(%arg14 : memref<!tpu.dma_semaphore, #tpu.memory_space<semaphore_mem>>)
    "tpu.region"() ({
      %run_scoped3A = tpu.sem_alloc : memref<!tpu.dma_semaphore, #tpu.memory_space<semaphore_mem>>
      %dma_start3A_616 = tpu.memref_slice %arg5[%mul3A_483, %mul3A_485] : memref<100000x128xf32, #tpu.memory_space<hbm>> -> memref<10000x8xf32, #tpu.memory_space<hbm>>
      %dma_start3A_617 = tpu.memref_slice %arg5[%mul3A_483, %mul3A_485] : memref<100000x128xf32, #tpu.memory_space<hbm>> -> memref<10000x8xf32, #tpu.memory_space<hbm>>
      tpu.enqueue_dma source(%arg6 : memref<10000x8xf32, #tpu.memory_space<vmem>>) target(%dma_start3A_617 : memref<10000x8xf32, #tpu.memory_space<hbm>>) target_semaphore(%run_scoped3A : memref<!tpu.dma_semaphore, #tpu.memory_space<semaphore_mem>>)
      %dma_wait3A = tpu.memref_slice %arg5[%mul3A_483, %mul3A_485] : memref<100000x128xf32, #tpu.memory_space<hbm>> -> memref<10000x8xf32, #tpu.memory_space<hbm>>
      %dma_wait3A_618 = tpu.memref_slice %arg5[%mul3A_483, %mul3A_485] : memref<100000x128xf32, #tpu.memory_space<hbm>> -> memref<10000x8xf32, #tpu.memory_space<hbm>>
      tpu.wait_dma2 semaphore(%run_scoped3A : memref<!tpu.dma_semaphore, #tpu.memory_space<semaphore_mem>>) src(%arg6 : memref<10000x8xf32, #tpu.memory_space<vmem>>) dst(%dma_wait3A_618 : memref<10000x8xf32, #tpu.memory_space<hbm>>)
      tpu.yield
    }) : () -> ()
    %add3A_579 = arith.constant 128 : i32
    %add3A_580 = arith.addi %add3A, %add3A_579 : i32
    %rem3A_581 = arith.constant 16 : i32
    %rem3A_582 = arith.remsi %add3A_580, %rem3A_581 : i32
    %jit3A_583 = arith.constant 16 : i32
    %div3A_584 = arith.divsi %add3A_580, %jit3A_583 : i32
    %sign3A_585 = arith.constant 0 : i32
    %sign3A_586 = arith.cmpi sgt, %add3A_580, %sign3A_585 : i32
    %sign3A_587 = arith.extui %sign3A_586 : i1 to i32
    %sign3A_588 = arith.constant 0 : i32
    %sign3A_589 = arith.cmpi slt, %add3A_580, %sign3A_588 : i32
    %sign3A_590 = arith.extui %sign3A_589 : i1 to i32
    %sign3A_591 = arith.subi %sign3A_587, %sign3A_590 : i32
    %sign3A_592 = arith.constant 0 : i32
    %sign3A_593 = arith.cmpi sgt, %jit3A_583, %sign3A_592 : i32
    %sign3A_594 = arith.extui %sign3A_593 : i1 to i32
    %sign3A_595 = arith.constant 0 : i32
    %sign3A_596 = arith.cmpi slt, %jit3A_583, %sign3A_595 : i32
    %sign3A_597 = arith.extui %sign3A_596 : i1 to i32
    %sign3A_598 = arith.subi %sign3A_594, %sign3A_597 : i32
    %ne3A_599 = arith.cmpi ne, %sign3A_591, %sign3A_598 : i32
    %rem3A_600 = arith.remsi %add3A_580, %jit3A_583 : i32
    %ne3A_601 = arith.constant 0 : i32
    %ne3A_602 = arith.cmpi ne, %rem3A_600, %ne3A_601 : i32
    %and3A_603 = arith.andi %ne3A_599, %ne3A_602 : i1
    %sub3A_604 = arith.constant 1 : i32
    %sub3A_605 = arith.subi %div3A_584, %sub3A_604 : i32
    %select_n3A_606 = arith.select %and3A_603, %sub3A_605, %div3A_584 : i32
    %mul3A_607 = arith.constant 10000 : i32
    %mul3A_608 = arith.muli %select_n3A_606, %mul3A_607 : i32
    %mul3A_609 = arith.constant 8 : i32
    %mul3A_610 = arith.muli %rem3A_582, %mul3A_609 : i32
    "tpu.region"() ({
      %run_scoped3A = tpu.sem_alloc : memref<!tpu.dma_semaphore, #tpu.memory_space<semaphore_mem>>
      %dma_start3A_616 = tpu.memref_slice %arg2[%mul3A_608, %mul3A_610] : memref<100000x128xf32, #tpu.memory_space<hbm>> -> memref<10000x8xf32, #tpu.memory_space<hbm>>
      %dma_start3A_617 = tpu.memref_slice %arg2[%mul3A_608, %mul3A_610] : memref<100000x128xf32, #tpu.memory_space<hbm>> -> memref<10000x8xf32, #tpu.memory_space<hbm>>
      tpu.enqueue_dma source(%dma_start3A_617 : memref<10000x8xf32, #tpu.memory_space<hbm>>) target(%arg6 : memref<10000x8xf32, #tpu.memory_space<vmem>>) target_semaphore(%run_scoped3A : memref<!tpu.dma_semaphore, #tpu.memory_space<semaphore_mem>>)
      %dma_wait3A = tpu.memref_slice %arg2[%mul3A_608, %mul3A_610] : memref<100000x128xf32, #tpu.memory_space<hbm>> -> memref<10000x8xf32, #tpu.memory_space<hbm>>
      %dma_wait3A_618 = tpu.memref_slice %arg2[%mul3A_608, %mul3A_610] : memref<100000x128xf32, #tpu.memory_space<hbm>> -> memref<10000x8xf32, #tpu.memory_space<hbm>>
      tpu.wait_dma2 semaphore(%run_scoped3A : memref<!tpu.dma_semaphore, #tpu.memory_space<semaphore_mem>>) src(%dma_wait3A_618 : memref<10000x8xf32, #tpu.memory_space<hbm>>) dst(%arg6 : memref<10000x8xf32, #tpu.memory_space<vmem>>)
      tpu.yield
    }) : () -> ()
    %scan3A_611 = arith.constant 0 : i32
    %scan3A_612 = arith.constant 8 : i32
    %scan3A_613 = arith.addi %scan3A_611, %scan3A_612 : i32
    %scan3A_614 = arith.constant 1 : i32
    scf.for %scan3A_616 = %scan3A_611 to %scan3A_613 step %scan3A_614  : i32 {
      %mul3A_617 = arith.constant 1 : i32
      %mul3A_618 = arith.muli %scan3A_616, %mul3A_617 : i32
      %add3A_619 = arith.constant 0 : i32
      %add3A_620 = arith.addi %add3A_619, %mul3A_618 : i32
      %mul3A_621 = arith.constant 2 : i32
      %mul3A_622 = arith.muli %mul3A_621, %add3A_620 : i32
      %add3A_623 = arith.constant 0 : i32
      %add3A_624 = arith.addi %mul3A_622, %add3A_623 : i32
      %jit3A_625 = arith.constant 2 : i32
      %div3A_626 = arith.divsi %add3A_624, %jit3A_625 : i32
      %sign3A_627 = arith.constant 0 : i32
      %sign3A_628 = arith.cmpi sgt, %add3A_624, %sign3A_627 : i32
      %sign3A_629 = arith.extui %sign3A_628 : i1 to i32
      %sign3A_630 = arith.constant 0 : i32
      %sign3A_631 = arith.cmpi slt, %add3A_624, %sign3A_630 : i32
      %sign3A_632 = arith.extui %sign3A_631 : i1 to i32
      %sign3A_633 = arith.subi %sign3A_629, %sign3A_632 : i32
      %sign3A_634 = arith.constant 0 : i32
      %sign3A_635 = arith.cmpi sgt, %jit3A_625, %sign3A_634 : i32
      %sign3A_636 = arith.extui %sign3A_635 : i1 to i32
      %sign3A_637 = arith.constant 0 : i32
      %sign3A_638 = arith.cmpi slt, %jit3A_625, %sign3A_637 : i32
      %sign3A_639 = arith.extui %sign3A_638 : i1 to i32
      %sign3A_640 = arith.subi %sign3A_636, %sign3A_639 : i32
      %ne3A_641 = arith.cmpi ne, %sign3A_633, %sign3A_640 : i32
      %rem3A_642 = arith.remsi %add3A_624, %jit3A_625 : i32
      %ne3A_643 = arith.constant 0 : i32
      %ne3A_644 = arith.cmpi ne, %rem3A_642, %ne3A_643 : i32
      %and3A_645 = arith.andi %ne3A_641, %ne3A_644 : i1
      %sub3A_646 = arith.constant 1 : i32
      %sub3A_647 = arith.subi %div3A_626, %sub3A_646 : i32
      %select_n3A_648 = arith.select %and3A_645, %sub3A_647, %div3A_626 : i32
      %dma_wait3A = arith.constant 0 : i32
      %dma_wait3A_649 = tpu.memref_slice %arg3[%dma_wait3A] : memref<2097152xi32, #tpu.memory_space<hbm>> -> memref<8192xi32, #tpu.memory_space<hbm>>
      %dma_wait3A_650 = arith.constant 0 : i32
      %dma_wait3A_651 = tpu.memref_slice %arg3[%dma_wait3A_650] : memref<2097152xi32, #tpu.memory_space<hbm>> -> memref<8192xi32, #tpu.memory_space<hbm>>
      tpu.wait_dma2 semaphore(%arg11 : memref<!tpu.dma_semaphore, #tpu.memory_space<semaphore_mem>>) src(%dma_wait3A_651 : memref<8192xi32, #tpu.memory_space<hbm>>) dst(%arg7 : memref<8192xi32, #tpu.memory_space<vmem>>)
      %dma_wait3A_652 = arith.constant 0 : i32
      %dma_wait3A_653 = tpu.memref_slice %arg4[%dma_wait3A_652] : memref<2097152xf32, #tpu.memory_space<hbm>> -> memref<8192xf32, #tpu.memory_space<hbm>>
      %dma_wait3A_654 = arith.constant 0 : i32
      %dma_wait3A_655 = tpu.memref_slice %arg4[%dma_wait3A_654] : memref<2097152xf32, #tpu.memory_space<hbm>> -> memref<8192xf32, #tpu.memory_space<hbm>>
      tpu.wait_dma2 semaphore(%arg13 : memref<!tpu.dma_semaphore, #tpu.memory_space<semaphore_mem>>) src(%dma_wait3A_655 : memref<8192xf32, #tpu.memory_space<hbm>>) dst(%arg9 : memref<8192xf32, #tpu.memory_space<vmem>>)
      %scan3A_656 = arith.constant 0 : i32
      %scan3A_657 = arith.constant 64 : i32
      %scan3A_658 = arith.addi %scan3A_656, %scan3A_657 : i32
      %scan3A_659 = arith.constant 1 : i32
      scf.for %scan3A_713 = %scan3A_656 to %scan3A_658 step %scan3A_659  : i32 {
        %mul3A_714 = arith.constant 1 : i32
        %mul3A_715 = arith.muli %scan3A_713, %mul3A_714 : i32
        %add3A_716 = arith.constant 0 : i32
        %add3A_717 = arith.addi %add3A_716, %mul3A_715 : i32
        %mul3A_718 = arith.constant 8 : i32
        %mul3A_719 = arith.muli %add3A_717, %mul3A_718 : i32
        %add3A_720 = arith.constant 0 : i32
        %add3A_721 = arith.addi %mul3A_719, %add3A_720 : i32
        %mul3A_722 = arith.constant 16 : i32
        %mul3A_723 = arith.muli %add3A_721, %mul3A_722 : i32
        %get3A = arith.index_cast %mul3A_723 : i32 to index
        %get3A_724 = tpu.vector_load %arg7[%get3A] {strides = array<i32>} : memref<8192xi32, #tpu.memory_space<vmem>>, vector<16xi32>,
        %get3A_725 = arith.index_cast %mul3A_723 : i32 to index
        %get3A_726 = tpu.vector_load %arg9[%get3A_725] {strides = array<i32>} : memref<8192xf32, #tpu.memory_space<vmem>>, vector<16xf32>,
        %mul3A_727 = arith.constant 8 : i32
        %mul3A_728 = arith.muli %add3A_717, %mul3A_727 : i32
        %add3A_729 = arith.constant 1 : i32
        %add3A_730 = arith.addi %mul3A_728, %add3A_729 : i32
        %mul3A_731 = arith.constant 16 : i32
        %mul3A_732 = arith.muli %add3A_730, %mul3A_731 : i32
        %get3A_733 = arith.index_cast %mul3A_732 : i32 to index
        %get3A_734 = tpu.vector_load %arg7[%get3A_733] {strides = array<i32>} : memref<8192xi32, #tpu.memory_space<vmem>>, vector<16xi32>,
        %get3A_735 = arith.index_cast %mul3A_732 : i32 to index
        %get3A_736 = tpu.vector_load %arg9[%get3A_735] {strides = array<i32>} : memref<8192xf32, #tpu.memory_space<vmem>>, vector<16xf32>,
        %mul3A_737 = arith.constant 8 : i32
        %mul3A_738 = arith.muli %add3A_717, %mul3A_737 : i32
        %add3A_739 = arith.constant 2 : i32
        %add3A_740 = arith.addi %mul3A_738, %add3A_739 : i32
        %mul3A_741 = arith.constant 16 : i32
        %mul3A_742 = arith.muli %add3A_740, %mul3A_741 : i32
        %get3A_743 = arith.index_cast %mul3A_742 : i32 to index
        %get3A_744 = tpu.vector_load %arg7[%get3A_743] {strides = array<i32>} : memref<8192xi32, #tpu.memory_space<vmem>>, vector<16xi32>,
        %get3A_745 = arith.index_cast %mul3A_742 : i32 to index
        %get3A_746 = tpu.vector_load %arg9[%get3A_745] {strides = array<i32>} : memref<8192xf32, #tpu.memory_space<vmem>>, vector<16xf32>,
        %mul3A_747 = arith.constant 8 : i32
        %mul3A_748 = arith.muli %add3A_717, %mul3A_747 : i32
        %add3A_749 = arith.constant 3 : i32
        %add3A_750 = arith.addi %mul3A_748, %add3A_749 : i32
        %mul3A_751 = arith.constant 16 : i32
        %mul3A_752 = arith.muli %add3A_750, %mul3A_751 : i32
        %get3A_753 = arith.index_cast %mul3A_752 : i32 to index
        %get3A_754 = tpu.vector_load %arg7[%get3A_753] {strides = array<i32>} : memref<8192xi32, #tpu.memory_space<vmem>>, vector<16xi32>,
        %get3A_755 = arith.index_cast %mul3A_752 : i32 to index
        %get3A_756 = tpu.vector_load %arg9[%get3A_755] {strides = array<i32>} : memref<8192xf32, #tpu.memory_space<vmem>>, vector<16xf32>,
        %mul3A_757 = arith.constant 8 : i32
        %mul3A_758 = arith.muli %add3A_717, %mul3A_757 : i32
        %add3A_759 = arith.constant 4 : i32
        %add3A_760 = arith.addi %mul3A_758, %add3A_759 : i32
        %mul3A_761 = arith.constant 16 : i32
        %mul3A_762 = arith.muli %add3A_760, %mul3A_761 : i32
        %get3A_763 = arith.index_cast %mul3A_762 : i32 to index
        %get3A_764 = tpu.vector_load %arg7[%get3A_763] {strides = array<i32>} : memref<8192xi32, #tpu.memory_space<vmem>>, vector<16xi32>,
        %get3A_765 = arith.index_cast %mul3A_762 : i32 to index
        %get3A_766 = tpu.vector_load %arg9[%get3A_765] {strides = array<i32>} : memref<8192xf32, #tpu.memory_space<vmem>>, vector<16xf32>,
        %mul3A_767 = arith.constant 8 : i32
        %mul3A_768 = arith.muli %add3A_717, %mul3A_767 : i32
        %add3A_769 = arith.constant 5 : i32
        %add3A_770 = arith.addi %mul3A_768, %add3A_769 : i32
        %mul3A_771 = arith.constant 16 : i32
        %mul3A_772 = arith.muli %add3A_770, %mul3A_771 : i32
        %get3A_773 = arith.index_cast %mul3A_772 : i32 to index
        %get3A_774 = tpu.vector_load %arg7[%get3A_773] {strides = array<i32>} : memref<8192xi32, #tpu.memory_space<vmem>>, vector<16xi32>,
        %get3A_775 = arith.index_cast %mul3A_772 : i32 to index
        %get3A_776 = tpu.vector_load %arg9[%get3A_775] {strides = array<i32>} : memref<8192xf32, #tpu.memory_space<vmem>>, vector<16xf32>,
        %mul3A_777 = arith.constant 8 : i32
        %mul3A_778 = arith.muli %add3A_717, %mul3A_777 : i32
        %add3A_779 = arith.constant 6 : i32
        %add3A_780 = arith.addi %mul3A_778, %add3A_779 : i32
        %mul3A_781 = arith.constant 16 : i32
        %mul3A_782 = arith.muli %add3A_780, %mul3A_781 : i32
        %get3A_783 = arith.index_cast %mul3A_782 : i32 to index
        %get3A_784 = tpu.vector_load %arg7[%get3A_783] {strides = array<i32>} : memref<8192xi32, #tpu.memory_space<vmem>>, vector<16xi32>,
        %get3A_785 = arith.index_cast %mul3A_782 : i32 to index
        %get3A_786 = tpu.vector_load %arg9[%get3A_785] {strides = array<i32>} : memref<8192xf32, #tpu.memory_space<vmem>>, vector<16xf32>,
        %mul3A_787 = arith.constant 8 : i32
        %mul3A_788 = arith.muli %add3A_717, %mul3A_787 : i32
        %add3A_789 = arith.constant 7 : i32
        %add3A_790 = arith.addi %mul3A_788, %add3A_789 : i32
        %mul3A_791 = arith.constant 16 : i32
        %mul3A_792 = arith.muli %add3A_790, %mul3A_791 : i32
        %get3A_793 = arith.index_cast %mul3A_792 : i32 to index
        %get3A_794 = tpu.vector_load %arg7[%get3A_793] {strides = array<i32>} : memref<8192xi32, #tpu.memory_space<vmem>>, vector<16xi32>,
        %get3A_795 = arith.index_cast %mul3A_792 : i32 to index
        %get3A_796 = tpu.vector_load %arg9[%get3A_795] {strides = array<i32>} : memref<8192xf32, #tpu.memory_space<vmem>>, vector<16xf32>,
        %broadcast_in_dim3A = vector.broadcast %select_n3A_648 : i32 to vector<16xi32>
        %sub3A_797 = vector.broadcast %mul3A_608 : i32 to vector<16xi32>
        %sub3A_798 = arith.subi %get3A_724, %sub3A_797 : vector<16xi32>
        %lt3A_799 = arith.constant 10000 : i32
        %lt3A_800 = vector.broadcast %lt3A_799 : i32 to vector<16xi32>
        %lt3A_801 = arith.cmpi ult, %sub3A_798, %lt3A_800 : vector<16xi32>
        tpu.vector_store_idx %arg6[%sub3A_798, %broadcast_in_dim3A], %get3A_726 masked %lt3A_801 : memref<10000x8xf32, #tpu.memory_space<vmem>>[vector<16xi32>, vector<16xi32>], vector<16xf32>, vector<16xi1>
        %sub3A_802 = vector.broadcast %mul3A_608 : i32 to vector<16xi32>
        %sub3A_803 = arith.subi %get3A_734, %sub3A_802 : vector<16xi32>
        %lt3A_804 = arith.constant 10000 : i32
        %lt3A_805 = vector.broadcast %lt3A_804 : i32 to vector<16xi32>
        %lt3A_806 = arith.cmpi ult, %sub3A_803, %lt3A_805 : vector<16xi32>
        tpu.vector_store_idx %arg6[%sub3A_803, %broadcast_in_dim3A], %get3A_736 masked %lt3A_806 : memref<10000x8xf32, #tpu.memory_space<vmem>>[vector<16xi32>, vector<16xi32>], vector<16xf32>, vector<16xi1>
        %sub3A_807 = vector.broadcast %mul3A_608 : i32 to vector<16xi32>
        %sub3A_808 = arith.subi %get3A_744, %sub3A_807 : vector<16xi32>
        %lt3A_809 = arith.constant 10000 : i32
        %lt3A_810 = vector.broadcast %lt3A_809 : i32 to vector<16xi32>
        %lt3A_811 = arith.cmpi ult, %sub3A_808, %lt3A_810 : vector<16xi32>
        tpu.vector_store_idx %arg6[%sub3A_808, %broadcast_in_dim3A], %get3A_746 masked %lt3A_811 : memref<10000x8xf32, #tpu.memory_space<vmem>>[vector<16xi32>, vector<16xi32>], vector<16xf32>, vector<16xi1>
        %sub3A_812 = vector.broadcast %mul3A_608 : i32 to vector<16xi32>
        %sub3A_813 = arith.subi %get3A_754, %sub3A_812 : vector<16xi32>
        %lt3A_814 = arith.constant 10000 : i32
        %lt3A_815 = vector.broadcast %lt3A_814 : i32 to vector<16xi32>
        %lt3A_816 = arith.cmpi ult, %sub3A_813, %lt3A_815 : vector<16xi32>
        tpu.vector_store_idx %arg6[%sub3A_813, %broadcast_in_dim3A], %get3A_756 masked %lt3A_816 : memref<10000x8xf32, #tpu.memory_space<vmem>>[vector<16xi32>, vector<16xi32>], vector<16xf32>, vector<16xi1>
        %sub3A_817 = vector.broadcast %mul3A_608 : i32 to vector<16xi32>
        %sub3A_818 = arith.subi %get3A_764, %sub3A_817 : vector<16xi32>
        %lt3A_819 = arith.constant 10000 : i32
        %lt3A_820 = vector.broadcast %lt3A_819 : i32 to vector<16xi32>
        %lt3A_821 = arith.cmpi ult, %sub3A_818, %lt3A_820 : vector<16xi32>
        tpu.vector_store_idx %arg6[%sub3A_818, %broadcast_in_dim3A], %get3A_766 masked %lt3A_821 : memref<10000x8xf32, #tpu.memory_space<vmem>>[vector<16xi32>, vector<16xi32>], vector<16xf32>, vector<16xi1>
        %sub3A_822 = vector.broadcast %mul3A_608 : i32 to vector<16xi32>
        %sub3A_823 = arith.subi %get3A_774, %sub3A_822 : vector<16xi32>
        %lt3A_824 = arith.constant 10000 : i32
        %lt3A_825 = vector.broadcast %lt3A_824 : i32 to vector<16xi32>
        %lt3A_826 = arith.cmpi ult, %sub3A_823, %lt3A_825 : vector<16xi32>
        tpu.vector_store_idx %arg6[%sub3A_823, %broadcast_in_dim3A], %get3A_776 masked %lt3A_826 : memref<10000x8xf32, #tpu.memory_space<vmem>>[vector<16xi32>, vector<16xi32>], vector<16xf32>, vector<16xi1>
        %sub3A_827 = vector.broadcast %mul3A_608 : i32 to vector<16xi32>
        %sub3A_828 = arith.subi %get3A_784, %sub3A_827 : vector<16xi32>
        %lt3A_829 = arith.constant 10000 : i32
        %lt3A_830 = vector.broadcast %lt3A_829 : i32 to vector<16xi32>
        %lt3A_831 = arith.cmpi ult, %sub3A_828, %lt3A_830 : vector<16xi32>
        tpu.vector_store_idx %arg6[%sub3A_828, %broadcast_in_dim3A], %get3A_786 masked %lt3A_831 : memref<10000x8xf32, #tpu.memory_space<vmem>>[vector<16xi32>, vector<16xi32>], vector<16xf32>, vector<16xi1>
        %sub3A_832 = vector.broadcast %mul3A_608 : i32 to vector<16xi32>
        %sub3A_833 = arith.subi %get3A_794, %sub3A_832 : vector<16xi32>
        %lt3A_834 = arith.constant 10000 : i32
        %lt3A_835 = vector.broadcast %lt3A_834 : i32 to vector<16xi32>
        %lt3A_836 = arith.cmpi ult, %sub3A_833, %lt3A_835 : vector<16xi32>
        tpu.vector_store_idx %arg6[%sub3A_833, %broadcast_in_dim3A], %get3A_796 masked %lt3A_836 : memref<10000x8xf32, #tpu.memory_space<vmem>>[vector<16xi32>, vector<16xi32>], vector<16xf32>, vector<16xi1>
      }
      %scan3A_660 = arith.constant 64 : i32
      %add3A_661 = arith.constant 2 : i32
      %add3A_662 = arith.addi %add3A_624, %add3A_661 : i32
      %lt3A = arith.constant 16 : i32
      %lt3A_663 = arith.cmpi slt, %add3A_662, %lt3A : i32
      %convert_element_type3A = arith.extui %lt3A_663 : i1 to i32
      %cond3A = arith.constant 0 : i32
      %cond3A_664 = arith.cmpi ne, %convert_element_type3A, %cond3A : i32
      scf.if %cond3A_664 {
        %jit3A_713 = arith.constant 2 : i32
        %div3A_714 = arith.divsi %add3A_662, %jit3A_713 : i32
        %sign3A_715 = arith.constant 0 : i32
        %sign3A_716 = arith.cmpi sgt, %add3A_662, %sign3A_715 : i32
        %sign3A_717 = arith.extui %sign3A_716 : i1 to i32
        %sign3A_718 = arith.constant 0 : i32
        %sign3A_719 = arith.cmpi slt, %add3A_662, %sign3A_718 : i32
        %sign3A_720 = arith.extui %sign3A_719 : i1 to i32
        %sign3A_721 = arith.subi %sign3A_717, %sign3A_720 : i32
        %sign3A_722 = arith.constant 0 : i32
        %sign3A_723 = arith.cmpi sgt, %jit3A_713, %sign3A_722 : i32
        %sign3A_724 = arith.extui %sign3A_723 : i1 to i32
        %sign3A_725 = arith.constant 0 : i32
        %sign3A_726 = arith.cmpi slt, %jit3A_713, %sign3A_725 : i32
        %sign3A_727 = arith.extui %sign3A_726 : i1 to i32
        %sign3A_728 = arith.subi %sign3A_724, %sign3A_727 : i32
        %ne3A_729 = arith.cmpi ne, %sign3A_721, %sign3A_728 : i32
        %rem3A_730 = arith.remsi %add3A_662, %jit3A_713 : i32
        %ne3A_731 = arith.constant 0 : i32
        %ne3A_732 = arith.cmpi ne, %rem3A_730, %ne3A_731 : i32
        %and3A_733 = arith.andi %ne3A_729, %ne3A_732 : i1
        %sub3A_734 = arith.constant 1 : i32
        %sub3A_735 = arith.subi %div3A_714, %sub3A_734 : i32
        %select_n3A_736 = arith.select %and3A_733, %sub3A_735, %div3A_714 : i32
        %rem3A_737 = arith.constant 2 : i32
        %rem3A_738 = arith.remsi %add3A_662, %rem3A_737 : i32
        %mul3A_739 = arith.constant 8 : i32
        %mul3A_740 = arith.muli %rem3A_582, %mul3A_739 : i32
        %add3A_741 = arith.addi %mul3A_740, %select_n3A_736 : i32
        %mul3A_742 = arith.constant 16384 : i32
        %mul3A_743 = arith.muli %add3A_741, %mul3A_742 : i32
        %mul3A_744 = arith.constant 8192 : i32
        %mul3A_745 = arith.muli %rem3A_738, %mul3A_744 : i32
        %add3A_746 = arith.addi %mul3A_743, %mul3A_745 : i32
        %dma_start3A_747 = tpu.memref_slice %arg3[%add3A_746] : memref<2097152xi32, #tpu.memory_space<hbm>> -> memref<8192xi32, #tpu.memory_space<hbm>>
        %dma_start3A_748 = tpu.memref_slice %arg3[%add3A_746] : memref<2097152xi32, #tpu.memory_space<hbm>> -> memref<8192xi32, #tpu.memory_space<hbm>>
        tpu.enqueue_dma source(%dma_start3A_748 : memref<8192xi32, #tpu.memory_space<hbm>>) target(%arg7 : memref<8192xi32, #tpu.memory_space<vmem>>) target_semaphore(%arg11 : memref<!tpu.dma_semaphore, #tpu.memory_space<semaphore_mem>>)
        %dma_start3A_749 = tpu.memref_slice %arg4[%add3A_746] : memref<2097152xf32, #tpu.memory_space<hbm>> -> memref<8192xf32, #tpu.memory_space<hbm>>
        %dma_start3A_750 = tpu.memref_slice %arg4[%add3A_746] : memref<2097152xf32, #tpu.memory_space<hbm>> -> memref<8192xf32, #tpu.memory_space<hbm>>
        tpu.enqueue_dma source(%dma_start3A_750 : memref<8192xf32, #tpu.memory_space<hbm>>) target(%arg9 : memref<8192xf32, #tpu.memory_space<vmem>>) target_semaphore(%arg13 : memref<!tpu.dma_semaphore, #tpu.memory_space<semaphore_mem>>)
      } else {
      }
      %mul3A_665 = arith.constant 2 : i32
      %mul3A_666 = arith.muli %mul3A_665, %add3A_620 : i32
      %add3A_667 = arith.constant 1 : i32
      %add3A_668 = arith.addi %mul3A_666, %add3A_667 : i32
      %jit3A_669 = arith.constant 2 : i32
      %div3A_670 = arith.divsi %add3A_668, %jit3A_669 : i32
      %sign3A_671 = arith.constant 0 : i32
      %sign3A_672 = arith.cmpi sgt, %add3A_668, %sign3A_671 : i32
      %sign3A_673 = arith.extui %sign3A_672 : i1 to i32
      %sign3A_674 = arith.constant 0 : i32
      %sign3A_675 = arith.cmpi slt, %add3A_668, %sign3A_674 : i32
      %sign3A_676 = arith.extui %sign3A_675 : i1 to i32
      %sign3A_677 = arith.subi %sign3A_673, %sign3A_676 : i32
      %sign3A_678 = arith.constant 0 : i32
      %sign3A_679 = arith.cmpi sgt, %jit3A_669, %sign3A_678 : i32
      %sign3A_680 = arith.extui %sign3A_679 : i1 to i32
      %sign3A_681 = arith.constant 0 : i32
      %sign3A_682 = arith.cmpi slt, %jit3A_669, %sign3A_681 : i32
      %sign3A_683 = arith.extui %sign3A_682 : i1 to i32
      %sign3A_684 = arith.subi %sign3A_680, %sign3A_683 : i32
      %ne3A_685 = arith.cmpi ne, %sign3A_677, %sign3A_684 : i32
      %rem3A_686 = arith.remsi %add3A_668, %jit3A_669 : i32
      %ne3A_687 = arith.constant 0 : i32
      %ne3A_688 = arith.cmpi ne, %rem3A_686, %ne3A_687 : i32
      %and3A_689 = arith.andi %ne3A_685, %ne3A_688 : i1
      %sub3A_690 = arith.constant 1 : i32
      %sub3A_691 = arith.subi %div3A_670, %sub3A_690 : i32
      %select_n3A_692 = arith.select %and3A_689, %sub3A_691, %div3A_670 : i32
      %dma_wait3A_693 = arith.constant 0 : i32
      %dma_wait3A_694 = tpu.memref_slice %arg3[%dma_wait3A_693] : memref<2097152xi32, #tpu.memory_space<hbm>> -> memref<8192xi32, #tpu.memory_space<hbm>>
      %dma_wait3A_695 = arith.constant 0 : i32
      %dma_wait3A_696 = tpu.memref_slice %arg3[%dma_wait3A_695] : memref<2097152xi32, #tpu.memory_space<hbm>> -> memref<8192xi32, #tpu.memory_space<hbm>>
      tpu.wait_dma2 semaphore(%arg12 : memref<!tpu.dma_semaphore, #tpu.memory_space<semaphore_mem>>) src(%dma_wait3A_696 : memref<8192xi32, #tpu.memory_space<hbm>>) dst(%arg8 : memref<8192xi32, #tpu.memory_space<vmem>>)
      %dma_wait3A_697 = arith.constant 0 : i32
      %dma_wait3A_698 = tpu.memref_slice %arg4[%dma_wait3A_697] : memref<2097152xf32, #tpu.memory_space<hbm>> -> memref<8192xf32, #tpu.memory_space<hbm>>
      %dma_wait3A_699 = arith.constant 0 : i32
      %dma_wait3A_700 = tpu.memref_slice %arg4[%dma_wait3A_699] : memref<2097152xf32, #tpu.memory_space<hbm>> -> memref<8192xf32, #tpu.memory_space<hbm>>
      tpu.wait_dma2 semaphore(%arg14 : memref<!tpu.dma_semaphore, #tpu.memory_space<semaphore_mem>>) src(%dma_wait3A_700 : memref<8192xf32, #tpu.memory_space<hbm>>) dst(%arg10 : memref<8192xf32, #tpu.memory_space<vmem>>)
      %scan3A_701 = arith.constant 0 : i32
      %scan3A_702 = arith.constant 64 : i32
      %scan3A_703 = arith.addi %scan3A_701, %scan3A_702 : i32
      %scan3A_704 = arith.constant 1 : i32
      scf.for %scan3A_713 = %scan3A_701 to %scan3A_703 step %scan3A_704  : i32 {
        %mul3A_714 = arith.constant 1 : i32
        %mul3A_715 = arith.muli %scan3A_713, %mul3A_714 : i32
        %add3A_716 = arith.constant 0 : i32
        %add3A_717 = arith.addi %add3A_716, %mul3A_715 : i32
        %mul3A_718 = arith.constant 8 : i32
        %mul3A_719 = arith.muli %add3A_717, %mul3A_718 : i32
        %add3A_720 = arith.constant 0 : i32
        %add3A_721 = arith.addi %mul3A_719, %add3A_720 : i32
        %mul3A_722 = arith.constant 16 : i32
        %mul3A_723 = arith.muli %add3A_721, %mul3A_722 : i32
        %get3A = arith.index_cast %mul3A_723 : i32 to index
        %get3A_724 = tpu.vector_load %arg8[%get3A] {strides = array<i32>} : memref<8192xi32, #tpu.memory_space<vmem>>, vector<16xi32>,
        %get3A_725 = arith.index_cast %mul3A_723 : i32 to index
        %get3A_726 = tpu.vector_load %arg10[%get3A_725] {strides = array<i32>} : memref<8192xf32, #tpu.memory_space<vmem>>, vector<16xf32>,
        %mul3A_727 = arith.constant 8 : i32
        %mul3A_728 = arith.muli %add3A_717, %mul3A_727 : i32
        %add3A_729 = arith.constant 1 : i32
        %add3A_730 = arith.addi %mul3A_728, %add3A_729 : i32
        %mul3A_731 = arith.constant 16 : i32
        %mul3A_732 = arith.muli %add3A_730, %mul3A_731 : i32
        %get3A_733 = arith.index_cast %mul3A_732 : i32 to index
        %get3A_734 = tpu.vector_load %arg8[%get3A_733] {strides = array<i32>} : memref<8192xi32, #tpu.memory_space<vmem>>, vector<16xi32>,
        %get3A_735 = arith.index_cast %mul3A_732 : i32 to index
        %get3A_736 = tpu.vector_load %arg10[%get3A_735] {strides = array<i32>} : memref<8192xf32, #tpu.memory_space<vmem>>, vector<16xf32>,
        %mul3A_737 = arith.constant 8 : i32
        %mul3A_738 = arith.muli %add3A_717, %mul3A_737 : i32
        %add3A_739 = arith.constant 2 : i32
        %add3A_740 = arith.addi %mul3A_738, %add3A_739 : i32
        %mul3A_741 = arith.constant 16 : i32
        %mul3A_742 = arith.muli %add3A_740, %mul3A_741 : i32
        %get3A_743 = arith.index_cast %mul3A_742 : i32 to index
        %get3A_744 = tpu.vector_load %arg8[%get3A_743] {strides = array<i32>} : memref<8192xi32, #tpu.memory_space<vmem>>, vector<16xi32>,
        %get3A_745 = arith.index_cast %mul3A_742 : i32 to index
        %get3A_746 = tpu.vector_load %arg10[%get3A_745] {strides = array<i32>} : memref<8192xf32, #tpu.memory_space<vmem>>, vector<16xf32>,
        %mul3A_747 = arith.constant 8 : i32
        %mul3A_748 = arith.muli %add3A_717, %mul3A_747 : i32
        %add3A_749 = arith.constant 3 : i32
        %add3A_750 = arith.addi %mul3A_748, %add3A_749 : i32
        %mul3A_751 = arith.constant 16 : i32
        %mul3A_752 = arith.muli %add3A_750, %mul3A_751 : i32
        %get3A_753 = arith.index_cast %mul3A_752 : i32 to index
        %get3A_754 = tpu.vector_load %arg8[%get3A_753] {strides = array<i32>} : memref<8192xi32, #tpu.memory_space<vmem>>, vector<16xi32>,
        %get3A_755 = arith.index_cast %mul3A_752 : i32 to index
        %get3A_756 = tpu.vector_load %arg10[%get3A_755] {strides = array<i32>} : memref<8192xf32, #tpu.memory_space<vmem>>, vector<16xf32>,
        %mul3A_757 = arith.constant 8 : i32
        %mul3A_758 = arith.muli %add3A_717, %mul3A_757 : i32
        %add3A_759 = arith.constant 4 : i32
        %add3A_760 = arith.addi %mul3A_758, %add3A_759 : i32
        %mul3A_761 = arith.constant 16 : i32
        %mul3A_762 = arith.muli %add3A_760, %mul3A_761 : i32
        %get3A_763 = arith.index_cast %mul3A_762 : i32 to index
        %get3A_764 = tpu.vector_load %arg8[%get3A_763] {strides = array<i32>} : memref<8192xi32, #tpu.memory_space<vmem>>, vector<16xi32>,
        %get3A_765 = arith.index_cast %mul3A_762 : i32 to index
        %get3A_766 = tpu.vector_load %arg10[%get3A_765] {strides = array<i32>} : memref<8192xf32, #tpu.memory_space<vmem>>, vector<16xf32>,
        %mul3A_767 = arith.constant 8 : i32
        %mul3A_768 = arith.muli %add3A_717, %mul3A_767 : i32
        %add3A_769 = arith.constant 5 : i32
        %add3A_770 = arith.addi %mul3A_768, %add3A_769 : i32
        %mul3A_771 = arith.constant 16 : i32
        %mul3A_772 = arith.muli %add3A_770, %mul3A_771 : i32
        %get3A_773 = arith.index_cast %mul3A_772 : i32 to index
        %get3A_774 = tpu.vector_load %arg8[%get3A_773] {strides = array<i32>} : memref<8192xi32, #tpu.memory_space<vmem>>, vector<16xi32>,
        %get3A_775 = arith.index_cast %mul3A_772 : i32 to index
        %get3A_776 = tpu.vector_load %arg10[%get3A_775] {strides = array<i32>} : memref<8192xf32, #tpu.memory_space<vmem>>, vector<16xf32>,
        %mul3A_777 = arith.constant 8 : i32
        %mul3A_778 = arith.muli %add3A_717, %mul3A_777 : i32
        %add3A_779 = arith.constant 6 : i32
        %add3A_780 = arith.addi %mul3A_778, %add3A_779 : i32
        %mul3A_781 = arith.constant 16 : i32
        %mul3A_782 = arith.muli %add3A_780, %mul3A_781 : i32
        %get3A_783 = arith.index_cast %mul3A_782 : i32 to index
        %get3A_784 = tpu.vector_load %arg8[%get3A_783] {strides = array<i32>} : memref<8192xi32, #tpu.memory_space<vmem>>, vector<16xi32>,
        %get3A_785 = arith.index_cast %mul3A_782 : i32 to index
        %get3A_786 = tpu.vector_load %arg10[%get3A_785] {strides = array<i32>} : memref<8192xf32, #tpu.memory_space<vmem>>, vector<16xf32>,
        %mul3A_787 = arith.constant 8 : i32
        %mul3A_788 = arith.muli %add3A_717, %mul3A_787 : i32
        %add3A_789 = arith.constant 7 : i32
        %add3A_790 = arith.addi %mul3A_788, %add3A_789 : i32
        %mul3A_791 = arith.constant 16 : i32
        %mul3A_792 = arith.muli %add3A_790, %mul3A_791 : i32
        %get3A_793 = arith.index_cast %mul3A_792 : i32 to index
        %get3A_794 = tpu.vector_load %arg8[%get3A_793] {strides = array<i32>} : memref<8192xi32, #tpu.memory_space<vmem>>, vector<16xi32>,
        %get3A_795 = arith.index_cast %mul3A_792 : i32 to index
        %get3A_796 = tpu.vector_load %arg10[%get3A_795] {strides = array<i32>} : memref<8192xf32, #tpu.memory_space<vmem>>, vector<16xf32>,
        %broadcast_in_dim3A = vector.broadcast %select_n3A_692 : i32 to vector<16xi32>
        %sub3A_797 = vector.broadcast %mul3A_608 : i32 to vector<16xi32>
        %sub3A_798 = arith.subi %get3A_724, %sub3A_797 : vector<16xi32>
        %lt3A_799 = arith.constant 10000 : i32
        %lt3A_800 = vector.broadcast %lt3A_799 : i32 to vector<16xi32>
        %lt3A_801 = arith.cmpi ult, %sub3A_798, %lt3A_800 : vector<16xi32>
        tpu.vector_store_idx %arg6[%sub3A_798, %broadcast_in_dim3A], %get3A_726 masked %lt3A_801 : memref<10000x8xf32, #tpu.memory_space<vmem>>[vector<16xi32>, vector<16xi32>], vector<16xf32>, vector<16xi1>
        %sub3A_802 = vector.broadcast %mul3A_608 : i32 to vector<16xi32>
        %sub3A_803 = arith.subi %get3A_734, %sub3A_802 : vector<16xi32>
        %lt3A_804 = arith.constant 10000 : i32
        %lt3A_805 = vector.broadcast %lt3A_804 : i32 to vector<16xi32>
        %lt3A_806 = arith.cmpi ult, %sub3A_803, %lt3A_805 : vector<16xi32>
        tpu.vector_store_idx %arg6[%sub3A_803, %broadcast_in_dim3A], %get3A_736 masked %lt3A_806 : memref<10000x8xf32, #tpu.memory_space<vmem>>[vector<16xi32>, vector<16xi32>], vector<16xf32>, vector<16xi1>
        %sub3A_807 = vector.broadcast %mul3A_608 : i32 to vector<16xi32>
        %sub3A_808 = arith.subi %get3A_744, %sub3A_807 : vector<16xi32>
        %lt3A_809 = arith.constant 10000 : i32
        %lt3A_810 = vector.broadcast %lt3A_809 : i32 to vector<16xi32>
        %lt3A_811 = arith.cmpi ult, %sub3A_808, %lt3A_810 : vector<16xi32>
        tpu.vector_store_idx %arg6[%sub3A_808, %broadcast_in_dim3A], %get3A_746 masked %lt3A_811 : memref<10000x8xf32, #tpu.memory_space<vmem>>[vector<16xi32>, vector<16xi32>], vector<16xf32>, vector<16xi1>
        %sub3A_812 = vector.broadcast %mul3A_608 : i32 to vector<16xi32>
        %sub3A_813 = arith.subi %get3A_754, %sub3A_812 : vector<16xi32>
        %lt3A_814 = arith.constant 10000 : i32
        %lt3A_815 = vector.broadcast %lt3A_814 : i32 to vector<16xi32>
        %lt3A_816 = arith.cmpi ult, %sub3A_813, %lt3A_815 : vector<16xi32>
        tpu.vector_store_idx %arg6[%sub3A_813, %broadcast_in_dim3A], %get3A_756 masked %lt3A_816 : memref<10000x8xf32, #tpu.memory_space<vmem>>[vector<16xi32>, vector<16xi32>], vector<16xf32>, vector<16xi1>
        %sub3A_817 = vector.broadcast %mul3A_608 : i32 to vector<16xi32>
        %sub3A_818 = arith.subi %get3A_764, %sub3A_817 : vector<16xi32>
        %lt3A_819 = arith.constant 10000 : i32
        %lt3A_820 = vector.broadcast %lt3A_819 : i32 to vector<16xi32>
        %lt3A_821 = arith.cmpi ult, %sub3A_818, %lt3A_820 : vector<16xi32>
        tpu.vector_store_idx %arg6[%sub3A_818, %broadcast_in_dim3A], %get3A_766 masked %lt3A_821 : memref<10000x8xf32, #tpu.memory_space<vmem>>[vector<16xi32>, vector<16xi32>], vector<16xf32>, vector<16xi1>
        %sub3A_822 = vector.broadcast %mul3A_608 : i32 to vector<16xi32>
        %sub3A_823 = arith.subi %get3A_774, %sub3A_822 : vector<16xi32>
        %lt3A_824 = arith.constant 10000 : i32
        %lt3A_825 = vector.broadcast %lt3A_824 : i32 to vector<16xi32>
        %lt3A_826 = arith.cmpi ult, %sub3A_823, %lt3A_825 : vector<16xi32>
        tpu.vector_store_idx %arg6[%sub3A_823, %broadcast_in_dim3A], %get3A_776 masked %lt3A_826 : memref<10000x8xf32, #tpu.memory_space<vmem>>[vector<16xi32>, vector<16xi32>], vector<16xf32>, vector<16xi1>
        %sub3A_827 = vector.broadcast %mul3A_608 : i32 to vector<16xi32>
        %sub3A_828 = arith.subi %get3A_784, %sub3A_827 : vector<16xi32>
        %lt3A_829 = arith.constant 10000 : i32
        %lt3A_830 = vector.broadcast %lt3A_829 : i32 to vector<16xi32>
        %lt3A_831 = arith.cmpi ult, %sub3A_828, %lt3A_830 : vector<16xi32>
        tpu.vector_store_idx %arg6[%sub3A_828, %broadcast_in_dim3A], %get3A_786 masked %lt3A_831 : memref<10000x8xf32, #tpu.memory_space<vmem>>[vector<16xi32>, vector<16xi32>], vector<16xf32>, vector<16xi1>
        %sub3A_832 = vector.broadcast %mul3A_608 : i32 to vector<16xi32>
        %sub3A_833 = arith.subi %get3A_794, %sub3A_832 : vector<16xi32>
        %lt3A_834 = arith.constant 10000 : i32
        %lt3A_835 = vector.broadcast %lt3A_834 : i32 to vector<16xi32>
        %lt3A_836 = arith.cmpi ult, %sub3A_833, %lt3A_835 : vector<16xi32>
        tpu.vector_store_idx %arg6[%sub3A_833, %broadcast_in_dim3A], %get3A_796 masked %lt3A_836 : memref<10000x8xf32, #tpu.memory_space<vmem>>[vector<16xi32>, vector<16xi32>], vector<16xf32>, vector<16xi1>
      }
      %scan3A_705 = arith.constant 64 : i32
      %add3A_706 = arith.constant 2 : i32
      %add3A_707 = arith.addi %add3A_668, %add3A_706 : i32
      %lt3A_708 = arith.constant 16 : i32
      %lt3A_709 = arith.cmpi slt, %add3A_707, %lt3A_708 : i32
      %convert_element_type3A_710 = arith.extui %lt3A_709 : i1 to i32
      %cond3A_711 = arith.constant 0 : i32
      %cond3A_712 = arith.cmpi ne, %convert_element_type3A_710, %cond3A_711 : i32
      scf.if %cond3A_712 {
        %jit3A_713 = arith.constant 2 : i32
        %div3A_714 = arith.divsi %add3A_707, %jit3A_713 : i32
        %sign3A_715 = arith.constant 0 : i32
        %sign3A_716 = arith.cmpi sgt, %add3A_707, %sign3A_715 : i32
        %sign3A_717 = arith.extui %sign3A_716 : i1 to i32
        %sign3A_718 = arith.constant 0 : i32
        %sign3A_719 = arith.cmpi slt, %add3A_707, %sign3A_718 : i32
        %sign3A_720 = arith.extui %sign3A_719 : i1 to i32
        %sign3A_721 = arith.subi %sign3A_717, %sign3A_720 : i32
        %sign3A_722 = arith.constant 0 : i32
        %sign3A_723 = arith.cmpi sgt, %jit3A_713, %sign3A_722 : i32
        %sign3A_724 = arith.extui %sign3A_723 : i1 to i32
        %sign3A_725 = arith.constant 0 : i32
        %sign3A_726 = arith.cmpi slt, %jit3A_713, %sign3A_725 : i32
        %sign3A_727 = arith.extui %sign3A_726 : i1 to i32
        %sign3A_728 = arith.subi %sign3A_724, %sign3A_727 : i32
        %ne3A_729 = arith.cmpi ne, %sign3A_721, %sign3A_728 : i32
        %rem3A_730 = arith.remsi %add3A_707, %jit3A_713 : i32
        %ne3A_731 = arith.constant 0 : i32
        %ne3A_732 = arith.cmpi ne, %rem3A_730, %ne3A_731 : i32
        %and3A_733 = arith.andi %ne3A_729, %ne3A_732 : i1
        %sub3A_734 = arith.constant 1 : i32
        %sub3A_735 = arith.subi %div3A_714, %sub3A_734 : i32
        %select_n3A_736 = arith.select %and3A_733, %sub3A_735, %div3A_714 : i32
        %rem3A_737 = arith.constant 2 : i32
        %rem3A_738 = arith.remsi %add3A_707, %rem3A_737 : i32
        %mul3A_739 = arith.constant 8 : i32
        %mul3A_740 = arith.muli %rem3A_582, %mul3A_739 : i32
        %add3A_741 = arith.addi %mul3A_740, %select_n3A_736 : i32
        %mul3A_742 = arith.constant 16384 : i32
        %mul3A_743 = arith.muli %add3A_741, %mul3A_742 : i32
        %mul3A_744 = arith.constant 8192 : i32
        %mul3A_745 = arith.muli %rem3A_738, %mul3A_744 : i32
        %add3A_746 = arith.addi %mul3A_743, %mul3A_745 : i32
        %dma_start3A_747 = tpu.memref_slice %arg3[%add3A_746] : memref<2097152xi32, #tpu.memory_space<hbm>> -> memref<8192xi32, #tpu.memory_space<hbm>>
        %dma_start3A_748 = tpu.memref_slice %arg3[%add3A_746] : memref<2097152xi32, #tpu.memory_space<hbm>> -> memref<8192xi32, #tpu.memory_space<hbm>>
        tpu.enqueue_dma source(%dma_start3A_748 : memref<8192xi32, #tpu.memory_space<hbm>>) target(%arg8 : memref<8192xi32, #tpu.memory_space<vmem>>) target_semaphore(%arg12 : memref<!tpu.dma_semaphore, #tpu.memory_space<semaphore_mem>>)
        %dma_start3A_749 = tpu.memref_slice %arg4[%add3A_746] : memref<2097152xf32, #tpu.memory_space<hbm>> -> memref<8192xf32, #tpu.memory_space<hbm>>
        %dma_start3A_750 = tpu.memref_slice %arg4[%add3A_746] : memref<2097152xf32, #tpu.memory_space<hbm>> -> memref<8192xf32, #tpu.memory_space<hbm>>
        tpu.enqueue_dma source(%dma_start3A_750 : memref<8192xf32, #tpu.memory_space<hbm>>) target(%arg10 : memref<8192xf32, #tpu.memory_space<vmem>>) target_semaphore(%arg14 : memref<!tpu.dma_semaphore, #tpu.memory_space<semaphore_mem>>)
      } else {
      }
    }
    %scan3A_615 = arith.constant 8 : i32
    "tpu.region"() ({
      %run_scoped3A = tpu.sem_alloc : memref<!tpu.dma_semaphore, #tpu.memory_space<semaphore_mem>>
      %dma_start3A_616 = tpu.memref_slice %arg5[%mul3A_608, %mul3A_610] : memref<100000x128xf32, #tpu.memory_space<hbm>> -> memref<10000x8xf32, #tpu.memory_space<hbm>>
      %dma_start3A_617 = tpu.memref_slice %arg5[%mul3A_608, %mul3A_610] : memref<100000x128xf32, #tpu.memory_space<hbm>> -> memref<10000x8xf32, #tpu.memory_space<hbm>>
      tpu.enqueue_dma source(%arg6 : memref<10000x8xf32, #tpu.memory_space<vmem>>) target(%dma_start3A_617 : memref<10000x8xf32, #tpu.memory_space<hbm>>) target_semaphore(%run_scoped3A : memref<!tpu.dma_semaphore, #tpu.memory_space<semaphore_mem>>)
      %dma_wait3A = tpu.memref_slice %arg5[%mul3A_608, %mul3A_610] : memref<100000x128xf32, #tpu.memory_space<hbm>> -> memref<10000x8xf32, #tpu.memory_space<hbm>>
      %dma_wait3A_618 = tpu.memref_slice %arg5[%mul3A_608, %mul3A_610] : memref<100000x128xf32, #tpu.memory_space<hbm>> -> memref<10000x8xf32, #tpu.memory_space<hbm>>
      tpu.wait_dma2 semaphore(%run_scoped3A : memref<!tpu.dma_semaphore, #tpu.memory_space<semaphore_mem>>) src(%arg6 : memref<10000x8xf32, #tpu.memory_space<vmem>>) dst(%dma_wait3A_618 : memref<10000x8xf32, #tpu.memory_space<hbm>>)
      tpu.yield
    }) : () -> ()
    return
  }
}

module attributes {stable_mosaic.version = 14 : i64} {
  func.func @_prep_body(%arg0: i32, %arg1: memref<2048x128xi32, #tpu.memory_space<vmem>>, %arg2: memref<2048x128xf32, #tpu.memory_space<vmem>>, %arg3: memref<128x2048xi32, #tpu.memory_space<vmem>>, %arg4: memref<128x2048xf32, #tpu.memory_space<vmem>>) attributes {dimension_semantics = [#tpu.dimension_semantics<arbitrary>], iteration_bounds = array<i64: 8>, scalar_prefetch = 0 : i64, scratch_operands = 0 : i64, tpu.core_type = #tpu.core_type<tc>, window_params = [{transform_indices = @transform_0, window_bounds = array<i64: 2048, 128>}, {transform_indices = @transform_1, window_bounds = array<i64: 2048, 128>}, {transform_indices = @transform_2, window_bounds = array<i64: 128, 2048>}, {transform_indices = @transform_3, window_bounds = array<i64: 128, 2048>}]} {
    %get3A = arith.constant 0 : index
    %get3A_0 = arith.constant 0 : index
    %get3A_1 = vector.load %arg1[%get3A, %get3A_0] : memref<2048x128xi32, #tpu.memory_space<vmem>>, vector<2048x128xi32>
    %transpose3A = tpu.transpose %get3A_1, [1, 0] : vector<2048x128xi32> -> vector<128x2048xi32>
    %swap3A = arith.constant 0 : index
    %swap3A_2 = arith.constant 0 : index
    %swap3A_3 = vector.load %arg3[%swap3A, %swap3A_2] : memref<128x2048xi32, #tpu.memory_space<vmem>>, vector<128x2048xi32>
    tpu.vector_store %arg3[%swap3A, %swap3A_2], %transpose3A {strides = array<i32>} : memref<128x2048xi32, #tpu.memory_space<vmem>>, vector<128x2048xi32>,
    %get3A_4 = arith.constant 0 : index
    %get3A_5 = arith.constant 0 : index
    %get3A_6 = vector.load %arg2[%get3A_4, %get3A_5] : memref<2048x128xf32, #tpu.memory_space<vmem>>, vector<2048x128xf32>
    %transpose3A_7 = tpu.transpose %get3A_6, [1, 0] : vector<2048x128xf32> -> vector<128x2048xf32>
    %swap3A_8 = arith.constant 0 : index
    %swap3A_9 = arith.constant 0 : index
    %swap3A_10 = vector.load %arg4[%swap3A_8, %swap3A_9] : memref<128x2048xf32, #tpu.memory_space<vmem>>, vector<128x2048xf32>
    tpu.vector_store %arg4[%swap3A_8, %swap3A_9], %transpose3A_7 {strides = array<i32>} : memref<128x2048xf32, #tpu.memory_space<vmem>>, vector<128x2048xf32>,
    return
  }
  func.func @transform_0(%arg0: i32) -> (i32, i32) {
    %c0_i32 = arith.constant 0 : i32
    %c0_i32_0 = arith.constant 0 : i32
    return %arg0, %c0_i32 : i32, i32
  }
  func.func @transform_1(%arg0: i32) -> (i32, i32) {
    %c0_i32 = arith.constant 0 : i32
    %c0_i32_0 = arith.constant 0 : i32
    return %arg0, %c0_i32 : i32, i32
  }
  func.func @transform_2(%arg0: i32) -> (i32, i32) {
    %c0_i32 = arith.constant 0 : i32
    %c0_i32_0 = arith.constant 0 : i32
    return %c0_i32, %arg0 : i32, i32
  }
  func.func @transform_3(%arg0: i32) -> (i32, i32) {
    %c0_i32 = arith.constant 0 : i32
    %c0_i32_0 = arith.constant 0 : i32
    return %c0_i32, %arg0 : i32, i32
  }
}

</mosaic_0001>

<sc_bundles>
// kernel: kernel.4.cloned.1.call-start
scs
__scs_entry_jumppad:
0x0: {  	(pc) =	sbr.rel $0x88, $3  }
0x1: {  	(tag) =	ssettag $0x0;
	lr =	simm.s32 $0x1  }
0x2: {  	[smem:$0x3F9E] =	sst lr;
	_ =	strace $0xD0000000  }
0x3: {  	_ = 	snop  }
0x4: {  	_ = 	snop  }
0x5: {  	_ = 	snop  }
0x6: {  	_ = 	snop  }
0x7: {  	_ = 	snop  }
__scs_overlays_trampoline_lowered:
0x8: {  	[smem:$0x3FAD] =	sst s0  }
0x9: {  	[smem:$0x3FAE] =	sst s1  }
0xa: {  	[smem:$0x3FAF] =	sst s2  }
0xb: {  	[smem:$0x3FB0] =	sst s3  }
0xc: {  	[smem:$0x3FB1] =	sst s4  }
0xd: {  	[smem:$0x3FB2] =	sst s5  }
0xe: {  	[smem:$0x3FB3] =	sst s6  }
0xf: {  	[smem:$0x3FB4] =	sst s7  }
0x10: {  	[smem:$0x3FB5] =	sst s8  }
0x11: {  	[smem:$0x3FB6] =	sst s9;
	s0 =	simm.s32 @!p0 $0x0  }
0x12: {  	s1 =	sld [smem:$0x3F9C];
	s0 =	simm.s32 @p0 $0x1  }
0x13: {  	[smem:$0x3FB7] =	sst s0;
	s0 =	simm.s32 @!p1 $0x0  }
0x14: {  	s2 =	sld [smem:$0x3F9B];
	s0 =	simm.s32 @p1 $0x1  }
0x15: {  	[smem:$0x3FB8] =	sst s0;
	s0 =	simm.s32 @!p2 $0x0  }
0x16: {  	s3 =	sld [smem:$0x3FDB];
	s0 =	simm.s32 @p2 $0x1  }
0x17: {  	s4 =	simm.s32 $0x1BF5;
	[smem:$0x3FBA] =	sst s0  }
0x18: {  	s0 =	sld [smem:$0x3F9D];
	_ =	swait.ge [sflag:s4], $0x0  }
0x19: {  	s7 =	sld [smem:$0x3F9E]  }
0x1a: {  	s8 =	sadd.s32 $0xFFFFE003, lr  }
0x1b: {  	s9 =	sadd.s32 $0xFFFFFEF7, lr;
	s5 =	simm.s32 $0xFFFFFFFF;
	p2 =	slt.u32 s8, $0xFFFFF086  }
0x1c: {  	p1 =	slt.u32 s9, $0xF7A;
	s5 =	simm.s32 @!p2 $0x0  }
0x1d: {  	s5 =	simm.s32 @p1 $0x1;
	p0 =	seq.s32 s7, s2  }
0x1e: {  	s7 =	smul.u32 @!p0 $0xF7A, s2;
	p2 =	seq.s32 @!p0 s5, $0x0  }
0x1f: {  	s9 =	smul.u32 $0xF7A, s1;
	s8 =	simm.s32 @!p0 $0x1BF5;
	p2 =	por !p2, p0  }
0x20: {  	[sflag:s8] =	ssyncset.s32 @!p0 $0xFFFFF086;
	s6 =	sadd.s32 @!p0 s3, s7;
	s7 =	simm.s32 @!p0 $0x108  }
0x21: {  	s3 =	sadd.s32 s3, s9;
	s6 =	sadd.s32 @!p0 $0x88, s6;
	s7 =	simm.s32 @p2 $0x1082  }
0x22: {  	[simem:s7], [sflag:s8] =	dma.local @!p0 [hbm:s6], $0xF7A  }
0x23: {  	s9 =	sor.u32 $0xD0000000, s2;
	s6 =	simm.s32 $0x108;
	_ =	swait.ge @!p0 [sflag:s8], $0x0  }
0x24: {  	s3 =	sadd.s32 $0x88, s3;
	s6 =	simm.s32 @!p1 $0x1082;
	[sflag:s4] =	ssyncset.s32 $0xFFFFF086  }
0x25: {  	[simem:s6], [sflag:s4] =	dma.local [hbm:s3], $0xF7A  }
0x26: {  	[smem:$0x3F9E] =	sst s1;
	(tag) =	ssettag s2;
	_ =	strace s9  }
0x27: {  	s1 =	sld [smem:$0x3FAE]  }
0x28: {  	s2 =	sld [smem:$0x3FAF]  }
0x29: {  	s4 =	sld [smem:$0x3FB1]  }
0x2a: {  	p0 =	seq.s32 s5, $0x0;
	s5 =	sld [smem:$0x3FB2]  }
0x2b: {  	s6 =	sld [smem:$0x3FB3]  }
0x2c: {  	s7 =	sld [smem:$0x3FB4]  }
0x2d: {  	s3 =	simm.s32 $0x108;
	s8 =	sld [smem:$0x3FB5]  }
0x2e: {  	s3 =	simm.s32 @!p0 $0x1082;
	s9 =	sld [smem:$0x3FB6]  }
0x2f: {  	lr =	sadd.s32 s0, s3;
	s0 =	sld [smem:$0x3FAD]  }
0x30: {  	s3 =	sld [smem:$0x3FB0]  }
0x31: {  	[smem:$0x3FB9] =	sst s10  }
0x32: {  	s10 =	sld [smem:$0x3FB7];
	_ =	sdelay $0x3  }
0x33: {  	p0 =	seq.s32 s10, $0x1;
	s10 =	sld [smem:$0x3FB9];
	_ =	sdelay $0x3  }
0x34: {  	[smem:$0x3FB9] =	sst s10  }
0x35: {  	s10 =	sld [smem:$0x3FB8];
	_ =	sdelay $0x3  }
0x36: {  	p1 =	seq.s32 s10, $0x1;
	s10 =	sld [smem:$0x3FB9];
	_ =	sdelay $0x3  }
0x37: {  	[smem:$0x3FB9] =	sst s10  }
0x38: {  	s10 =	sld [smem:$0x3FBA]  }
0x39: {  	_ = 	snop;
	(pc) =	sbr.ind lr, $3  }
0x3a: {  	_ = 	snop  }
0x3b: {  	_ = 	snop  }
0x3c: {  	p2 =	seq.s32 s10, $0x1;
	s10 =	sld [smem:$0x3FB9]  }
0x3d: {  	_ =	shalt  }
0x3e: {  	_ =	shalt  }
0x3f: {  	_ =	shalt  }
0x40: {  	_ =	shalt  }
0x41: {  	_ =	shalt  }
0x42: {  	_ =	shalt  }
0x43: {  	_ =	shalt  }
0x44: {  	_ =	shalt  }
0x45: {  	_ =	shalt  }
0x46: {  	_ =	shalt  }
0x47: {  	_ =	shalt  }
0x48: {  	_ =	shalt  }
0x49: {  	_ =	shalt  }
0x4a: {  	_ =	shalt  }
0x4b: {  	_ =	shalt  }
0x4c: {  	_ =	shalt  }
0x4d: {  	_ =	shalt  }
0x4e: {  	_ =	shalt  }
0x4f: {  	_ =	shalt  }
0x50: {  	_ =	shalt  }
0x51: {  	_ =	shalt  }
0x52: {  	_ =	shalt  }
0x53: {  	_ =	shalt  }
0x54: {  	_ =	shalt  }
0x55: {  	_ =	shalt  }
0x56: {  	_ =	shalt  }
0x57: {  	_ =	shalt  }
0x58: {  	_ =	shalt  }
0x59: {  	_ =	shalt  }
0x5a: {  	_ =	shalt  }
0x5b: {  	_ =	shalt  }
0x5c: {  	_ =	shalt  }
0x5d: {  	_ =	shalt  }
0x5e: {  	_ =	shalt  }
0x5f: {  	_ =	shalt  }
0x60: {  	_ =	shalt  }
0x61: {  	_ =	shalt  }
0x62: {  	_ =	shalt  }
0x63: {  	_ =	shalt  }
0x64: {  	_ =	shalt  }
0x65: {  	_ =	shalt  }
0x66: {  	_ =	shalt  }
0x67: {  	_ =	shalt  }
0x68: {  	_ =	shalt  }
0x69: {  	_ =	shalt  }
0x6a: {  	_ =	shalt  }
0x6b: {  	_ =	shalt  }
0x6c: {  	_ =	shalt  }
0x6d: {  	_ =	shalt  }
0x6e: {  	_ =	shalt  }
0x6f: {  	_ =	shalt  }
0x70: {  	_ =	shalt  }
0x71: {  	_ =	shalt  }
0x72: {  	_ =	shalt  }
0x73: {  	_ =	shalt  }
0x74: {  	_ =	shalt  }
0x75: {  	_ =	shalt  }
0x76: {  	_ =	shalt  }
0x77: {  	_ =	shalt  }
0x78: {  	_ =	shalt  }
0x79: {  	_ =	shalt  }
0x7a: {  	_ =	shalt  }
0x7b: {  	_ =	shalt  }
0x7c: {  	_ =	shalt  }
0x7d: {  	_ =	shalt  }
0x7e: {  	_ =	shalt  }
0x7f: {  	_ =	shalt  }
0x80: {  	_ =	shalt  }
0x81: {  	_ =	shalt  }
0x82: {  	_ =	shalt  }
0x83: {  	_ =	shalt  }
0x84: {  	_ =	shalt  }
0x85: {  	_ =	shalt  }
0x86: {  	_ =	shalt  }
0x87: {  	_ =	shalt  }
.Lfunc_end0:
.L_simem_size_0:
called_computation_lowered:
.L_overlay_start_0:
0x88: {  	s2 =	sld [smem:$0x3FD9]  }
0x89: {  	s3 =	sld [smem:$0x3FFE];
	_ =	sdelay $0x1  }
0x8a: {  	s1 =	srdreg.scid  }
0x8b: {  	s0 =	sand.u32 $0x1, s1  }
0x8c: {  	s17 =	sshll.u32 s0, $0xA;
	s2 =	sadd.s32 s3, s2  }
0x8d: {  	s2 =	sadd.s32 s2, s17  }
0x8e: {  	[smem:$0x3FC5] =	sst s2  }
0x8f: {  	_ = 	snop  }
0x90: {  	s2 =	sld [smem:$0x3FC9]  }
0x91: {  	s18 =	sld [smem:$0x3FD0];
	(tm) =	ssettm $0x1  }
0x92: {  	s4 =	sld [smem:$0x3FFB];
	_ =	sdelay $0x3  }
0x93: {  	_ =	strace s4  }
0x94: {  	s4 =	sld [smem:$0x3FFC];
	_ =	sdelay $0x3  }
0x95: {  	_ =	strace s4  }
0x96: {  	s4 =	sld [smem:$0x3FFD];
	_ =	sdelay $0x3  }
0x97: {  	_ =	strace s4  }
0x98: {  	_ =	strace $0x8FFFFFFF  }
0x99: {  	s19 =	sld [smem:$0x3FDB];
	_ =	sdelay $0x1  }
0x9a: {  	s5 =	simm.s32 $_scs_section_size  }
0x9b: {  	s6 =	simm.s32 $_size__tile_overlayer_lowered;
	s7 =	simm.s32 $_tile_overlayer_lowered  }
0x9c: {  	s22 =	simm.s32 $0x1BFF;
	s21 =	sshll.u32 s7, $0x1;
	s4 =	sadd.s32 s5, s19  }
0x9d: {  	s8 =	simm.s32 $0x0;
	s20 =	sshll.u32 s6, $0x1;
	s6 =	sadd.s32 s21, s4  }
0x9e: {  	[timem:s8], [sflag:s22] =	dma.local [hbm:s6], s20  }
0x9f: {  	_ =	swait.ge [sflag:s22], s20  }
0xa0: {  	s5 =	ssub.s32 $0x0, s20;
	[sflag:s22] =	ssyncset.done $0x0  }
0xa1: {  	[sflag:s22] =	ssyncadd.s32 s5;
	_ =	sdelay $0x1  }
0xa2: {  	s23 =	simm.s32 $0x1B8B  }
0xa3: {  	_ =	swait.ge [sflag:s23], $0x1  }
0xa4: {  	[sflag:s23] =	ssyncset.done $0x0  }
0xa5: {  	s25 =	simm.s32 $0x1B8E;
	s24 =	sld [smem:$0x3FFE];
	[sflag:s23] =	ssyncadd.s32 $0xFFFFFFFF  }
0xa6: {  	s26 =	simm.s32 $execute0_lowered;
	[smem:$0x3FD2] =	sst s25  }
0xa7: {  	s6 =	sshll.u32 s26, $0x1;
	_ =	strace $0x80000046;
	[dreg:$0x1] =	wrdreg $0xFFFFFFFF  }
0xa8: {  	s28 =	simm.s32 $_size_execute0_lowered;
	s4 =	sadd.s32 s4, s6;
	[dreg:$0x0] =	wrdreg $0x0  }
0xa9: {  	s6 =	sshll.u32 s28, $0x1;
	[dreg:$0x2] =	wrdreg s4  }
0xaa: {  	[dreg:$0x3] =	wrdreg s6  }
0xab: {  	[dreg:$0x4] =	wrdreg $0xC0  }
0xac: {  	_ =	task [dreg:s8], $0x5FFFF  }
0xad: {  	[dreg:$0x1] =	wrdreg $0xFFFFFFFF  }
0xae: {  	[dreg:$0x0] =	wrdreg $0x60  }
0xaf: {  	[dreg:$0x2] =	wrdreg s2  }
0xb0: {  	[dreg:$0x3] =	wrdreg s24  }
0xb1: {  	[dreg:$0x4] =	wrdreg s18  }
0xb2: {  	[dreg:$0x5] =	wrdreg $0x9  }
0xb3: {  	_ =	task.clear_ibuf [dreg:s8], $0x6FFFF;
	_ =	strace $0x90000046  }
0xb4: {  	s29 =	simm.s32 $0x9;
	_ =	strace $0x80000048  }
0xb5: {  	_ =	swait.ge [sflag:s29], $0x1  }
0xb6: {  	[sflag:s29] =	ssyncadd.s32 $0xFFFFFFFF  }
0xb7: {  	_ =	strace $0x90000048  }
0xb8: {  	_ =	sfence  }
0xb9: {  	s30 =	sld [smem:$0x0];
	_ =	sdelay $0x2  }
0xba: {  	s31 =	sshll.u32 s1, $0xD;
	s1 =	sshrl.u32 s1, $0x2  }
0xbb: {  	s3 =	sand.u32 $0x4000, s31;
	s1 =	sadd.s32 s1, s30  }
0xbc: {  	s0 =	sor.u32 s3, s0;
	s1 =	sshll.u32 s1, $0x11  }
0xbd: {  	s0 =	sor.u32 s1, s0  }
0xbe: {  	s0 =	sadd.s32 $0x8F2B, s0  }
0xbf: {  	[sflag:s0] =	ssyncadd.remote.s32 $0x1  }
0xc0: {  	_ =	sfence.sel $0xFFFF  }
0xc1: {  	[dreg:$0x0] =	wrdreg $0xFFFFFFFF;
	(pc) =	sbr.abs _section_cstart, $3  }
0xc2: {  	[dreg:$0x1] =	wrdreg $0xFFFFFFFF  }
0xc3: {  	_ =	task.clear_ibuf [dreg:s8], $0x2FFFF;
	_ =	strace $0x9FFFFFFF  }
0xc4: {  	(tm) =	ssettm $0x7FFFFFFF  }
0xc5: {  	_ =	shalt  }
tec
execute0_lowered:
.L_overlay_start_1:
0x0: {  	(tag) =	ssettag $0x1  }
0x1: {  	s0 =	rddreg [dreg:$0x0]  }
0x2: {  	s1 =	rddreg [dreg:$0x1]  }
0x3: {  	s7 =	rddreg [dreg:$0x2];
	s2 =	simm.s32 $0x0;
	s4 =	srdreg.scid  }
0x4: {  	s9 =	stileid.u32;
	s30 =	simm.s32 $0x3;
	s31 =	simm.s32 $0x2  }
0x5: {  	[smem:$0x7FF] =	sst s2;
	s6 =	sshll.u32 s9, $0x1;
	s9 =	sshrl.u32 s9, $0x3  }
0x6: {  	s3 =	sadd.s32 $0x600, s1;
	s5 =	sand.u32 $0x1, s4;
	s28 =	smul.u32 $0x2710, s9  }
0x7: {  	s4 =	sadd.s32 $0x40600, s1;
	s10 =	smul.u32 $0x27100, s9;
	s11 =	sor.u32 $0x2, s9  }
0x8: {  	_ =	strace $0x80000047;
	s20 =	ssub.s32 $0x2, s5;
	s29 =	smul.u32 $0x2710, s11  }
0x9: {  	s6 =	sand.u32 $0xE, s6;
	s18 =	sor.u32 $0x4, s9;
	s11 =	smul.u32 $0x27100, s11  }
0xa: {  	s8 =	sshrl.u32 s20, $0x1;
	s19 =	sor.u32 s5, s6;
	s22 =	smul.u32 $0x27100, s18  }
0xb: {  	s1 =	ssub.s32 s20, s8;
	s21 =	sshll.u32 s19, $0xE;
	s10 =	sor.u32 s10, s19  }
0xc: {  	s20 =	sor.u32 $0x6, s9;
	v0 =	vmov s28;
	s28 =	simm.s32 $0x5;
	s5 =	sadd.s32 s3, s21  }
0xd: {  	s6 =	sadd.s32 s4, s21;
	s8 =	sor.u32 $0x400, s21;
	s12 =	sadd.s32 s0, s10  }
0xe: {  	s10 =	sadd.s32 s7, s10;
	s13 =	smul.u32 $0x27100, s20;
	s21 =	sor.u32 $0x8, s9  }
0xf: {  	s23 =	sor.u32 s19, s11;
	s9 =	sshll.u32 s19, $0x3;
	[dreg:$0x4] =	wrdreg s12  }
0x10: {  	v1 =	vmov s29;
	s29 =	simm.s32 $0x1;
	[dreg:$0x5] =	wrdreg s10;
	s14 =	smul.u32 $0x27100, s21  }
0x11: {  	s12 =	sor.u32 s19, s22;
	s24 =	sadd.s32 s0, s23;
	s10 =	smul.u32 $0x2710, s20  }
0x12: {  	s25 =	sadd.s32 s7, s23;
	s17 =	sadd.s32 s3, s8;
	s11 =	smul.u32 $0x2710, s21  }
0x13: {  	s20 =	smax.u32 s1, $0x1;
	s21 =	simm.s32 $0x13880;
	s22 =	simm.s32 $0x17880  }
0x14: {  	s23 =	simm.s32 $0x15880;
	s1 =	simm.s32 $0x0;
	[dreg:$0x6] =	wrdreg s24  }
0x15: {  	[dreg:$0x7] =	wrdreg s25;
	s26 =	sadd.s32 s0, s12;
	s12 =	sadd.s32 s7, s12  }
.Ltmp0:
0x16: {  	s15 =	sor.u32 s19, s13;
	s24 =	simm.s32 $0x19880;
	(pc) =	sbr.rel .LBB2_1-.Ltmp0, $4  }
0x17: {  	s25 =	simm.s32 $0x8;
	s16 =	sor.u32 s19, s14;
	s13 =	sadd.s32 s0, s15  }
0x18: {  	s14 =	sadd.s32 s7, s15;
	s15 =	sadd.s32 s0, s16;
	s0 =	smul.u32 $0x2710, s18  }
0x19: {  	[dreg:$0x8] =	wrdreg s26;
	s19 =	sor.u32 $0x1, s9;
	s26 =	simm.s32 $0x80  }
0x1a: {  	v3 =	vmov s10;
	v4 =	vmov s11;
	s16 =	sadd.s32 s7, s16;
	s18 =	sadd.s32 s4, s8;
	v2 =	vmov s0;
	s0 =	simm.s32 $0x4  }
.LBB2_36:
0x1b: {  	s1 =	sadd.s32 $0x1, s1  }
0x1c: {  	p0 =	sne.s32 s1, s20  }
.Ltmp1:
0x1d: {  	_ = 	snop;
	(pc) =	sbr.rel @!p0 .LBB2_37-.Ltmp1, $4  }
0x1e: {  	[hbm4b:s16+s25] =	stream.strided.scatter [tilespmem:s2], [sflag:$0x5], $0x13880, s26, s25, $0x38;
	[tilespmem:$0x1B880] =	vst v63  }
0x1f: {  	_ =	swait.ge [sflag:s28], $0x13880  }
0x20: {  	[sflag:s28] =	ssyncset.done $0x0  }
0x21: {  	[sflag:s28] =	ssyncadd.s32 $0xFFFEC780  }
.LBB2_1:
0x22: {  	[tilespmem:s21], [sflag:$0x1] =	stream.linear.gather [hbm4b:s5+s2], $0x2000, $0x38;
	[tilespmem:$0x1B880] =	vst v63  }
0x23: {  	_ = 	snop  }
0x24: {  	[tilespmem:s22], [sflag:$0x3] =	stream.linear.gather [hbm4b:s6+s2], $0x2000, $0x38;
	[tilespmem:$0x1B880] =	vst v63  }
0x25: {  	_ = 	snop  }
0x26: {  	[tilespmem:s23], [sflag:$0x2] =	stream.linear.gather [hbm4b:s17+s2], $0x2000, $0x38;
	[tilespmem:$0x1B880] =	vst v63  }
0x27: {  	_ = 	snop  }
0x28: {  	[tilespmem:s24], [sflag:$0x4] =	stream.linear.gather [hbm4b:s18+s2], $0x2000, $0x38;
	[tilespmem:$0x1B880] =	vst v63  }
0x29: {  	s7 =	rddreg [dreg:$0x4]  }
0x2a: {  	[tilespmem:s2], [sflag:$0x5] =	stream.strided.gather [hbm4b:s7+s25], $0x13880, s26, s25, $0x38;
	[tilespmem:$0x1B880] =	vst v63  }
0x2b: {  	_ =	swait.ge [sflag:s28], $0x13880  }
0x2c: {  	[sflag:s28] =	ssyncset.done $0x0  }
0x2d: {  	s7 =	simm.s32 $0x0;
	[sflag:s28] =	ssyncadd.s32 $0xFFFEC780  }
.LBB2_2:
0x2e: {  	_ =	swait.ge [sflag:s29], $0x2000  }
0x2f: {  	[sflag:s29] =	ssyncset.done $0x0  }
0x30: {  	[sflag:s29] =	ssyncadd.s32 $0xFFFFE000  }
0x31: {  	_ =	swait.ge [sflag:s30], $0x2000  }
0x32: {  	[sflag:s30] =	ssyncset.done $0x0  }
0x33: {  	s8 =	simm.s32 $0x0;
	[sflag:s30] =	ssyncadd.s32 $0xFFFFE000  }
0x34: {  	v6 =	vld [tilespmem:s8+$0x138C0]  }
0x35: {  	v7 =	vld [tilespmem:s8+$0x138B0]  }
0x36: {  	v8 =	vld [tilespmem:s8+$0x138A0]  }
0x37: {  	v9 =	vld [tilespmem:s8+$0x13890]  }
0x38: {  	v10 =	vld [tilespmem:s8+$0x13880]  }
0x39: {  	v11 =	vld [tilespmem:s8+$0x138E0]  }
0x3a: {  	v12 =	vld [tilespmem:s8+$0x138D0]  }
0x3b: {  	v5 =	vmov s7;
	v18 =	vld [tilespmem:s8+$0x138F0]  }
0x3c: {  	v5 =	vand.u32 $0x7, v5  }
0x3d: {  	v5 =	vbroadcast v5, $0x0;
	v14 =	vsub.s32 v6, v0  }
0x3e: {  	v15 =	vsub.s32 v7, v0;
	v8 =	vsub.s32 v8, v0;
	v6 =	vsub.s32 v10, v0  }
0x3f: {  	v13 =	vld [tilespmem:s8+$0x17880];
	v7 =	vsub.s32 v9, v0;
	v22 =	vsub.s32 v12, v0;
	v24 =	vsub.s32 v11, v0  }
0x40: {  	v16 =	vld [tilespmem:s8+$0x17890];
	v18 =	vsub.s32 v18, v0;
	vm3 =	vlt.u32 v6, $0x2710;
	v9 =	vshll.u32 v6, $0x3  }
0x41: {  	v19 =	vld [tilespmem:s8+$0x178A0];
	v10 =	vshll.u32 v7, $0x3;
	vm4 =	vlt.u32 v7, $0x2710;
	v20 =	vor.u32 v5, v9  }
0x42: {  	v6 =	vld [tilespmem:s8+$0x178B0];
	vm5 =	vlt.u32 v8, $0x2710;
	v9 =	vshll.u32 v8, $0x3;
	v21 =	vor.u32 v5, v10  }
0x43: {  	v7 =	vld [tilespmem:s8+$0x178D0];
	vm0 =	vlt.u32 v15, $0x2710;
	v10 =	vshll.u32 v15, $0x3;
	v23 =	vor.u32 v5, v9  }
0x44: {  	v17 =	vshll.u32 v14, $0x3;
	vm1 =	vlt.u32 v14, $0x2710;
	v8 =	vld [tilespmem:s8+$0x178C0];
	v11 =	vor.u32 v5, v10  }
0x45: {  	v25 =	vshll.u32 v22, $0x3;
	vm2 =	vlt.u32 v22, $0x2710;
	v12 =	vor.u32 v5, v17;
	v9 =	vld [tilespmem:s8+$0x178E0]  }
0x46: {  	v15 =	vshll.u32 v24, $0x3;
	v10 =	vld [tilespmem:s8+$0x178F0];
	[tilespmem:v20+s2+$0x0] =	vst.idx.msk vm3, v13;
	v13 =	vor.u32 v5, v25;
	vm3 =	vlt.u32 v24, $0x2710  }
0x47: {  	v17 =	vshll.u32 v18, $0x3;
	v14 =	vor.u32 v5, v15;
	[tilespmem:v21+s2+$0x0] =	vst.idx.msk vm4, v16;
	vm4 =	vlt.u32 v18, $0x2710  }
0x48: {  	s8 =	simm.s32 $0x200;
	v15 =	vor.u32 v5, v17;
	[tilespmem:v23+s2+$0x0] =	vst.idx.msk vm5, v19  }
.LBB2_3:
0x49: {  	p0 =	sne.s32 s8, $0x7E00;
	[tilespmem:v11+s2+$0x0] =	vst.idx.msk vm0, v6;
	s9 =	smov.u32 s8;
	s8 =	sadd.s32 $0x200, s8  }
0x4a: {  	[tilespmem:v12+s2+$0x0] =	vst.idx.msk vm1, v8  }
0x4b: {  	[tilespmem:v13+s2+$0x0] =	vst.idx.msk vm2, v7  }
0x4c: {  	[tilespmem:v14+s2+$0x0] =	vst.idx.msk vm3, v9  }
0x4d: {  	s9 =	sshra.s32 s9, $0x2;
	[tilespmem:v15+s2+$0x0] =	vst.idx.msk vm4, v10  }
0x4e: {  	v6 =	vld [tilespmem:s9+$0x138C0]  }
0x4f: {  	v7 =	vld [tilespmem:s9+$0x138B0]  }
0x50: {  	v8 =	vld [tilespmem:s9+$0x138A0]  }
0x51: {  	v9 =	vld [tilespmem:s9+$0x13890]  }
0x52: {  	v10 =	vld [tilespmem:s9+$0x13880]  }
0x53: {  	v11 =	vld [tilespmem:s9+$0x138E0];
	v12 =	vsub.s32 v6, v0  }
0x54: {  	v13 =	vld [tilespmem:s9+$0x138D0];
	v14 =	vsub.s32 v7, v0;
	v15 =	vshll.u32 v12, $0x3  }
0x55: {  	v16 =	vld [tilespmem:s9+$0x17880];
	v8 =	vsub.s32 v8, v0;
	v17 =	vshll.u32 v14, $0x3  }
0x56: {  	v18 =	vld [tilespmem:s9+$0x17890];
	v7 =	vsub.s32 v9, v0;
	v9 =	vshll.u32 v8, $0x3  }
0x57: {  	v19 =	vld [tilespmem:s9+$0x138F0];
	v6 =	vsub.s32 v10, v0;
	v10 =	vshll.u32 v7, $0x3  }
0x58: {  	v20 =	vld [tilespmem:s9+$0x178A0];
	vm3 =	vlt.u32 v6, $0x2710;
	v21 =	vshll.u32 v6, $0x3;
	v22 =	vsub.s32 v11, v0  }
0x59: {  	vm4 =	vlt.u32 v7, $0x2710;
	v6 =	vld [tilespmem:s9+$0x178B0];
	v21 =	vor.u32 v5, v21;
	v13 =	vsub.s32 v13, v0  }
0x5a: {  	vm5 =	vlt.u32 v8, $0x2710;
	v23 =	vor.u32 v5, v10;
	v7 =	vld [tilespmem:s9+$0x178D0];
	v24 =	vshll.u32 v13, $0x3  }
0x5b: {  	vm0 =	vlt.u32 v14, $0x2710;
	v25 =	vor.u32 v5, v9;
	v14 =	vshll.u32 v22, $0x3;
	v8 =	vld [tilespmem:s9+$0x178C0]  }
.Ltmp2:
0x5c: {  	vm1 =	vlt.u32 v12, $0x2710;
	v11 =	vor.u32 v5, v17;
	v9 =	vld [tilespmem:s9+$0x178E0];
	v17 =	vsub.s32 v19, v0;
	(pc) =	sbr.rel @p0 .LBB2_3-.Ltmp2, $4  }
0x5d: {  	v12 =	vor.u32 v5, v15;
	vm2 =	vlt.u32 v13, $0x2710;
	v10 =	vld [tilespmem:s9+$0x178F0];
	v15 =	vshll.u32 v17, $0x3  }
0x5e: {  	v13 =	vor.u32 v5, v24;
	[tilespmem:v21+s2+$0x0] =	vst.idx.msk vm3, v16;
	vm3 =	vlt.u32 v22, $0x2710  }
0x5f: {  	v14 =	vor.u32 v5, v14;
	[tilespmem:v23+s2+$0x0] =	vst.idx.msk vm4, v18;
	vm4 =	vlt.u32 v17, $0x2710  }
0x60: {  	v15 =	vor.u32 v5, v15;
	[tilespmem:v25+s2+$0x0] =	vst.idx.msk vm5, v20  }
0x61: {  	_ =	sdelay $0x4  }
0x62: {  	[tilespmem:v11+s2+$0x0] =	vst.idx.msk vm0, v6  }
0x63: {  	p0 =	seq.s32 s7, $0x7;
	[tilespmem:v12+s2+$0x0] =	vst.idx.msk vm1, v8  }
0x64: {  	s8 =	sadd.s32 @!p0 s7, s19;
	[tilespmem:v13+s2+$0x0] =	vst.idx.msk vm2, v7  }
0x65: {  	s8 =	sshll.u32 @!p0 s8, $0xB;
	[tilespmem:v14+s2+$0x0] =	vst.idx.msk vm3, v9  }
0x66: {  	s10 =	simm.s32 @!p0 $0x0;
	s11 =	simm.s32 @!p0 $0x13880;
	s9 =	sadd.s32 @!p0 s3, s8;
	[tilespmem:v15+s2+$0x0] =	vst.idx.msk vm4, v10  }
0x67: {  	[tilespmem:s11], [sflag:$0x1] =	stream.linear.gather @!p0 [hbm4b:s9+s10], $0x2000, $0x38;
	[tilespmem:$0x1B880] =	vst v63  }
0x68: {  	s8 =	sadd.s32 @!p0 s4, s8;
	s9 =	simm.s32 @!p0 $0x17880  }
0x69: {  	[tilespmem:s9], [sflag:$0x3] =	stream.linear.gather @!p0 [hbm4b:s8+s10], $0x2000, $0x38;
	[tilespmem:$0x1B880] =	vst v63  }
0x6a: {  	_ =	swait.ge [sflag:s31], $0x2000  }
0x6b: {  	[sflag:s31] =	ssyncset.done $0x0  }
0x6c: {  	[sflag:s31] =	ssyncadd.s32 $0xFFFFE000  }
0x6d: {  	_ =	swait.ge [sflag:s0], $0x2000  }
0x6e: {  	[sflag:s0] =	ssyncset.done $0x0  }
0x6f: {  	s11 =	simm.s32 $0x0;
	[sflag:s0] =	ssyncadd.s32 $0xFFFFE000  }
0x70: {  	v6 =	vld [tilespmem:s11+$0x158C0]  }
0x71: {  	v7 =	vld [tilespmem:s11+$0x158B0]  }
0x72: {  	v8 =	vld [tilespmem:s11+$0x158A0]  }
0x73: {  	v9 =	vld [tilespmem:s11+$0x15890]  }
0x74: {  	v10 =	vld [tilespmem:s11+$0x15880]  }
0x75: {  	v11 =	vld [tilespmem:s11+$0x158E0]  }
0x76: {  	v12 =	vld [tilespmem:s11+$0x158D0]  }
0x77: {  	v18 =	vld [tilespmem:s11+$0x158F0];
	_ =	sdelay $0x1  }
0x78: {  	v14 =	vsub.s32 v6, v0  }
0x79: {  	v15 =	vsub.s32 v7, v0;
	v8 =	vsub.s32 v8, v0;
	v6 =	vsub.s32 v10, v0  }
0x7a: {  	v13 =	vld [tilespmem:s11+$0x19880];
	v7 =	vsub.s32 v9, v0;
	v22 =	vsub.s32 v12, v0;
	v24 =	vsub.s32 v11, v0  }
0x7b: {  	v16 =	vld [tilespmem:s11+$0x19890];
	v18 =	vsub.s32 v18, v0;
	vm3 =	vlt.u32 v6, $0x2710;
	v9 =	vshll.u32 v6, $0x3  }
0x7c: {  	v19 =	vld [tilespmem:s11+$0x198A0];
	v10 =	vshll.u32 v7, $0x3;
	vm4 =	vlt.u32 v7, $0x2710;
	v20 =	vor.u32 v5, v9  }
0x7d: {  	v6 =	vld [tilespmem:s11+$0x198B0];
	vm5 =	vlt.u32 v8, $0x2710;
	v9 =	vshll.u32 v8, $0x3;
	v21 =	vor.u32 v5, v10  }
0x7e: {  	v7 =	vld [tilespmem:s11+$0x198D0];
	vm0 =	vlt.u32 v15, $0x2710;
	v10 =	vshll.u32 v15, $0x3;
	v23 =	vor.u32 v5, v9  }
0x7f: {  	v17 =	vshll.u32 v14, $0x3;
	vm1 =	vlt.u32 v14, $0x2710;
	v8 =	vld [tilespmem:s11+$0x198C0];
	v11 =	vor.u32 v5, v10  }
0x80: {  	v25 =	vshll.u32 v22, $0x3;
	vm2 =	vlt.u32 v22, $0x2710;
	v12 =	vor.u32 v5, v17;
	v9 =	vld [tilespmem:s11+$0x198E0]  }
0x81: {  	v15 =	vshll.u32 v24, $0x3;
	v10 =	vld [tilespmem:s11+$0x198F0];
	[tilespmem:v20+s2+$0x0] =	vst.idx.msk vm3, v13;
	v13 =	vor.u32 v5, v25;
	vm3 =	vlt.u32 v24, $0x2710  }
0x82: {  	v17 =	vshll.u32 v18, $0x3;
	v14 =	vor.u32 v5, v15;
	[tilespmem:v21+s2+$0x0] =	vst.idx.msk vm4, v16;
	vm4 =	vlt.u32 v18, $0x2710  }
0x83: {  	s8 =	simm.s32 $0x200;
	v15 =	vor.u32 v5, v17;
	[tilespmem:v23+s2+$0x0] =	vst.idx.msk vm5, v19  }
.LBB2_5:
0x84: {  	p1 =	sne.s32 s8, $0x7E00;
	[tilespmem:v11+s2+$0x0] =	vst.idx.msk vm0, v6;
	s9 =	smov.u32 s8;
	s8 =	sadd.s32 $0x200, s8  }
0x85: {  	[tilespmem:v12+s2+$0x0] =	vst.idx.msk vm1, v8  }
0x86: {  	[tilespmem:v13+s2+$0x0] =	vst.idx.msk vm2, v7  }
0x87: {  	[tilespmem:v14+s2+$0x0] =	vst.idx.msk vm3, v9  }
0x88: {  	s9 =	sshra.s32 s9, $0x2;
	[tilespmem:v15+s2+$0x0] =	vst.idx.msk vm4, v10  }
0x89: {  	v6 =	vld [tilespmem:s9+$0x158C0]  }
0x8a: {  	v7 =	vld [tilespmem:s9+$0x158B0]  }
0x8b: {  	v8 =	vld [tilespmem:s9+$0x158A0]  }
0x8c: {  	v9 =	vld [tilespmem:s9+$0x15890]  }
0x8d: {  	v10 =	vld [tilespmem:s9+$0x15880]  }
0x8e: {  	v11 =	vld [tilespmem:s9+$0x158E0];
	v12 =	vsub.s32 v6, v0  }
0x8f: {  	v13 =	vld [tilespmem:s9+$0x158D0];
	v14 =	vsub.s32 v7, v0;
	v15 =	vshll.u32 v12, $0x3  }
0x90: {  	v16 =	vld [tilespmem:s9+$0x19880];
	v8 =	vsub.s32 v8, v0;
	v17 =	vshll.u32 v14, $0x3  }
0x91: {  	v18 =	vld [tilespmem:s9+$0x19890];
	v7 =	vsub.s32 v9, v0;
	v9 =	vshll.u32 v8, $0x3  }
0x92: {  	v19 =	vld [tilespmem:s9+$0x158F0];
	v6 =	vsub.s32 v10, v0;
	v10 =	vshll.u32 v7, $0x3  }
0x93: {  	v20 =	vld [tilespmem:s9+$0x198A0];
	vm3 =	vlt.u32 v6, $0x2710;
	v21 =	vshll.u32 v6, $0x3;
	v22 =	vsub.s32 v11, v0  }
0x94: {  	vm4 =	vlt.u32 v7, $0x2710;
	v6 =	vld [tilespmem:s9+$0x198B0];
	v21 =	vor.u32 v5, v21;
	v13 =	vsub.s32 v13, v0  }
0x95: {  	vm5 =	vlt.u32 v8, $0x2710;
	v23 =	vor.u32 v5, v10;
	v7 =	vld [tilespmem:s9+$0x198D0];
	v24 =	vshll.u32 v13, $0x3  }
0x96: {  	vm0 =	vlt.u32 v14, $0x2710;
	v25 =	vor.u32 v5, v9;
	v14 =	vshll.u32 v22, $0x3;
	v8 =	vld [tilespmem:s9+$0x198C0]  }
.Ltmp3:
0x97: {  	vm1 =	vlt.u32 v12, $0x2710;
	v11 =	vor.u32 v5, v17;
	v9 =	vld [tilespmem:s9+$0x198E0];
	v17 =	vsub.s32 v19, v0;
	(pc) =	sbr.rel @p1 .LBB2_5-.Ltmp3, $4  }
0x98: {  	v12 =	vor.u32 v5, v15;
	vm2 =	vlt.u32 v13, $0x2710;
	v10 =	vld [tilespmem:s9+$0x198F0];
	v15 =	vshll.u32 v17, $0x3  }
0x99: {  	v13 =	vor.u32 v5, v24;
	[tilespmem:v21+s2+$0x0] =	vst.idx.msk vm3, v16;
	vm3 =	vlt.u32 v22, $0x2710  }
0x9a: {  	v14 =	vor.u32 v5, v14;
	[tilespmem:v23+s2+$0x0] =	vst.idx.msk vm4, v18;
	vm4 =	vlt.u32 v17, $0x2710  }
0x9b: {  	v15 =	vor.u32 v5, v15;
	[tilespmem:v25+s2+$0x0] =	vst.idx.msk vm5, v20  }
0x9c: {  	_ =	sdelay $0x4  }
.Ltmp4:
0x9d: {  	[tilespmem:v11+s2+$0x0] =	vst.idx.msk vm0, v6;
	(pc) =	sbr.rel @p0 .LBB2_8-.Ltmp4, $4  }
0x9e: {  	[tilespmem:v12+s2+$0x0] =	vst.idx.msk vm1, v8  }
0x9f: {  	[tilespmem:v13+s2+$0x0] =	vst.idx.msk vm2, v7  }
0xa0: {  	[tilespmem:v14+s2+$0x0] =	vst.idx.msk vm3, v9  }
0xa1: {  	[tilespmem:v15+s2+$0x0] =	vst.idx.msk vm4, v10  }
0xa2: {  	s8 =	sadd.s32 s7, s19  }
0xa3: {  	s8 =	sshll.u32 s8, $0xB  }
.Ltmp5:
0xa4: {  	s8 =	sor.u32 $0x400, s8;
	(pc) =	sbr.rel .LBB2_2-.Ltmp5, $4  }
0xa5: {  	s9 =	sadd.s32 s3, s8  }
0xa6: {  	[tilespmem:s23], [sflag:$0x2] =	stream.linear.gather [hbm4b:s9+s2], $0x2000, $0x38;
	[tilespmem:$0x1B880] =	vst v63  }
0xa7: {  	s7 =	sadd.s32 $0x1, s7;
	s8 =	sadd.s32 s4, s8  }
0xa8: {  	[tilespmem:s24], [sflag:$0x4] =	stream.linear.gather [hbm4b:s8+s2], $0x2000, $0x38;
	[tilespmem:$0x1B880] =	vst v63  }
.LBB2_8:
0xa9: {  	s7 =	simm.s32 $0x0  }
0xaa: {  	[tilespmem:s21], [sflag:$0x1] =	stream.linear.gather [hbm4b:s5+s7], $0x2000, $0x38;
	[tilespmem:$0x1B880] =	vst v63  }
0xab: {  	_ = 	snop  }
0xac: {  	[tilespmem:s22], [sflag:$0x3] =	stream.linear.gather [hbm4b:s6+s7], $0x2000, $0x38;
	[tilespmem:$0x1B880] =	vst v63  }
0xad: {  	_ = 	snop  }
0xae: {  	[tilespmem:s23], [sflag:$0x2] =	stream.linear.gather [hbm4b:s17+s7], $0x2000, $0x38;
	[tilespmem:$0x1B880] =	vst v63  }
0xaf: {  	_ = 	snop  }
0xb0: {  	[tilespmem:s24], [sflag:$0x4] =	stream.linear.gather [hbm4b:s18+s7], $0x2000, $0x38;
	[tilespmem:$0x1B880] =	vst v63  }
0xb1: {  	s8 =	rddreg [dreg:$0x5]  }
0xb2: {  	[hbm4b:s8+s25] =	stream.strided.scatter [tilespmem:s7], [sflag:$0x5], $0x13880, s26, s25, $0x38;
	[tilespmem:$0x1B880] =	vst v63  }
0xb3: {  	_ =	swait.ge [sflag:s28], $0x13880  }
0xb4: {  	[sflag:s28] =	ssyncset.done $0x0  }
0xb5: {  	s11 =	rddreg [dreg:$0x6];
	[sflag:s28] =	ssyncadd.s32 $0xFFFEC780  }
0xb6: {  	[tilespmem:s7], [sflag:$0x5] =	stream.strided.gather [hbm4b:s11+s25], $0x13880, s26, s25, $0x38;
	[tilespmem:$0x1B880] =	vst v63  }
0xb7: {  	_ =	swait.ge [sflag:s28], $0x13880  }
0xb8: {  	[sflag:s28] =	ssyncset.done $0x0  }
0xb9: {  	[sflag:s28] =	ssyncadd.s32 $0xFFFEC780  }
.LBB2_9:
0xba: {  	_ =	swait.ge [sflag:s29], $0x2000  }
0xbb: {  	[sflag:s29] =	ssyncset.done $0x0  }
0xbc: {  	[sflag:s29] =	ssyncadd.s32 $0xFFFFE000  }
0xbd: {  	_ =	swait.ge [sflag:s30], $0x2000  }
0xbe: {  	[sflag:s30] =	ssyncset.done $0x0  }
0xbf: {  	s8 =	simm.s32 $0x0;
	[sflag:s30] =	ssyncadd.s32 $0xFFFFE000  }
0xc0: {  	v6 =	vld [tilespmem:s8+$0x138C0]  }
0xc1: {  	v7 =	vld [tilespmem:s8+$0x138B0]  }
0xc2: {  	v8 =	vld [tilespmem:s8+$0x138A0]  }
0xc3: {  	v9 =	vld [tilespmem:s8+$0x13890]  }
0xc4: {  	v10 =	vld [tilespmem:s8+$0x13880]  }
0xc5: {  	v11 =	vld [tilespmem:s8+$0x138E0]  }
0xc6: {  	v12 =	vld [tilespmem:s8+$0x138D0]  }
0xc7: {  	v5 =	vmov s7;
	v18 =	vld [tilespmem:s8+$0x138F0]  }
0xc8: {  	v5 =	vand.u32 $0x7, v5  }
0xc9: {  	v5 =	vbroadcast v5, $0x0;
	v14 =	vsub.s32 v6, v1  }
0xca: {  	v15 =	vsub.s32 v7, v1;
	v8 =	vsub.s32 v8, v1;
	v6 =	vsub.s32 v10, v1  }
0xcb: {  	v13 =	vld [tilespmem:s8+$0x17880];
	v7 =	vsub.s32 v9, v1;
	v22 =	vsub.s32 v12, v1;
	v24 =	vsub.s32 v11, v1  }
0xcc: {  	v16 =	vld [tilespmem:s8+$0x17890];
	v18 =	vsub.s32 v18, v1;
	vm3 =	vlt.u32 v6, $0x2710;
	v9 =	vshll.u32 v6, $0x3  }
0xcd: {  	v19 =	vld [tilespmem:s8+$0x178A0];
	v10 =	vshll.u32 v7, $0x3;
	vm4 =	vlt.u32 v7, $0x2710;
	v20 =	vor.u32 v5, v9  }
0xce: {  	v6 =	vld [tilespmem:s8+$0x178B0];
	vm5 =	vlt.u32 v8, $0x2710;
	v9 =	vshll.u32 v8, $0x3;
	v21 =	vor.u32 v5, v10  }
0xcf: {  	v7 =	vld [tilespmem:s8+$0x178D0];
	vm0 =	vlt.u32 v15, $0x2710;
	v10 =	vshll.u32 v15, $0x3;
	v23 =	vor.u32 v5, v9  }
0xd0: {  	v17 =	vshll.u32 v14, $0x3;
	vm1 =	vlt.u32 v14, $0x2710;
	v8 =	vld [tilespmem:s8+$0x178C0];
	v11 =	vor.u32 v5, v10  }
0xd1: {  	v25 =	vshll.u32 v22, $0x3;
	vm2 =	vlt.u32 v22, $0x2710;
	v12 =	vor.u32 v5, v17;
	v9 =	vld [tilespmem:s8+$0x178E0]  }
0xd2: {  	v15 =	vshll.u32 v24, $0x3;
	v10 =	vld [tilespmem:s8+$0x178F0];
	[tilespmem:v20+s2+$0x0] =	vst.idx.msk vm3, v13;
	v13 =	vor.u32 v5, v25;
	vm3 =	vlt.u32 v24, $0x2710  }
0xd3: {  	v17 =	vshll.u32 v18, $0x3;
	v14 =	vor.u32 v5, v15;
	[tilespmem:v21+s2+$0x0] =	vst.idx.msk vm4, v16;
	vm4 =	vlt.u32 v18, $0x2710  }
0xd4: {  	s8 =	simm.s32 $0x200;
	v15 =	vor.u32 v5, v17;
	[tilespmem:v23+s2+$0x0] =	vst.idx.msk vm5, v19  }
.LBB2_10:
0xd5: {  	p0 =	sne.s32 s8, $0x7E00;
	[tilespmem:v11+s2+$0x0] =	vst.idx.msk vm0, v6;
	s9 =	smov.u32 s8;
	s8 =	sadd.s32 $0x200, s8  }
0xd6: {  	[tilespmem:v12+s2+$0x0] =	vst.idx.msk vm1, v8  }
0xd7: {  	[tilespmem:v13+s2+$0x0] =	vst.idx.msk vm2, v7  }
0xd8: {  	[tilespmem:v14+s2+$0x0] =	vst.idx.msk vm3, v9  }
0xd9: {  	s9 =	sshra.s32 s9, $0x2;
	[tilespmem:v15+s2+$0x0] =	vst.idx.msk vm4, v10  }
0xda: {  	v6 =	vld [tilespmem:s9+$0x138C0]  }
0xdb: {  	v7 =	vld [tilespmem:s9+$0x138B0]  }
0xdc: {  	v8 =	vld [tilespmem:s9+$0x138A0]  }
0xdd: {  	v9 =	vld [tilespmem:s9+$0x13890]  }
0xde: {  	v10 =	vld [tilespmem:s9+$0x13880]  }
0xdf: {  	v11 =	vld [tilespmem:s9+$0x138E0];
	v12 =	vsub.s32 v6, v1  }
0xe0: {  	v13 =	vld [tilespmem:s9+$0x138D0];
	v14 =	vsub.s32 v7, v1;
	v15 =	vshll.u32 v12, $0x3  }
0xe1: {  	v16 =	vld [tilespmem:s9+$0x17880];
	v8 =	vsub.s32 v8, v1;
	v17 =	vshll.u32 v14, $0x3  }
0xe2: {  	v18 =	vld [tilespmem:s9+$0x17890];
	v7 =	vsub.s32 v9, v1;
	v9 =	vshll.u32 v8, $0x3  }
0xe3: {  	v19 =	vld [tilespmem:s9+$0x138F0];
	v6 =	vsub.s32 v10, v1;
	v10 =	vshll.u32 v7, $0x3  }
0xe4: {  	v20 =	vld [tilespmem:s9+$0x178A0];
	vm3 =	vlt.u32 v6, $0x2710;
	v21 =	vshll.u32 v6, $0x3;
	v22 =	vsub.s32 v11, v1  }
0xe5: {  	vm4 =	vlt.u32 v7, $0x2710;
	v6 =	vld [tilespmem:s9+$0x178B0];
	v21 =	vor.u32 v5, v21;
	v13 =	vsub.s32 v13, v1  }
0xe6: {  	vm5 =	vlt.u32 v8, $0x2710;
	v23 =	vor.u32 v5, v10;
	v7 =	vld [tilespmem:s9+$0x178D0];
	v24 =	vshll.u32 v13, $0x3  }
0xe7: {  	vm0 =	vlt.u32 v14, $0x2710;
	v25 =	vor.u32 v5, v9;
	v14 =	vshll.u32 v22, $0x3;
	v8 =	vld [tilespmem:s9+$0x178C0]  }
.Ltmp6:
0xe8: {  	vm1 =	vlt.u32 v12, $0x2710;
	v11 =	vor.u32 v5, v17;
	v9 =	vld [tilespmem:s9+$0x178E0];
	v17 =	vsub.s32 v19, v1;
	(pc) =	sbr.rel @p0 .LBB2_10-.Ltmp6, $4  }
0xe9: {  	v12 =	vor.u32 v5, v15;
	vm2 =	vlt.u32 v13, $0x2710;
	v10 =	vld [tilespmem:s9+$0x178F0];
	v15 =	vshll.u32 v17, $0x3  }
0xea: {  	v13 =	vor.u32 v5, v24;
	[tilespmem:v21+s2+$0x0] =	vst.idx.msk vm3, v16;
	vm3 =	vlt.u32 v22, $0x2710  }
0xeb: {  	v14 =	vor.u32 v5, v14;
	[tilespmem:v23+s2+$0x0] =	vst.idx.msk vm4, v18;
	vm4 =	vlt.u32 v17, $0x2710  }
0xec: {  	v15 =	vor.u32 v5, v15;
	[tilespmem:v25+s2+$0x0] =	vst.idx.msk vm5, v20  }
0xed: {  	_ =	sdelay $0x4  }
0xee: {  	[tilespmem:v11+s2+$0x0] =	vst.idx.msk vm0, v6  }
0xef: {  	p0 =	seq.s32 s7, $0x7;
	[tilespmem:v12+s2+$0x0] =	vst.idx.msk vm1, v8  }
0xf0: {  	s8 =	sadd.s32 @!p0 s7, s19;
	[tilespmem:v13+s2+$0x0] =	vst.idx.msk vm2, v7  }
0xf1: {  	s8 =	sshll.u32 @!p0 s8, $0xB;
	[tilespmem:v14+s2+$0x0] =	vst.idx.msk vm3, v9  }
0xf2: {  	s10 =	simm.s32 @!p0 $0x0;
	s11 =	simm.s32 @!p0 $0x13880;
	s9 =	sadd.s32 @!p0 s3, s8;
	[tilespmem:v15+s2+$0x0] =	vst.idx.msk vm4, v10  }
0xf3: {  	[tilespmem:s11], [sflag:$0x1] =	stream.linear.gather @!p0 [hbm4b:s9+s10], $0x2000, $0x38;
	[tilespmem:$0x1B880] =	vst v63  }
0xf4: {  	s8 =	sadd.s32 @!p0 s4, s8;
	s9 =	simm.s32 @!p0 $0x17880  }
0xf5: {  	[tilespmem:s9], [sflag:$0x3] =	stream.linear.gather @!p0 [hbm4b:s8+s10], $0x2000, $0x38;
	[tilespmem:$0x1B880] =	vst v63  }
0xf6: {  	_ =	swait.ge [sflag:s31], $0x2000  }
0xf7: {  	[sflag:s31] =	ssyncset.done $0x0  }
0xf8: {  	[sflag:s31] =	ssyncadd.s32 $0xFFFFE000  }
0xf9: {  	_ =	swait.ge [sflag:s0], $0x2000  }
0xfa: {  	[sflag:s0] =	ssyncset.done $0x0  }
0xfb: {  	s11 =	simm.s32 $0x0;
	[sflag:s0] =	ssyncadd.s32 $0xFFFFE000  }
0xfc: {  	v6 =	vld [tilespmem:s11+$0x158C0]  }
0xfd: {  	v7 =	vld [tilespmem:s11+$0x158B0]  }
0xfe: {  	v8 =	vld [tilespmem:s11+$0x158A0]  }
0xff: {  	v9 =	vld [tilespmem:s11+$0x15890]  }
0x100: {  	v10 =	vld [tilespmem:s11+$0x15880]  }
0x101: {  	v11 =	vld [tilespmem:s11+$0x158E0]  }
0x102: {  	v12 =	vld [tilespmem:s11+$0x158D0]  }
0x103: {  	v18 =	vld [tilespmem:s11+$0x158F0];
	_ =	sdelay $0x1  }
0x104: {  	v14 =	vsub.s32 v6, v1  }
0x105: {  	v15 =	vsub.s32 v7, v1;
	v8 =	vsub.s32 v8, v1;
	v6 =	vsub.s32 v10, v1  }
0x106: {  	v13 =	vld [tilespmem:s11+$0x19880];
	v7 =	vsub.s32 v9, v1;
	v22 =	vsub.s32 v12, v1;
	v24 =	vsub.s32 v11, v1  }
0x107: {  	v16 =	vld [tilespmem:s11+$0x19890];
	v18 =	vsub.s32 v18, v1;
	vm3 =	vlt.u32 v6, $0x2710;
	v9 =	vshll.u32 v6, $0x3  }
0x108: {  	v19 =	vld [tilespmem:s11+$0x198A0];
	v10 =	vshll.u32 v7, $0x3;
	vm4 =	vlt.u32 v7, $0x2710;
	v20 =	vor.u32 v5, v9  }
0x109: {  	v6 =	vld [tilespmem:s11+$0x198B0];
	vm5 =	vlt.u32 v8, $0x2710;
	v9 =	vshll.u32 v8, $0x3;
	v21 =	vor.u32 v5, v10  }
0x10a: {  	v7 =	vld [tilespmem:s11+$0x198D0];
	vm0 =	vlt.u32 v15, $0x2710;
	v10 =	vshll.u32 v15, $0x3;
	v23 =	vor.u32 v5, v9  }
0x10b: {  	v17 =	vshll.u32 v14, $0x3;
	vm1 =	vlt.u32 v14, $0x2710;
	v8 =	vld [tilespmem:s11+$0x198C0];
	v11 =	vor.u32 v5, v10  }
0x10c: {  	v25 =	vshll.u32 v22, $0x3;
	vm2 =	vlt.u32 v22, $0x2710;
	v12 =	vor.u32 v5, v17;
	v9 =	vld [tilespmem:s11+$0x198E0]  }
0x10d: {  	v15 =	vshll.u32 v24, $0x3;
	v10 =	vld [tilespmem:s11+$0x198F0];
	[tilespmem:v20+s2+$0x0] =	vst.idx.msk vm3, v13;
	v13 =	vor.u32 v5, v25;
	vm3 =	vlt.u32 v24, $0x2710  }
0x10e: {  	v17 =	vshll.u32 v18, $0x3;
	v14 =	vor.u32 v5, v15;
	[tilespmem:v21+s2+$0x0] =	vst.idx.msk vm4, v16;
	vm4 =	vlt.u32 v18, $0x2710  }
0x10f: {  	s8 =	simm.s32 $0x200;
	v15 =	vor.u32 v5, v17;
	[tilespmem:v23+s2+$0x0] =	vst.idx.msk vm5, v19  }
.LBB2_12:
0x110: {  	p1 =	sne.s32 s8, $0x7E00;
	[tilespmem:v11+s2+$0x0] =	vst.idx.msk vm0, v6;
	s9 =	smov.u32 s8;
	s8 =	sadd.s32 $0x200, s8  }
0x111: {  	[tilespmem:v12+s2+$0x0] =	vst.idx.msk vm1, v8  }
0x112: {  	[tilespmem:v13+s2+$0x0] =	vst.idx.msk vm2, v7  }
0x113: {  	[tilespmem:v14+s2+$0x0] =	vst.idx.msk vm3, v9  }
0x114: {  	s9 =	sshra.s32 s9, $0x2;
	[tilespmem:v15+s2+$0x0] =	vst.idx.msk vm4, v10  }
0x115: {  	v6 =	vld [tilespmem:s9+$0x158C0]  }
0x116: {  	v7 =	vld [tilespmem:s9+$0x158B0]  }
0x117: {  	v8 =	vld [tilespmem:s9+$0x158A0]  }
0x118: {  	v9 =	vld [tilespmem:s9+$0x15890]  }
0x119: {  	v10 =	vld [tilespmem:s9+$0x15880]  }
0x11a: {  	v11 =	vld [tilespmem:s9+$0x158E0];
	v12 =	vsub.s32 v6, v1  }
0x11b: {  	v13 =	vld [tilespmem:s9+$0x158D0];
	v14 =	vsub.s32 v7, v1;
	v15 =	vshll.u32 v12, $0x3  }
0x11c: {  	v16 =	vld [tilespmem:s9+$0x19880];
	v8 =	vsub.s32 v8, v1;
	v17 =	vshll.u32 v14, $0x3  }
0x11d: {  	v18 =	vld [tilespmem:s9+$0x19890];
	v7 =	vsub.s32 v9, v1;
	v9 =	vshll.u32 v8, $0x3  }
0x11e: {  	v19 =	vld [tilespmem:s9+$0x158F0];
	v6 =	vsub.s32 v10, v1;
	v10 =	vshll.u32 v7, $0x3  }
0x11f: {  	v20 =	vld [tilespmem:s9+$0x198A0];
	vm3 =	vlt.u32 v6, $0x2710;
	v21 =	vshll.u32 v6, $0x3;
	v22 =	vsub.s32 v11, v1  }
0x120: {  	vm4 =	vlt.u32 v7, $0x2710;
	v6 =	vld [tilespmem:s9+$0x198B0];
	v21 =	vor.u32 v5, v21;
	v13 =	vsub.s32 v13, v1  }
0x121: {  	vm5 =	vlt.u32 v8, $0x2710;
	v23 =	vor.u32 v5, v10;
	v7 =	vld [tilespmem:s9+$0x198D0];
	v24 =	vshll.u32 v13, $0x3  }
0x122: {  	vm0 =	vlt.u32 v14, $0x2710;
	v25 =	vor.u32 v5, v9;
	v14 =	vshll.u32 v22, $0x3;
	v8 =	vld [tilespmem:s9+$0x198C0]  }
.Ltmp7:
0x123: {  	vm1 =	vlt.u32 v12, $0x2710;
	v11 =	vor.u32 v5, v17;
	v9 =	vld [tilespmem:s9+$0x198E0];
	v17 =	vsub.s32 v19, v1;
	(pc) =	sbr.rel @p1 .LBB2_12-.Ltmp7, $4  }
0x124: {  	v12 =	vor.u32 v5, v15;
	vm2 =	vlt.u32 v13, $0x2710;
	v10 =	vld [tilespmem:s9+$0x198F0];
	v15 =	vshll.u32 v17, $0x3  }
0x125: {  	v13 =	vor.u32 v5, v24;
	[tilespmem:v21+s2+$0x0] =	vst.idx.msk vm3, v16;
	vm3 =	vlt.u32 v22, $0x2710  }
0x126: {  	v14 =	vor.u32 v5, v14;
	[tilespmem:v23+s2+$0x0] =	vst.idx.msk vm4, v18;
	vm4 =	vlt.u32 v17, $0x2710  }
0x127: {  	v15 =	vor.u32 v5, v15;
	[tilespmem:v25+s2+$0x0] =	vst.idx.msk vm5, v20  }
0x128: {  	_ =	sdelay $0x4  }
.Ltmp8:
0x129: {  	[tilespmem:v11+s2+$0x0] =	vst.idx.msk vm0, v6;
	(pc) =	sbr.rel @p0 .LBB2_15-.Ltmp8, $4  }
0x12a: {  	[tilespmem:v12+s2+$0x0] =	vst.idx.msk vm1, v8  }
0x12b: {  	[tilespmem:v13+s2+$0x0] =	vst.idx.msk vm2, v7  }
0x12c: {  	[tilespmem:v14+s2+$0x0] =	vst.idx.msk vm3, v9  }
0x12d: {  	[tilespmem:v15+s2+$0x0] =	vst.idx.msk vm4, v10  }
0x12e: {  	s8 =	sadd.s32 s7, s19  }
0x12f: {  	s8 =	sshll.u32 s8, $0xB  }
.Ltmp9:
0x130: {  	s8 =	sor.u32 $0x400, s8;
	(pc) =	sbr.rel .LBB2_9-.Ltmp9, $4  }
0x131: {  	s9 =	sadd.s32 s3, s8  }
0x132: {  	[tilespmem:s23], [sflag:$0x2] =	stream.linear.gather [hbm4b:s9+s2], $0x2000, $0x38;
	[tilespmem:$0x1B880] =	vst v63  }
0x133: {  	s7 =	sadd.s32 $0x1, s7;
	s8 =	sadd.s32 s4, s8  }
0x134: {  	[tilespmem:s24], [sflag:$0x4] =	stream.linear.gather [hbm4b:s8+s2], $0x2000, $0x38;
	[tilespmem:$0x1B880] =	vst v63  }
.LBB2_15:
0x135: {  	s7 =	simm.s32 $0x0  }
0x136: {  	[tilespmem:s21], [sflag:$0x1] =	stream.linear.gather [hbm4b:s5+s7], $0x2000, $0x38;
	[tilespmem:$0x1B880] =	vst v63  }
0x137: {  	_ = 	snop  }
0x138: {  	[tilespmem:s22], [sflag:$0x3] =	stream.linear.gather [hbm4b:s6+s7], $0x2000, $0x38;
	[tilespmem:$0x1B880] =	vst v63  }
0x139: {  	_ = 	snop  }
0x13a: {  	[tilespmem:s23], [sflag:$0x2] =	stream.linear.gather [hbm4b:s17+s7], $0x2000, $0x38;
	[tilespmem:$0x1B880] =	vst v63  }
0x13b: {  	_ = 	snop  }
0x13c: {  	[tilespmem:s24], [sflag:$0x4] =	stream.linear.gather [hbm4b:s18+s7], $0x2000, $0x38;
	[tilespmem:$0x1B880] =	vst v63  }
0x13d: {  	s8 =	rddreg [dreg:$0x7]  }
0x13e: {  	[hbm4b:s8+s25] =	stream.strided.scatter [tilespmem:s7], [sflag:$0x5], $0x13880, s26, s25, $0x38;
	[tilespmem:$0x1B880] =	vst v63  }
0x13f: {  	_ =	swait.ge [sflag:s28], $0x13880  }
0x140: {  	[sflag:s28] =	ssyncset.done $0x0  }
0x141: {  	s11 =	rddreg [dreg:$0x8];
	[sflag:s28] =	ssyncadd.s32 $0xFFFEC780  }
0x142: {  	[tilespmem:s7], [sflag:$0x5] =	stream.strided.gather [hbm4b:s11+s25], $0x13880, s26, s25, $0x38;
	[tilespmem:$0x1B880] =	vst v63  }
0x143: {  	_ =	swait.ge [sflag:s28], $0x13880  }
0x144: {  	[sflag:s28] =	ssyncset.done $0x0  }
0x145: {  	[sflag:s28] =	ssyncadd.s32 $0xFFFEC780  }
.LBB2_16:
0x146: {  	_ =	swait.ge [sflag:s29], $0x2000  }
0x147: {  	[sflag:s29] =	ssyncset.done $0x0  }
0x148: {  	[sflag:s29] =	ssyncadd.s32 $0xFFFFE000  }
0x149: {  	_ =	swait.ge [sflag:s30], $0x2000  }
0x14a: {  	[sflag:s30] =	ssyncset.done $0x0  }
0x14b: {  	s8 =	simm.s32 $0x0;
	[sflag:s30] =	ssyncadd.s32 $0xFFFFE000  }
0x14c: {  	v6 =	vld [tilespmem:s8+$0x138C0]  }
0x14d: {  	v7 =	vld [tilespmem:s8+$0x138B0]  }
0x14e: {  	v8 =	vld [tilespmem:s8+$0x138A0]  }
0x14f: {  	v9 =	vld [tilespmem:s8+$0x13890]  }
0x150: {  	v10 =	vld [tilespmem:s8+$0x13880]  }
0x151: {  	v11 =	vld [tilespmem:s8+$0x138E0]  }
0x152: {  	v12 =	vld [tilespmem:s8+$0x138D0]  }
0x153: {  	v5 =	vmov s7;
	v18 =	vld [tilespmem:s8+$0x138F0]  }
0x154: {  	v5 =	vand.u32 $0x7, v5  }
0x155: {  	v5 =	vbroadcast v5, $0x0;
	v14 =	vsub.s32 v6, v2  }
0x156: {  	v15 =	vsub.s32 v7, v2;
	v8 =	vsub.s32 v8, v2;
	v6 =	vsub.s32 v10, v2  }
0x157: {  	v13 =	vld [tilespmem:s8+$0x17880];
	v7 =	vsub.s32 v9, v2;
	v22 =	vsub.s32 v12, v2;
	v24 =	vsub.s32 v11, v2  }
0x158: {  	v16 =	vld [tilespmem:s8+$0x17890];
	v18 =	vsub.s32 v18, v2;
	vm3 =	vlt.u32 v6, $0x2710;
	v9 =	vshll.u32 v6, $0x3  }
0x159: {  	v19 =	vld [tilespmem:s8+$0x178A0];
	v10 =	vshll.u32 v7, $0x3;
	vm4 =	vlt.u32 v7, $0x2710;
	v20 =	vor.u32 v5, v9  }
0x15a: {  	v6 =	vld [tilespmem:s8+$0x178B0];
	vm5 =	vlt.u32 v8, $0x2710;
	v9 =	vshll.u32 v8, $0x3;
	v21 =	vor.u32 v5, v10  }
0x15b: {  	v7 =	vld [tilespmem:s8+$0x178D0];
	vm0 =	vlt.u32 v15, $0x2710;
	v10 =	vshll.u32 v15, $0x3;
	v23 =	vor.u32 v5, v9  }
0x15c: {  	v17 =	vshll.u32 v14, $0x3;
	vm1 =	vlt.u32 v14, $0x2710;
	v8 =	vld [tilespmem:s8+$0x178C0];
	v11 =	vor.u32 v5, v10  }
0x15d: {  	v25 =	vshll.u32 v22, $0x3;
	vm2 =	vlt.u32 v22, $0x2710;
	v12 =	vor.u32 v5, v17;
	v9 =	vld [tilespmem:s8+$0x178E0]  }
0x15e: {  	v15 =	vshll.u32 v24, $0x3;
	v10 =	vld [tilespmem:s8+$0x178F0];
	[tilespmem:v20+s2+$0x0] =	vst.idx.msk vm3, v13;
	v13 =	vor.u32 v5, v25;
	vm3 =	vlt.u32 v24, $0x2710  }
0x15f: {  	v17 =	vshll.u32 v18, $0x3;
	v14 =	vor.u32 v5, v15;
	[tilespmem:v21+s2+$0x0] =	vst.idx.msk vm4, v16;
	vm4 =	vlt.u32 v18, $0x2710  }
0x160: {  	s8 =	simm.s32 $0x200;
	v15 =	vor.u32 v5, v17;
	[tilespmem:v23+s2+$0x0] =	vst.idx.msk vm5, v19  }
.LBB2_17:
0x161: {  	p0 =	sne.s32 s8, $0x7E00;
	[tilespmem:v11+s2+$0x0] =	vst.idx.msk vm0, v6;
	s9 =	smov.u32 s8;
	s8 =	sadd.s32 $0x200, s8  }
0x162: {  	[tilespmem:v12+s2+$0x0] =	vst.idx.msk vm1, v8  }
0x163: {  	[tilespmem:v13+s2+$0x0] =	vst.idx.msk vm2, v7  }
0x164: {  	[tilespmem:v14+s2+$0x0] =	vst.idx.msk vm3, v9  }
0x165: {  	s9 =	sshra.s32 s9, $0x2;
	[tilespmem:v15+s2+$0x0] =	vst.idx.msk vm4, v10  }
0x166: {  	v6 =	vld [tilespmem:s9+$0x138C0]  }
0x167: {  	v7 =	vld [tilespmem:s9+$0x138B0]  }
0x168: {  	v8 =	vld [tilespmem:s9+$0x138A0]  }
0x169: {  	v9 =	vld [tilespmem:s9+$0x13890]  }
0x16a: {  	v10 =	vld [tilespmem:s9+$0x13880]  }
0x16b: {  	v11 =	vld [tilespmem:s9+$0x138E0];
	v12 =	vsub.s32 v6, v2  }
0x16c: {  	v13 =	vld [tilespmem:s9+$0x138D0];
	v14 =	vsub.s32 v7, v2;
	v15 =	vshll.u32 v12, $0x3  }
0x16d: {  	v16 =	vld [tilespmem:s9+$0x17880];
	v8 =	vsub.s32 v8, v2;
	v17 =	vshll.u32 v14, $0x3  }
0x16e: {  	v18 =	vld [tilespmem:s9+$0x17890];
	v7 =	vsub.s32 v9, v2;
	v9 =	vshll.u32 v8, $0x3  }
0x16f: {  	v19 =	vld [tilespmem:s9+$0x138F0];
	v6 =	vsub.s32 v10, v2;
	v10 =	vshll.u32 v7, $0x3  }
0x170: {  	v20 =	vld [tilespmem:s9+$0x178A0];
	vm3 =	vlt.u32 v6, $0x2710;
	v21 =	vshll.u32 v6, $0x3;
	v22 =	vsub.s32 v11, v2  }
0x171: {  	vm4 =	vlt.u32 v7, $0x2710;
	v6 =	vld [tilespmem:s9+$0x178B0];
	v21 =	vor.u32 v5, v21;
	v13 =	vsub.s32 v13, v2  }
0x172: {  	vm5 =	vlt.u32 v8, $0x2710;
	v23 =	vor.u32 v5, v10;
	v7 =	vld [tilespmem:s9+$0x178D0];
	v24 =	vshll.u32 v13, $0x3  }
0x173: {  	vm0 =	vlt.u32 v14, $0x2710;
	v25 =	vor.u32 v5, v9;
	v14 =	vshll.u32 v22, $0x3;
	v8 =	vld [tilespmem:s9+$0x178C0]  }
.Ltmp10:
0x174: {  	vm1 =	vlt.u32 v12, $0x2710;
	v11 =	vor.u32 v5, v17;
	v9 =	vld [tilespmem:s9+$0x178E0];
	v17 =	vsub.s32 v19, v2;
	(pc) =	sbr.rel @p0 .LBB2_17-.Ltmp10, $4  }
0x175: {  	v12 =	vor.u32 v5, v15;
	vm2 =	vlt.u32 v13, $0x2710;
	v10 =	vld [tilespmem:s9+$0x178F0];
	v15 =	vshll.u32 v17, $0x3  }
0x176: {  	v13 =	vor.u32 v5, v24;
	[tilespmem:v21+s2+$0x0] =	vst.idx.msk vm3, v16;
	vm3 =	vlt.u32 v22, $0x2710  }
0x177: {  	v14 =	vor.u32 v5, v14;
	[tilespmem:v23+s2+$0x0] =	vst.idx.msk vm4, v18;
	vm4 =	vlt.u32 v17, $0x2710  }
0x178: {  	v15 =	vor.u32 v5, v15;
	[tilespmem:v25+s2+$0x0] =	vst.idx.msk vm5, v20  }
0x179: {  	_ =	sdelay $0x4  }
0x17a: {  	[tilespmem:v11+s2+$0x0] =	vst.idx.msk vm0, v6  }
0x17b: {  	p0 =	seq.s32 s7, $0x7;
	[tilespmem:v12+s2+$0x0] =	vst.idx.msk vm1, v8  }
0x17c: {  	s8 =	sadd.s32 @!p0 s7, s19;
	[tilespmem:v13+s2+$0x0] =	vst.idx.msk vm2, v7  }
0x17d: {  	s8 =	sshll.u32 @!p0 s8, $0xB;
	[tilespmem:v14+s2+$0x0] =	vst.idx.msk vm3, v9  }
0x17e: {  	s10 =	simm.s32 @!p0 $0x0;
	s11 =	simm.s32 @!p0 $0x13880;
	s9 =	sadd.s32 @!p0 s3, s8;
	[tilespmem:v15+s2+$0x0] =	vst.idx.msk vm4, v10  }
0x17f: {  	[tilespmem:s11], [sflag:$0x1] =	stream.linear.gather @!p0 [hbm4b:s9+s10], $0x2000, $0x38;
	[tilespmem:$0x1B880] =	vst v63  }
0x180: {  	s8 =	sadd.s32 @!p0 s4, s8;
	s9 =	simm.s32 @!p0 $0x17880  }
0x181: {  	[tilespmem:s9], [sflag:$0x3] =	stream.linear.gather @!p0 [hbm4b:s8+s10], $0x2000, $0x38;
	[tilespmem:$0x1B880] =	vst v63  }
0x182: {  	_ =	swait.ge [sflag:s31], $0x2000  }
0x183: {  	[sflag:s31] =	ssyncset.done $0x0  }
0x184: {  	[sflag:s31] =	ssyncadd.s32 $0xFFFFE000  }
0x185: {  	_ =	swait.ge [sflag:s0], $0x2000  }
0x186: {  	[sflag:s0] =	ssyncset.done $0x0  }
0x187: {  	s11 =	simm.s32 $0x0;
	[sflag:s0] =	ssyncadd.s32 $0xFFFFE000  }
0x188: {  	v6 =	vld [tilespmem:s11+$0x158C0]  }
0x189: {  	v7 =	vld [tilespmem:s11+$0x158B0]  }
0x18a: {  	v8 =	vld [tilespmem:s11+$0x158A0]  }
0x18b: {  	v9 =	vld [tilespmem:s11+$0x15890]  }
0x18c: {  	v10 =	vld [tilespmem:s11+$0x15880]  }
0x18d: {  	v11 =	vld [tilespmem:s11+$0x158E0]  }
0x18e: {  	v12 =	vld [tilespmem:s11+$0x158D0]  }
0x18f: {  	v18 =	vld [tilespmem:s11+$0x158F0];
	_ =	sdelay $0x1  }
0x190: {  	v14 =	vsub.s32 v6, v2  }
0x191: {  	v15 =	vsub.s32 v7, v2;
	v8 =	vsub.s32 v8, v2;
	v6 =	vsub.s32 v10, v2  }
0x192: {  	v13 =	vld [tilespmem:s11+$0x19880];
	v7 =	vsub.s32 v9, v2;
	v22 =	vsub.s32 v12, v2;
	v24 =	vsub.s32 v11, v2  }
0x193: {  	v16 =	vld [tilespmem:s11+$0x19890];
	v18 =	vsub.s32 v18, v2;
	vm3 =	vlt.u32 v6, $0x2710;
	v9 =	vshll.u32 v6, $0x3  }
0x194: {  	v19 =	vld [tilespmem:s11+$0x198A0];
	v10 =	vshll.u32 v7, $0x3;
	vm4 =	vlt.u32 v7, $0x2710;
	v20 =	vor.u32 v5, v9  }
0x195: {  	v6 =	vld [tilespmem:s11+$0x198B0];
	vm5 =	vlt.u32 v8, $0x2710;
	v9 =	vshll.u32 v8, $0x3;
	v21 =	vor.u32 v5, v10  }
0x196: {  	v7 =	vld [tilespmem:s11+$0x198D0];
	vm0 =	vlt.u32 v15, $0x2710;
	v10 =	vshll.u32 v15, $0x3;
	v23 =	vor.u32 v5, v9  }
0x197: {  	v17 =	vshll.u32 v14, $0x3;
	vm1 =	vlt.u32 v14, $0x2710;
	v8 =	vld [tilespmem:s11+$0x198C0];
	v11 =	vor.u32 v5, v10  }
0x198: {  	v25 =	vshll.u32 v22, $0x3;
	vm2 =	vlt.u32 v22, $0x2710;
	v12 =	vor.u32 v5, v17;
	v9 =	vld [tilespmem:s11+$0x198E0]  }
0x199: {  	v15 =	vshll.u32 v24, $0x3;
	v10 =	vld [tilespmem:s11+$0x198F0];
	[tilespmem:v20+s2+$0x0] =	vst.idx.msk vm3, v13;
	v13 =	vor.u32 v5, v25;
	vm3 =	vlt.u32 v24, $0x2710  }
0x19a: {  	v17 =	vshll.u32 v18, $0x3;
	v14 =	vor.u32 v5, v15;
	[tilespmem:v21+s2+$0x0] =	vst.idx.msk vm4, v16;
	vm4 =	vlt.u32 v18, $0x2710  }
0x19b: {  	s8 =	simm.s32 $0x200;
	v15 =	vor.u32 v5, v17;
	[tilespmem:v23+s2+$0x0] =	vst.idx.msk vm5, v19  }
.LBB2_19:
0x19c: {  	p1 =	sne.s32 s8, $0x7E00;
	[tilespmem:v11+s2+$0x0] =	vst.idx.msk vm0, v6;
	s9 =	smov.u32 s8;
	s8 =	sadd.s32 $0x200, s8  }
0x19d: {  	[tilespmem:v12+s2+$0x0] =	vst.idx.msk vm1, v8  }
0x19e: {  	[tilespmem:v13+s2+$0x0] =	vst.idx.msk vm2, v7  }
0x19f: {  	[tilespmem:v14+s2+$0x0] =	vst.idx.msk vm3, v9  }
0x1a0: {  	s9 =	sshra.s32 s9, $0x2;
	[tilespmem:v15+s2+$0x0] =	vst.idx.msk vm4, v10  }
0x1a1: {  	v6 =	vld [tilespmem:s9+$0x158C0]  }
0x1a2: {  	v7 =	vld [tilespmem:s9+$0x158B0]  }
0x1a3: {  	v8 =	vld [tilespmem:s9+$0x158A0]  }
0x1a4: {  	v9 =	vld [tilespmem:s9+$0x15890]  }
0x1a5: {  	v10 =	vld [tilespmem:s9+$0x15880]  }
0x1a6: {  	v11 =	vld [tilespmem:s9+$0x158E0];
	v12 =	vsub.s32 v6, v2  }
0x1a7: {  	v13 =	vld [tilespmem:s9+$0x158D0];
	v14 =	vsub.s32 v7, v2;
	v15 =	vshll.u32 v12, $0x3  }
0x1a8: {  	v16 =	vld [tilespmem:s9+$0x19880];
	v8 =	vsub.s32 v8, v2;
	v17 =	vshll.u32 v14, $0x3  }
0x1a9: {  	v18 =	vld [tilespmem:s9+$0x19890];
	v7 =	vsub.s32 v9, v2;
	v9 =	vshll.u32 v8, $0x3  }
0x1aa: {  	v19 =	vld [tilespmem:s9+$0x158F0];
	v6 =	vsub.s32 v10, v2;
	v10 =	vshll.u32 v7, $0x3  }
0x1ab: {  	v20 =	vld [tilespmem:s9+$0x198A0];
	vm3 =	vlt.u32 v6, $0x2710;
	v21 =	vshll.u32 v6, $0x3;
	v22 =	vsub.s32 v11, v2  }
0x1ac: {  	vm4 =	vlt.u32 v7, $0x2710;
	v6 =	vld [tilespmem:s9+$0x198B0];
	v21 =	vor.u32 v5, v21;
	v13 =	vsub.s32 v13, v2  }
0x1ad: {  	vm5 =	vlt.u32 v8, $0x2710;
	v23 =	vor.u32 v5, v10;
	v7 =	vld [tilespmem:s9+$0x198D0];
	v24 =	vshll.u32 v13, $0x3  }
0x1ae: {  	vm0 =	vlt.u32 v14, $0x2710;
	v25 =	vor.u32 v5, v9;
	v14 =	vshll.u32 v22, $0x3;
	v8 =	vld [tilespmem:s9+$0x198C0]  }
.Ltmp11:
0x1af: {  	vm1 =	vlt.u32 v12, $0x2710;
	v11 =	vor.u32 v5, v17;
	v9 =	vld [tilespmem:s9+$0x198E0];
	v17 =	vsub.s32 v19, v2;
	(pc) =	sbr.rel @p1 .LBB2_19-.Ltmp11, $4  }
0x1b0: {  	v12 =	vor.u32 v5, v15;
	vm2 =	vlt.u32 v13, $0x2710;
	v10 =	vld [tilespmem:s9+$0x198F0];
	v15 =	vshll.u32 v17, $0x3  }
0x1b1: {  	v13 =	vor.u32 v5, v24;
	[tilespmem:v21+s2+$0x0] =	vst.idx.msk vm3, v16;
	vm3 =	vlt.u32 v22, $0x2710  }
0x1b2: {  	v14 =	vor.u32 v5, v14;
	[tilespmem:v23+s2+$0x0] =	vst.idx.msk vm4, v18;
	vm4 =	vlt.u32 v17, $0x2710  }
0x1b3: {  	v15 =	vor.u32 v5, v15;
	[tilespmem:v25+s2+$0x0] =	vst.idx.msk vm5, v20  }
0x1b4: {  	_ =	sdelay $0x4  }
.Ltmp12:
0x1b5: {  	[tilespmem:v11+s2+$0x0] =	vst.idx.msk vm0, v6;
	(pc) =	sbr.rel @p0 .LBB2_22-.Ltmp12, $4  }
0x1b6: {  	[tilespmem:v12+s2+$0x0] =	vst.idx.msk vm1, v8  }
0x1b7: {  	[tilespmem:v13+s2+$0x0] =	vst.idx.msk vm2, v7  }
0x1b8: {  	[tilespmem:v14+s2+$0x0] =	vst.idx.msk vm3, v9  }
0x1b9: {  	[tilespmem:v15+s2+$0x0] =	vst.idx.msk vm4, v10  }
0x1ba: {  	s8 =	sadd.s32 s7, s19  }
0x1bb: {  	s8 =	sshll.u32 s8, $0xB  }
.Ltmp13:
0x1bc: {  	s8 =	sor.u32 $0x400, s8;
	(pc) =	sbr.rel .LBB2_16-.Ltmp13, $4  }
0x1bd: {  	s9 =	sadd.s32 s3, s8  }
0x1be: {  	[tilespmem:s23], [sflag:$0x2] =	stream.linear.gather [hbm4b:s9+s2], $0x2000, $0x38;
	[tilespmem:$0x1B880] =	vst v63  }
0x1bf: {  	s7 =	sadd.s32 $0x1, s7;
	s8 =	sadd.s32 s4, s8  }
0x1c0: {  	[tilespmem:s24], [sflag:$0x4] =	stream.linear.gather [hbm4b:s8+s2], $0x2000, $0x38;
	[tilespmem:$0x1B880] =	vst v63  }
.LBB2_22:
0x1c1: {  	s7 =	simm.s32 $0x0  }
0x1c2: {  	[tilespmem:s21], [sflag:$0x1] =	stream.linear.gather [hbm4b:s5+s7], $0x2000, $0x38;
	[tilespmem:$0x1B880] =	vst v63  }
0x1c3: {  	_ = 	snop  }
0x1c4: {  	[tilespmem:s22], [sflag:$0x3] =	stream.linear.gather [hbm4b:s6+s7], $0x2000, $0x38;
	[tilespmem:$0x1B880] =	vst v63  }
0x1c5: {  	_ = 	snop  }
0x1c6: {  	[tilespmem:s23], [sflag:$0x2] =	stream.linear.gather [hbm4b:s17+s7], $0x2000, $0x38;
	[tilespmem:$0x1B880] =	vst v63  }
0x1c7: {  	_ = 	snop  }
0x1c8: {  	[tilespmem:s24], [sflag:$0x4] =	stream.linear.gather [hbm4b:s18+s7], $0x2000, $0x38;
	[tilespmem:$0x1B880] =	vst v63  }
0x1c9: {  	_ = 	snop  }
0x1ca: {  	[hbm4b:s12+s25] =	stream.strided.scatter [tilespmem:s7], [sflag:$0x5], $0x13880, s26, s25, $0x38;
	[tilespmem:$0x1B880] =	vst v63  }
0x1cb: {  	_ =	swait.ge [sflag:s28], $0x13880  }
0x1cc: {  	[sflag:s28] =	ssyncset.done $0x0  }
0x1cd: {  	[sflag:s28] =	ssyncadd.s32 $0xFFFEC780  }
0x1ce: {  	[tilespmem:s7], [sflag:$0x5] =	stream.strided.gather [hbm4b:s13+s25], $0x13880, s26, s25, $0x38;
	[tilespmem:$0x1B880] =	vst v63  }
0x1cf: {  	_ =	swait.ge [sflag:s28], $0x13880  }
0x1d0: {  	[sflag:s28] =	ssyncset.done $0x0  }
0x1d1: {  	[sflag:s28] =	ssyncadd.s32 $0xFFFEC780  }
.LBB2_23:
0x1d2: {  	_ =	swait.ge [sflag:s29], $0x2000  }
0x1d3: {  	[sflag:s29] =	ssyncset.done $0x0  }
0x1d4: {  	[sflag:s29] =	ssyncadd.s32 $0xFFFFE000  }
0x1d5: {  	_ =	swait.ge [sflag:s30], $0x2000  }
0x1d6: {  	[sflag:s30] =	ssyncset.done $0x0  }
0x1d7: {  	s8 =	simm.s32 $0x0;
	[sflag:s30] =	ssyncadd.s32 $0xFFFFE000  }
0x1d8: {  	v6 =	vld [tilespmem:s8+$0x138C0]  }
0x1d9: {  	v7 =	vld [tilespmem:s8+$0x138B0]  }
0x1da: {  	v8 =	vld [tilespmem:s8+$0x138A0]  }
0x1db: {  	v9 =	vld [tilespmem:s8+$0x13890]  }
0x1dc: {  	v10 =	vld [tilespmem:s8+$0x13880]  }
0x1dd: {  	v11 =	vld [tilespmem:s8+$0x138E0]  }
0x1de: {  	v12 =	vld [tilespmem:s8+$0x138D0]  }
0x1df: {  	v5 =	vmov s7;
	v18 =	vld [tilespmem:s8+$0x138F0]  }
0x1e0: {  	v5 =	vand.u32 $0x7, v5  }
0x1e1: {  	v5 =	vbroadcast v5, $0x0;
	v14 =	vsub.s32 v6, v3  }
0x1e2: {  	v15 =	vsub.s32 v7, v3;
	v8 =	vsub.s32 v8, v3;
	v6 =	vsub.s32 v10, v3  }
0x1e3: {  	v13 =	vld [tilespmem:s8+$0x17880];
	v7 =	vsub.s32 v9, v3;
	v22 =	vsub.s32 v12, v3;
	v24 =	vsub.s32 v11, v3  }
0x1e4: {  	v16 =	vld [tilespmem:s8+$0x17890];
	v18 =	vsub.s32 v18, v3;
	vm3 =	vlt.u32 v6, $0x2710;
	v9 =	vshll.u32 v6, $0x3  }
0x1e5: {  	v19 =	vld [tilespmem:s8+$0x178A0];
	v10 =	vshll.u32 v7, $0x3;
	vm4 =	vlt.u32 v7, $0x2710;
	v20 =	vor.u32 v5, v9  }
0x1e6: {  	v6 =	vld [tilespmem:s8+$0x178B0];
	vm5 =	vlt.u32 v8, $0x2710;
	v9 =	vshll.u32 v8, $0x3;
	v21 =	vor.u32 v5, v10  }
0x1e7: {  	v7 =	vld [tilespmem:s8+$0x178D0];
	vm0 =	vlt.u32 v15, $0x2710;
	v10 =	vshll.u32 v15, $0x3;
	v23 =	vor.u32 v5, v9  }
0x1e8: {  	v17 =	vshll.u32 v14, $0x3;
	vm1 =	vlt.u32 v14, $0x2710;
	v8 =	vld [tilespmem:s8+$0x178C0];
	v11 =	vor.u32 v5, v10  }
0x1e9: {  	v25 =	vshll.u32 v22, $0x3;
	vm2 =	vlt.u32 v22, $0x2710;
	v12 =	vor.u32 v5, v17;
	v9 =	vld [tilespmem:s8+$0x178E0]  }
0x1ea: {  	v15 =	vshll.u32 v24, $0x3;
	v10 =	vld [tilespmem:s8+$0x178F0];
	[tilespmem:v20+s2+$0x0] =	vst.idx.msk vm3, v13;
	v13 =	vor.u32 v5, v25;
	vm3 =	vlt.u32 v24, $0x2710  }
0x1eb: {  	v17 =	vshll.u32 v18, $0x3;
	v14 =	vor.u32 v5, v15;
	[tilespmem:v21+s2+$0x0] =	vst.idx.msk vm4, v16;
	vm4 =	vlt.u32 v18, $0x2710  }
0x1ec: {  	s8 =	simm.s32 $0x200;
	v15 =	vor.u32 v5, v17;
	[tilespmem:v23+s2+$0x0] =	vst.idx.msk vm5, v19  }
.LBB2_24:
0x1ed: {  	p0 =	sne.s32 s8, $0x7E00;
	[tilespmem:v11+s2+$0x0] =	vst.idx.msk vm0, v6;
	s9 =	smov.u32 s8;
	s8 =	sadd.s32 $0x200, s8  }
0x1ee: {  	[tilespmem:v12+s2+$0x0] =	vst.idx.msk vm1, v8  }
0x1ef: {  	[tilespmem:v13+s2+$0x0] =	vst.idx.msk vm2, v7  }
0x1f0: {  	[tilespmem:v14+s2+$0x0] =	vst.idx.msk vm3, v9  }
0x1f1: {  	s9 =	sshra.s32 s9, $0x2;
	[tilespmem:v15+s2+$0x0] =	vst.idx.msk vm4, v10  }
0x1f2: {  	v6 =	vld [tilespmem:s9+$0x138C0]  }
0x1f3: {  	v7 =	vld [tilespmem:s9+$0x138B0]  }
0x1f4: {  	v8 =	vld [tilespmem:s9+$0x138A0]  }
0x1f5: {  	v9 =	vld [tilespmem:s9+$0x13890]  }
0x1f6: {  	v10 =	vld [tilespmem:s9+$0x13880]  }
0x1f7: {  	v11 =	vld [tilespmem:s9+$0x138E0];
	v12 =	vsub.s32 v6, v3  }
0x1f8: {  	v13 =	vld [tilespmem:s9+$0x138D0];
	v14 =	vsub.s32 v7, v3;
	v15 =	vshll.u32 v12, $0x3  }
0x1f9: {  	v16 =	vld [tilespmem:s9+$0x17880];
	v8 =	vsub.s32 v8, v3;
	v17 =	vshll.u32 v14, $0x3  }
0x1fa: {  	v18 =	vld [tilespmem:s9+$0x17890];
	v7 =	vsub.s32 v9, v3;
	v9 =	vshll.u32 v8, $0x3  }
0x1fb: {  	v19 =	vld [tilespmem:s9+$0x138F0];
	v6 =	vsub.s32 v10, v3;
	v10 =	vshll.u32 v7, $0x3  }
0x1fc: {  	v20 =	vld [tilespmem:s9+$0x178A0];
	vm3 =	vlt.u32 v6, $0x2710;
	v21 =	vshll.u32 v6, $0x3;
	v22 =	vsub.s32 v11, v3  }
0x1fd: {  	vm4 =	vlt.u32 v7, $0x2710;
	v6 =	vld [tilespmem:s9+$0x178B0];
	v21 =	vor.u32 v5, v21;
	v13 =	vsub.s32 v13, v3  }
0x1fe: {  	vm5 =	vlt.u32 v8, $0x2710;
	v23 =	vor.u32 v5, v10;
	v7 =	vld [tilespmem:s9+$0x178D0];
	v24 =	vshll.u32 v13, $0x3  }
0x1ff: {  	vm0 =	vlt.u32 v14, $0x2710;
	v25 =	vor.u32 v5, v9;
	v14 =	vshll.u32 v22, $0x3;
	v8 =	vld [tilespmem:s9+$0x178C0]  }
.Ltmp14:
0x200: {  	vm1 =	vlt.u32 v12, $0x2710;
	v11 =	vor.u32 v5, v17;
	v9 =	vld [tilespmem:s9+$0x178E0];
	v17 =	vsub.s32 v19, v3;
	(pc) =	sbr.rel @p0 .LBB2_24-.Ltmp14, $4  }
0x201: {  	v12 =	vor.u32 v5, v15;
	vm2 =	vlt.u32 v13, $0x2710;
	v10 =	vld [tilespmem:s9+$0x178F0];
	v15 =	vshll.u32 v17, $0x3  }
0x202: {  	v13 =	vor.u32 v5, v24;
	[tilespmem:v21+s2+$0x0] =	vst.idx.msk vm3, v16;
	vm3 =	vlt.u32 v22, $0x2710  }
0x203: {  	v14 =	vor.u32 v5, v14;
	[tilespmem:v23+s2+$0x0] =	vst.idx.msk vm4, v18;
	vm4 =	vlt.u32 v17, $0x2710  }
0x204: {  	v15 =	vor.u32 v5, v15;
	[tilespmem:v25+s2+$0x0] =	vst.idx.msk vm5, v20  }
0x205: {  	_ =	sdelay $0x4  }
0x206: {  	[tilespmem:v11+s2+$0x0] =	vst.idx.msk vm0, v6  }
0x207: {  	p0 =	seq.s32 s7, $0x7;
	[tilespmem:v12+s2+$0x0] =	vst.idx.msk vm1, v8  }
0x208: {  	s8 =	sadd.s32 @!p0 s7, s19;
	[tilespmem:v13+s2+$0x0] =	vst.idx.msk vm2, v7  }
0x209: {  	s8 =	sshll.u32 @!p0 s8, $0xB;
	[tilespmem:v14+s2+$0x0] =	vst.idx.msk vm3, v9  }
0x20a: {  	s10 =	simm.s32 @!p0 $0x0;
	s11 =	simm.s32 @!p0 $0x13880;
	s9 =	sadd.s32 @!p0 s3, s8;
	[tilespmem:v15+s2+$0x0] =	vst.idx.msk vm4, v10  }
0x20b: {  	[tilespmem:s11], [sflag:$0x1] =	stream.linear.gather @!p0 [hbm4b:s9+s10], $0x2000, $0x38;
	[tilespmem:$0x1B880] =	vst v63  }
0x20c: {  	s8 =	sadd.s32 @!p0 s4, s8;
	s9 =	simm.s32 @!p0 $0x17880  }
0x20d: {  	[tilespmem:s9], [sflag:$0x3] =	stream.linear.gather @!p0 [hbm4b:s8+s10], $0x2000, $0x38;
	[tilespmem:$0x1B880] =	vst v63  }
0x20e: {  	_ =	swait.ge [sflag:s31], $0x2000  }
0x20f: {  	[sflag:s31] =	ssyncset.done $0x0  }
0x210: {  	[sflag:s31] =	ssyncadd.s32 $0xFFFFE000  }
0x211: {  	_ =	swait.ge [sflag:s0], $0x2000  }
0x212: {  	[sflag:s0] =	ssyncset.done $0x0  }
0x213: {  	s11 =	simm.s32 $0x0;
	[sflag:s0] =	ssyncadd.s32 $0xFFFFE000  }
0x214: {  	v6 =	vld [tilespmem:s11+$0x158C0]  }
0x215: {  	v7 =	vld [tilespmem:s11+$0x158B0]  }
0x216: {  	v8 =	vld [tilespmem:s11+$0x158A0]  }
0x217: {  	v9 =	vld [tilespmem:s11+$0x15890]  }
0x218: {  	v10 =	vld [tilespmem:s11+$0x15880]  }
0x219: {  	v11 =	vld [tilespmem:s11+$0x158E0]  }
0x21a: {  	v12 =	vld [tilespmem:s11+$0x158D0]  }
0x21b: {  	v18 =	vld [tilespmem:s11+$0x158F0];
	_ =	sdelay $0x1  }
0x21c: {  	v14 =	vsub.s32 v6, v3  }
0x21d: {  	v15 =	vsub.s32 v7, v3;
	v8 =	vsub.s32 v8, v3;
	v6 =	vsub.s32 v10, v3  }
0x21e: {  	v13 =	vld [tilespmem:s11+$0x19880];
	v7 =	vsub.s32 v9, v3;
	v22 =	vsub.s32 v12, v3;
	v24 =	vsub.s32 v11, v3  }
0x21f: {  	v16 =	vld [tilespmem:s11+$0x19890];
	v18 =	vsub.s32 v18, v3;
	vm3 =	vlt.u32 v6, $0x2710;
	v9 =	vshll.u32 v6, $0x3  }
0x220: {  	v19 =	vld [tilespmem:s11+$0x198A0];
	v10 =	vshll.u32 v7, $0x3;
	vm4 =	vlt.u32 v7, $0x2710;
	v20 =	vor.u32 v5, v9  }
0x221: {  	v6 =	vld [tilespmem:s11+$0x198B0];
	vm5 =	vlt.u32 v8, $0x2710;
	v9 =	vshll.u32 v8, $0x3;
	v21 =	vor.u32 v5, v10  }
0x222: {  	v7 =	vld [tilespmem:s11+$0x198D0];
	vm0 =	vlt.u32 v15, $0x2710;
	v10 =	vshll.u32 v15, $0x3;
	v23 =	vor.u32 v5, v9  }
0x223: {  	v17 =	vshll.u32 v14, $0x3;
	vm1 =	vlt.u32 v14, $0x2710;
	v8 =	vld [tilespmem:s11+$0x198C0];
	v11 =	vor.u32 v5, v10  }
0x224: {  	v25 =	vshll.u32 v22, $0x3;
	vm2 =	vlt.u32 v22, $0x2710;
	v12 =	vor.u32 v5, v17;
	v9 =	vld [tilespmem:s11+$0x198E0]  }
0x225: {  	v15 =	vshll.u32 v24, $0x3;
	v10 =	vld [tilespmem:s11+$0x198F0];
	[tilespmem:v20+s2+$0x0] =	vst.idx.msk vm3, v13;
	v13 =	vor.u32 v5, v25;
	vm3 =	vlt.u32 v24, $0x2710  }
0x226: {  	v17 =	vshll.u32 v18, $0x3;
	v14 =	vor.u32 v5, v15;
	[tilespmem:v21+s2+$0x0] =	vst.idx.msk vm4, v16;
	vm4 =	vlt.u32 v18, $0x2710  }
0x227: {  	s8 =	simm.s32 $0x200;
	v15 =	vor.u32 v5, v17;
	[tilespmem:v23+s2+$0x0] =	vst.idx.msk vm5, v19  }
.LBB2_26:
0x228: {  	p1 =	sne.s32 s8, $0x7E00;
	[tilespmem:v11+s2+$0x0] =	vst.idx.msk vm0, v6;
	s9 =	smov.u32 s8;
	s8 =	sadd.s32 $0x200, s8  }
0x229: {  	[tilespmem:v12+s2+$0x0] =	vst.idx.msk vm1, v8  }
0x22a: {  	[tilespmem:v13+s2+$0x0] =	vst.idx.msk vm2, v7  }
0x22b: {  	[tilespmem:v14+s2+$0x0] =	vst.idx.msk vm3, v9  }
0x22c: {  	s9 =	sshra.s32 s9, $0x2;
	[tilespmem:v15+s2+$0x0] =	vst.idx.msk vm4, v10  }
0x22d: {  	v6 =	vld [tilespmem:s9+$0x158C0]  }
0x22e: {  	v7 =	vld [tilespmem:s9+$0x158B0]  }
0x22f: {  	v8 =	vld [tilespmem:s9+$0x158A0]  }
0x230: {  	v9 =	vld [tilespmem:s9+$0x15890]  }
0x231: {  	v10 =	vld [tilespmem:s9+$0x15880]  }
0x232: {  	v11 =	vld [tilespmem:s9+$0x158E0];
	v12 =	vsub.s32 v6, v3  }
0x233: {  	v13 =	vld [tilespmem:s9+$0x158D0];
	v14 =	vsub.s32 v7, v3;
	v15 =	vshll.u32 v12, $0x3  }
0x234: {  	v16 =	vld [tilespmem:s9+$0x19880];
	v8 =	vsub.s32 v8, v3;
	v17 =	vshll.u32 v14, $0x3  }
0x235: {  	v18 =	vld [tilespmem:s9+$0x19890];
	v7 =	vsub.s32 v9, v3;
	v9 =	vshll.u32 v8, $0x3  }
0x236: {  	v19 =	vld [tilespmem:s9+$0x158F0];
	v6 =	vsub.s32 v10, v3;
	v10 =	vshll.u32 v7, $0x3  }
0x237: {  	v20 =	vld [tilespmem:s9+$0x198A0];
	vm3 =	vlt.u32 v6, $0x2710;
	v21 =	vshll.u32 v6, $0x3;
	v22 =	vsub.s32 v11, v3  }
0x238: {  	vm4 =	vlt.u32 v7, $0x2710;
	v6 =	vld [tilespmem:s9+$0x198B0];
	v21 =	vor.u32 v5, v21;
	v13 =	vsub.s32 v13, v3  }
0x239: {  	vm5 =	vlt.u32 v8, $0x2710;
	v23 =	vor.u32 v5, v10;
	v7 =	vld [tilespmem:s9+$0x198D0];
	v24 =	vshll.u32 v13, $0x3  }
0x23a: {  	vm0 =	vlt.u32 v14, $0x2710;
	v25 =	vor.u32 v5, v9;
	v14 =	vshll.u32 v22, $0x3;
	v8 =	vld [tilespmem:s9+$0x198C0]  }
.Ltmp15:
0x23b: {  	vm1 =	vlt.u32 v12, $0x2710;
	v11 =	vor.u32 v5, v17;
	v9 =	vld [tilespmem:s9+$0x198E0];
	v17 =	vsub.s32 v19, v3;
	(pc) =	sbr.rel @p1 .LBB2_26-.Ltmp15, $4  }
0x23c: {  	v12 =	vor.u32 v5, v15;
	vm2 =	vlt.u32 v13, $0x2710;
	v10 =	vld [tilespmem:s9+$0x198F0];
	v15 =	vshll.u32 v17, $0x3  }
0x23d: {  	v13 =	vor.u32 v5, v24;
	[tilespmem:v21+s2+$0x0] =	vst.idx.msk vm3, v16;
	vm3 =	vlt.u32 v22, $0x2710  }
0x23e: {  	v14 =	vor.u32 v5, v14;
	[tilespmem:v23+s2+$0x0] =	vst.idx.msk vm4, v18;
	vm4 =	vlt.u32 v17, $0x2710  }
0x23f: {  	v15 =	vor.u32 v5, v15;
	[tilespmem:v25+s2+$0x0] =	vst.idx.msk vm5, v20  }
0x240: {  	_ =	sdelay $0x4  }
.Ltmp16:
0x241: {  	[tilespmem:v11+s2+$0x0] =	vst.idx.msk vm0, v6;
	(pc) =	sbr.rel @p0 .LBB2_29-.Ltmp16, $4  }
0x242: {  	[tilespmem:v12+s2+$0x0] =	vst.idx.msk vm1, v8  }
0x243: {  	[tilespmem:v13+s2+$0x0] =	vst.idx.msk vm2, v7  }
0x244: {  	[tilespmem:v14+s2+$0x0] =	vst.idx.msk vm3, v9  }
0x245: {  	[tilespmem:v15+s2+$0x0] =	vst.idx.msk vm4, v10  }
0x246: {  	s8 =	sadd.s32 s7, s19  }
0x247: {  	s8 =	sshll.u32 s8, $0xB  }
.Ltmp17:
0x248: {  	s8 =	sor.u32 $0x400, s8;
	(pc) =	sbr.rel .LBB2_23-.Ltmp17, $4  }
0x249: {  	s9 =	sadd.s32 s3, s8  }
0x24a: {  	[tilespmem:s23], [sflag:$0x2] =	stream.linear.gather [hbm4b:s9+s2], $0x2000, $0x38;
	[tilespmem:$0x1B880] =	vst v63  }
0x24b: {  	s7 =	sadd.s32 $0x1, s7;
	s8 =	sadd.s32 s4, s8  }
0x24c: {  	[tilespmem:s24], [sflag:$0x4] =	stream.linear.gather [hbm4b:s8+s2], $0x2000, $0x38;
	[tilespmem:$0x1B880] =	vst v63  }
.LBB2_29:
0x24d: {  	s7 =	simm.s32 $0x0  }
0x24e: {  	[tilespmem:s21], [sflag:$0x1] =	stream.linear.gather [hbm4b:s5+s7], $0x2000, $0x38;
	[tilespmem:$0x1B880] =	vst v63  }
0x24f: {  	_ = 	snop  }
0x250: {  	[tilespmem:s22], [sflag:$0x3] =	stream.linear.gather [hbm4b:s6+s7], $0x2000, $0x38;
	[tilespmem:$0x1B880] =	vst v63  }
0x251: {  	_ = 	snop  }
0x252: {  	[tilespmem:s23], [sflag:$0x2] =	stream.linear.gather [hbm4b:s17+s7], $0x2000, $0x38;
	[tilespmem:$0x1B880] =	vst v63  }
0x253: {  	_ = 	snop  }
0x254: {  	[tilespmem:s24], [sflag:$0x4] =	stream.linear.gather [hbm4b:s18+s7], $0x2000, $0x38;
	[tilespmem:$0x1B880] =	vst v63  }
0x255: {  	_ = 	snop  }
0x256: {  	[hbm4b:s14+s25] =	stream.strided.scatter [tilespmem:s7], [sflag:$0x5], $0x13880, s26, s25, $0x38;
	[tilespmem:$0x1B880] =	vst v63  }
0x257: {  	_ =	swait.ge [sflag:s28], $0x13880  }
0x258: {  	[sflag:s28] =	ssyncset.done $0x0  }
0x259: {  	[sflag:s28] =	ssyncadd.s32 $0xFFFEC780  }
0x25a: {  	[tilespmem:s7], [sflag:$0x5] =	stream.strided.gather [hbm4b:s15+s25], $0x13880, s26, s25, $0x38;
	[tilespmem:$0x1B880] =	vst v63  }
0x25b: {  	_ =	swait.ge [sflag:s28], $0x13880  }
0x25c: {  	[sflag:s28] =	ssyncset.done $0x0  }
0x25d: {  	[sflag:s28] =	ssyncadd.s32 $0xFFFEC780  }
.LBB2_30:
0x25e: {  	_ =	swait.ge [sflag:s29], $0x2000  }
0x25f: {  	[sflag:s29] =	ssyncset.done $0x0  }
0x260: {  	[sflag:s29] =	ssyncadd.s32 $0xFFFFE000  }
0x261: {  	_ =	swait.ge [sflag:s30], $0x2000  }
0x262: {  	[sflag:s30] =	ssyncset.done $0x0  }
0x263: {  	s8 =	simm.s32 $0x0;
	[sflag:s30] =	ssyncadd.s32 $0xFFFFE000  }
0x264: {  	v6 =	vld [tilespmem:s8+$0x138C0]  }
0x265: {  	v7 =	vld [tilespmem:s8+$0x138B0]  }
0x266: {  	v8 =	vld [tilespmem:s8+$0x138A0]  }
0x267: {  	v9 =	vld [tilespmem:s8+$0x13890]  }
0x268: {  	v10 =	vld [tilespmem:s8+$0x13880]  }
0x269: {  	v11 =	vld [tilespmem:s8+$0x138E0]  }
0x26a: {  	v12 =	vld [tilespmem:s8+$0x138D0]  }
0x26b: {  	v5 =	vmov s7;
	v18 =	vld [tilespmem:s8+$0x138F0]  }
0x26c: {  	v5 =	vand.u32 $0x7, v5  }
0x26d: {  	v5 =	vbroadcast v5, $0x0;
	v14 =	vsub.s32 v6, v4  }
0x26e: {  	v15 =	vsub.s32 v7, v4;
	v8 =	vsub.s32 v8, v4;
	v6 =	vsub.s32 v10, v4  }
0x26f: {  	v13 =	vld [tilespmem:s8+$0x17880];
	v7 =	vsub.s32 v9, v4;
	v22 =	vsub.s32 v12, v4;
	v24 =	vsub.s32 v11, v4  }
0x270: {  	v16 =	vld [tilespmem:s8+$0x17890];
	v18 =	vsub.s32 v18, v4;
	vm3 =	vlt.u32 v6, $0x2710;
	v9 =	vshll.u32 v6, $0x3  }
0x271: {  	v19 =	vld [tilespmem:s8+$0x178A0];
	v10 =	vshll.u32 v7, $0x3;
	vm4 =	vlt.u32 v7, $0x2710;
	v20 =	vor.u32 v5, v9  }
0x272: {  	v6 =	vld [tilespmem:s8+$0x178B0];
	vm5 =	vlt.u32 v8, $0x2710;
	v9 =	vshll.u32 v8, $0x3;
	v21 =	vor.u32 v5, v10  }
0x273: {  	v7 =	vld [tilespmem:s8+$0x178D0];
	vm0 =	vlt.u32 v15, $0x2710;
	v10 =	vshll.u32 v15, $0x3;
	v23 =	vor.u32 v5, v9  }
0x274: {  	v17 =	vshll.u32 v14, $0x3;
	vm1 =	vlt.u32 v14, $0x2710;
	v8 =	vld [tilespmem:s8+$0x178C0];
	v11 =	vor.u32 v5, v10  }
0x275: {  	v25 =	vshll.u32 v22, $0x3;
	vm2 =	vlt.u32 v22, $0x2710;
	v12 =	vor.u32 v5, v17;
	v9 =	vld [tilespmem:s8+$0x178E0]  }
0x276: {  	v15 =	vshll.u32 v24, $0x3;
	v10 =	vld [tilespmem:s8+$0x178F0];
	[tilespmem:v20+s2+$0x0] =	vst.idx.msk vm3, v13;
	v13 =	vor.u32 v5, v25;
	vm3 =	vlt.u32 v24, $0x2710  }
0x277: {  	v17 =	vshll.u32 v18, $0x3;
	v14 =	vor.u32 v5, v15;
	[tilespmem:v21+s2+$0x0] =	vst.idx.msk vm4, v16;
	vm4 =	vlt.u32 v18, $0x2710  }
0x278: {  	s8 =	simm.s32 $0x200;
	v15 =	vor.u32 v5, v17;
	[tilespmem:v23+s2+$0x0] =	vst.idx.msk vm5, v19  }
.LBB2_31:
0x279: {  	p0 =	sne.s32 s8, $0x7E00;
	[tilespmem:v11+s2+$0x0] =	vst.idx.msk vm0, v6;
	s9 =	smov.u32 s8;
	s8 =	sadd.s32 $0x200, s8  }
0x27a: {  	[tilespmem:v12+s2+$0x0] =	vst.idx.msk vm1, v8  }
0x27b: {  	[tilespmem:v13+s2+$0x0] =	vst.idx.msk vm2, v7  }
0x27c: {  	[tilespmem:v14+s2+$0x0] =	vst.idx.msk vm3, v9  }
0x27d: {  	s9 =	sshra.s32 s9, $0x2;
	[tilespmem:v15+s2+$0x0] =	vst.idx.msk vm4, v10  }
0x27e: {  	v6 =	vld [tilespmem:s9+$0x138C0]  }
0x27f: {  	v7 =	vld [tilespmem:s9+$0x138B0]  }
0x280: {  	v8 =	vld [tilespmem:s9+$0x138A0]  }
0x281: {  	v9 =	vld [tilespmem:s9+$0x13890]  }
0x282: {  	v10 =	vld [tilespmem:s9+$0x13880]  }
0x283: {  	v11 =	vld [tilespmem:s9+$0x138E0];
	v12 =	vsub.s32 v6, v4  }
0x284: {  	v13 =	vld [tilespmem:s9+$0x138D0];
	v14 =	vsub.s32 v7, v4;
	v15 =	vshll.u32 v12, $0x3  }
0x285: {  	v16 =	vld [tilespmem:s9+$0x17880];
	v8 =	vsub.s32 v8, v4;
	v17 =	vshll.u32 v14, $0x3  }
0x286: {  	v18 =	vld [tilespmem:s9+$0x17890];
	v7 =	vsub.s32 v9, v4;
	v9 =	vshll.u32 v8, $0x3  }
0x287: {  	v19 =	vld [tilespmem:s9+$0x138F0];
	v6 =	vsub.s32 v10, v4;
	v10 =	vshll.u32 v7, $0x3  }
0x288: {  	v20 =	vld [tilespmem:s9+$0x178A0];
	vm3 =	vlt.u32 v6, $0x2710;
	v21 =	vshll.u32 v6, $0x3;
	v22 =	vsub.s32 v11, v4  }
0x289: {  	vm4 =	vlt.u32 v7, $0x2710;
	v6 =	vld [tilespmem:s9+$0x178B0];
	v21 =	vor.u32 v5, v21;
	v13 =	vsub.s32 v13, v4  }
0x28a: {  	vm5 =	vlt.u32 v8, $0x2710;
	v23 =	vor.u32 v5, v10;
	v7 =	vld [tilespmem:s9+$0x178D0];
	v24 =	vshll.u32 v13, $0x3  }
0x28b: {  	vm0 =	vlt.u32 v14, $0x2710;
	v25 =	vor.u32 v5, v9;
	v14 =	vshll.u32 v22, $0x3;
	v8 =	vld [tilespmem:s9+$0x178C0]  }
.Ltmp18:
0x28c: {  	vm1 =	vlt.u32 v12, $0x2710;
	v11 =	vor.u32 v5, v17;
	v9 =	vld [tilespmem:s9+$0x178E0];
	v17 =	vsub.s32 v19, v4;
	(pc) =	sbr.rel @p0 .LBB2_31-.Ltmp18, $4  }
0x28d: {  	v12 =	vor.u32 v5, v15;
	vm2 =	vlt.u32 v13, $0x2710;
	v10 =	vld [tilespmem:s9+$0x178F0];
	v15 =	vshll.u32 v17, $0x3  }
0x28e: {  	v13 =	vor.u32 v5, v24;
	[tilespmem:v21+s2+$0x0] =	vst.idx.msk vm3, v16;
	vm3 =	vlt.u32 v22, $0x2710  }
0x28f: {  	v14 =	vor.u32 v5, v14;
	[tilespmem:v23+s2+$0x0] =	vst.idx.msk vm4, v18;
	vm4 =	vlt.u32 v17, $0x2710  }
0x290: {  	v15 =	vor.u32 v5, v15;
	[tilespmem:v25+s2+$0x0] =	vst.idx.msk vm5, v20  }
0x291: {  	_ =	sdelay $0x4  }
0x292: {  	[tilespmem:v11+s2+$0x0] =	vst.idx.msk vm0, v6  }
0x293: {  	p0 =	seq.s32 s7, $0x7;
	[tilespmem:v12+s2+$0x0] =	vst.idx.msk vm1, v8  }
0x294: {  	s8 =	sadd.s32 @!p0 s7, s19;
	[tilespmem:v13+s2+$0x0] =	vst.idx.msk vm2, v7  }
0x295: {  	s8 =	sshll.u32 @!p0 s8, $0xB;
	[tilespmem:v14+s2+$0x0] =	vst.idx.msk vm3, v9  }
0x296: {  	s10 =	simm.s32 @!p0 $0x0;
	s11 =	simm.s32 @!p0 $0x13880;
	s9 =	sadd.s32 @!p0 s3, s8;
	[tilespmem:v15+s2+$0x0] =	vst.idx.msk vm4, v10  }
0x297: {  	[tilespmem:s11], [sflag:$0x1] =	stream.linear.gather @!p0 [hbm4b:s9+s10], $0x2000, $0x38;
	[tilespmem:$0x1B880] =	vst v63  }
0x298: {  	s8 =	sadd.s32 @!p0 s4, s8;
	s9 =	simm.s32 @!p0 $0x17880  }
0x299: {  	[tilespmem:s9], [sflag:$0x3] =	stream.linear.gather @!p0 [hbm4b:s8+s10], $0x2000, $0x38;
	[tilespmem:$0x1B880] =	vst v63  }
0x29a: {  	_ =	swait.ge [sflag:s31], $0x2000  }
0x29b: {  	[sflag:s31] =	ssyncset.done $0x0  }
0x29c: {  	[sflag:s31] =	ssyncadd.s32 $0xFFFFE000  }
0x29d: {  	_ =	swait.ge [sflag:s0], $0x2000  }
0x29e: {  	[sflag:s0] =	ssyncset.done $0x0  }
0x29f: {  	s11 =	simm.s32 $0x0;
	[sflag:s0] =	ssyncadd.s32 $0xFFFFE000  }
0x2a0: {  	v6 =	vld [tilespmem:s11+$0x158C0]  }
0x2a1: {  	v7 =	vld [tilespmem:s11+$0x158B0]  }
0x2a2: {  	v8 =	vld [tilespmem:s11+$0x158A0]  }
0x2a3: {  	v9 =	vld [tilespmem:s11+$0x15890]  }
0x2a4: {  	v10 =	vld [tilespmem:s11+$0x15880]  }
0x2a5: {  	v11 =	vld [tilespmem:s11+$0x158E0]  }
0x2a6: {  	v12 =	vld [tilespmem:s11+$0x158D0]  }
0x2a7: {  	v18 =	vld [tilespmem:s11+$0x158F0];
	_ =	sdelay $0x1  }
0x2a8: {  	v14 =	vsub.s32 v6, v4  }
0x2a9: {  	v15 =	vsub.s32 v7, v4;
	v8 =	vsub.s32 v8, v4;
	v6 =	vsub.s32 v10, v4  }
0x2aa: {  	v13 =	vld [tilespmem:s11+$0x19880];
	v7 =	vsub.s32 v9, v4;
	v22 =	vsub.s32 v12, v4;
	v24 =	vsub.s32 v11, v4  }
0x2ab: {  	v16 =	vld [tilespmem:s11+$0x19890];
	v18 =	vsub.s32 v18, v4;
	vm3 =	vlt.u32 v6, $0x2710;
	v9 =	vshll.u32 v6, $0x3  }
0x2ac: {  	v19 =	vld [tilespmem:s11+$0x198A0];
	v10 =	vshll.u32 v7, $0x3;
	vm4 =	vlt.u32 v7, $0x2710;
	v20 =	vor.u32 v5, v9  }
0x2ad: {  	v6 =	vld [tilespmem:s11+$0x198B0];
	vm5 =	vlt.u32 v8, $0x2710;
	v9 =	vshll.u32 v8, $0x3;
	v21 =	vor.u32 v5, v10  }
0x2ae: {  	v7 =	vld [tilespmem:s11+$0x198D0];
	vm0 =	vlt.u32 v15, $0x2710;
	v10 =	vshll.u32 v15, $0x3;
	v23 =	vor.u32 v5, v9  }
0x2af: {  	v17 =	vshll.u32 v14, $0x3;
	vm1 =	vlt.u32 v14, $0x2710;
	v8 =	vld [tilespmem:s11+$0x198C0];
	v11 =	vor.u32 v5, v10  }
0x2b0: {  	v25 =	vshll.u32 v22, $0x3;
	vm2 =	vlt.u32 v22, $0x2710;
	v12 =	vor.u32 v5, v17;
	v9 =	vld [tilespmem:s11+$0x198E0]  }
0x2b1: {  	v15 =	vshll.u32 v24, $0x3;
	v10 =	vld [tilespmem:s11+$0x198F0];
	[tilespmem:v20+s2+$0x0] =	vst.idx.msk vm3, v13;
	v13 =	vor.u32 v5, v25;
	vm3 =	vlt.u32 v24, $0x2710  }
0x2b2: {  	v17 =	vshll.u32 v18, $0x3;
	v14 =	vor.u32 v5, v15;
	[tilespmem:v21+s2+$0x0] =	vst.idx.msk vm4, v16;
	vm4 =	vlt.u32 v18, $0x2710  }
0x2b3: {  	s8 =	simm.s32 $0x200;
	v15 =	vor.u32 v5, v17;
	[tilespmem:v23+s2+$0x0] =	vst.idx.msk vm5, v19  }
.LBB2_33:
0x2b4: {  	p1 =	sne.s32 s8, $0x7E00;
	[tilespmem:v11+s2+$0x0] =	vst.idx.msk vm0, v6;
	s9 =	smov.u32 s8;
	s8 =	sadd.s32 $0x200, s8  }
0x2b5: {  	[tilespmem:v12+s2+$0x0] =	vst.idx.msk vm1, v8  }
0x2b6: {  	[tilespmem:v13+s2+$0x0] =	vst.idx.msk vm2, v7  }
0x2b7: {  	[tilespmem:v14+s2+$0x0] =	vst.idx.msk vm3, v9  }
0x2b8: {  	s9 =	sshra.s32 s9, $0x2;
	[tilespmem:v15+s2+$0x0] =	vst.idx.msk vm4, v10  }
0x2b9: {  	v6 =	vld [tilespmem:s9+$0x158C0]  }
0x2ba: {  	v7 =	vld [tilespmem:s9+$0x158B0]  }
0x2bb: {  	v8 =	vld [tilespmem:s9+$0x158A0]  }
0x2bc: {  	v9 =	vld [tilespmem:s9+$0x15890]  }
0x2bd: {  	v10 =	vld [tilespmem:s9+$0x15880]  }
0x2be: {  	v11 =	vld [tilespmem:s9+$0x158E0];
	v12 =	vsub.s32 v6, v4  }
0x2bf: {  	v13 =	vld [tilespmem:s9+$0x158D0];
	v14 =	vsub.s32 v7, v4;
	v15 =	vshll.u32 v12, $0x3  }
0x2c0: {  	v16 =	vld [tilespmem:s9+$0x19880];
	v8 =	vsub.s32 v8, v4;
	v17 =	vshll.u32 v14, $0x3  }
0x2c1: {  	v18 =	vld [tilespmem:s9+$0x19890];
	v7 =	vsub.s32 v9, v4;
	v9 =	vshll.u32 v8, $0x3  }
0x2c2: {  	v19 =	vld [tilespmem:s9+$0x158F0];
	v6 =	vsub.s32 v10, v4;
	v10 =	vshll.u32 v7, $0x3  }
0x2c3: {  	v20 =	vld [tilespmem:s9+$0x198A0];
	vm3 =	vlt.u32 v6, $0x2710;
	v21 =	vshll.u32 v6, $0x3;
	v22 =	vsub.s32 v11, v4  }
0x2c4: {  	vm4 =	vlt.u32 v7, $0x2710;
	v6 =	vld [tilespmem:s9+$0x198B0];
	v21 =	vor.u32 v5, v21;
	v13 =	vsub.s32 v13, v4  }
0x2c5: {  	vm5 =	vlt.u32 v8, $0x2710;
	v23 =	vor.u32 v5, v10;
	v7 =	vld [tilespmem:s9+$0x198D0];
	v24 =	vshll.u32 v13, $0x3  }
0x2c6: {  	vm0 =	vlt.u32 v14, $0x2710;
	v25 =	vor.u32 v5, v9;
	v14 =	vshll.u32 v22, $0x3;
	v8 =	vld [tilespmem:s9+$0x198C0]  }
.Ltmp19:
0x2c7: {  	vm1 =	vlt.u32 v12, $0x2710;
	v11 =	vor.u32 v5, v17;
	v9 =	vld [tilespmem:s9+$0x198E0];
	v17 =	vsub.s32 v19, v4;
	(pc) =	sbr.rel @p1 .LBB2_33-.Ltmp19, $4  }
0x2c8: {  	v12 =	vor.u32 v5, v15;
	vm2 =	vlt.u32 v13, $0x2710;
	v10 =	vld [tilespmem:s9+$0x198F0];
	v15 =	vshll.u32 v17, $0x3  }
0x2c9: {  	v13 =	vor.u32 v5, v24;
	[tilespmem:v21+s2+$0x0] =	vst.idx.msk vm3, v16;
	vm3 =	vlt.u32 v22, $0x2710  }
0x2ca: {  	v14 =	vor.u32 v5, v14;
	[tilespmem:v23+s2+$0x0] =	vst.idx.msk vm4, v18;
	vm4 =	vlt.u32 v17, $0x2710  }
0x2cb: {  	v15 =	vor.u32 v5, v15;
	[tilespmem:v25+s2+$0x0] =	vst.idx.msk vm5, v20  }
0x2cc: {  	_ =	sdelay $0x4  }
.Ltmp20:
0x2cd: {  	[tilespmem:v11+s2+$0x0] =	vst.idx.msk vm0, v6;
	(pc) =	sbr.rel @p0 .LBB2_36-.Ltmp20, $4  }
0x2ce: {  	[tilespmem:v12+s2+$0x0] =	vst.idx.msk vm1, v8  }
0x2cf: {  	[tilespmem:v13+s2+$0x0] =	vst.idx.msk vm2, v7  }
0x2d0: {  	[tilespmem:v14+s2+$0x0] =	vst.idx.msk vm3, v9  }
0x2d1: {  	[tilespmem:v15+s2+$0x0] =	vst.idx.msk vm4, v10  }
0x2d2: {  	s8 =	sadd.s32 s7, s19  }
0x2d3: {  	s8 =	sshll.u32 s8, $0xB  }
.Ltmp21:
0x2d4: {  	s8 =	sor.u32 $0x400, s8;
	(pc) =	sbr.rel .LBB2_30-.Ltmp21, $4  }
0x2d5: {  	s9 =	sadd.s32 s3, s8  }
0x2d6: {  	[tilespmem:s23], [sflag:$0x2] =	stream.linear.gather [hbm4b:s9+s2], $0x2000, $0x38;
	[tilespmem:$0x1B880] =	vst v63  }
0x2d7: {  	s7 =	sadd.s32 $0x1, s7;
	s8 =	sadd.s32 s4, s8  }
0x2d8: {  	[tilespmem:s24], [sflag:$0x4] =	stream.linear.gather [hbm4b:s8+s2], $0x2000, $0x38;
	[tilespmem:$0x1B880] =	vst v63  }
.LBB2_37:
0x2d9: {  	_ =	sfence.sel $0x180000  }
0x2da: {  	[bflag:$0x0] =	sbarrier.arrive $0xFFFF  }
0x2db: {  	_ =	strace $0x90000047  }
0x2dc: {  	s0 =	stileid.u32;
	[bflag:$0x2] =	sbarrier.arrive $0xFFFF  }
0x2dd: {  	p0 =	sne.s32 s0, $0x0;
	s0 =	rddreg [dreg:$0x3]  }
0x2de: {  	s0 =	sadd.s32 @!p0 $0x100000, s0  }
0x2df: {  	[sflag:s0] =	ssyncadd.tile.s32 @!p0 $0x1;
	_ =	shalt  }
.Lfunc_end2:
_tile_overlayer_lowered:
.L_overlay_start_2:
0x2e0: {  	(tag) =	ssettag $0x2  }
0x2e1: {  	s0 =	rddreg [dreg:$0x0];
	s2 =	stileid.u32  }
0x2e2: {  	s1 =	rddreg [dreg:$0x1];
	p0 =	sne.s32 s2, $0x0  }
0x2e3: {  	s3 =	rddreg [dreg:$0x2];
	[bflag:$0x3] =	sbarrier.arrive $0xFFFF;
	s2 =	simm.s32 @!p0 $0x1C05  }
0x2e4: {  	[timem:s3], [sflag:s2] =	dma.local @!p0 [hbm:s0], s1  }
0x2e5: {  	s0 =	simm.s32 @!p0 $0x5  }
0x2e6: {  	_ =	swait.ge @!p0 [sflag:s0], s1  }
0x2e7: {  	s1 =	ssub.s32 @!p0 $0x0, s1;
	[sflag:s0] =	ssyncset.done @!p0 $0x0  }
0x2e8: {  	[sflag:s0] =	ssyncadd.s32 @!p0 s1  }
0x2e9: {  	[bflag:$0x3] =	sbarrier.arrive $0xFFFF  }
0x2ea: {  	_ =	shalt  }

</sc_bundles>
